<compile_context>
chip_gen: v7x
topology: tpu7x:2x2x1
jax: 0.10.2.dev20260603
libtpu: 0.0.44.dev20260713+nightly
codegen_flags: <defaults>
</compile_context>

<pallas_src>
import functools

import jax
import jax.numpy as jnp
from jax import lax
from jax.experimental import pallas as pl
from jax.experimental.pallas import tpu as pltpu
from jax.experimental.pallas import tpu_sc as plsc

B = 4096
D_IN = 128
OUT_DIM = 100000
TOPK = 128
N_PAD = 100352
K_PAD = 256
BM = 256
BN = 512
CS = 32
NCHUNK = N_PAD // CS
NW = 32
ROWS_PER_W = B // NW
CAP = 256


def _mm_kernel(x_ref, w_ref, o_ref, mt_ref):
    acc = jax.lax.dot_general(
        x_ref[...], w_ref[...], (((1,), (1,)), ((), ())),
        preferred_element_type=jnp.float32)
    for c in range(BN // 128):
        o_ref[c] = acc[:, c * 128:(c + 1) * 128]
    acc_t = jax.lax.dot_general(
        w_ref[...], x_ref[...], (((1,), (1,)), ((), ())),
        preferred_element_type=jnp.float32)
    mt_ref[...] = jnp.max(acc_t.reshape(BN // CS, CS, BM), axis=1)


def _scores_and_maxima(xa, Wa):
    grid = (N_PAD // BN, B // BM)
    return pl.pallas_call(
        _mm_kernel,
        grid=grid,
        in_specs=[
            pl.BlockSpec((BM, K_PAD), lambda j, i: (i, 0)),
            pl.BlockSpec((BN, K_PAD), lambda j, i: (j, 0)),
        ],
        out_specs=[
            pl.BlockSpec((BN // 128, BM, 128), lambda j, i: (j, i, 0)),
            pl.BlockSpec((BN // CS, BM), lambda j, i: (j, i)),
        ],
        out_shape=[
            jax.ShapeDtypeStruct((N_PAD // 128, B, 128), jnp.float32),
            jax.ShapeDtypeStruct((NCHUNK, B), jnp.float32),
        ],
    )(xa, Wa)


_RB = 512


def _tau_kernel(mt_ref, tau_ref, mrm_ref):
    m = mt_ref[...].T
    mrm_ref[...] = m
    bits = jax.lax.bitcast_convert_type(m, jnp.uint32)
    u = jnp.where(bits >= jnp.uint32(0x80000000),
                  ~bits, bits | jnp.uint32(0x80000000))
    t = jnp.zeros((_RB, 1), jnp.uint32)
    for bit in range(31, 7, -1):
        tt = t | jnp.uint32(1 << bit)
        cnt = jnp.sum((u >= tt).astype(jnp.int32), axis=1, keepdims=True)
        t = jnp.where(cnt >= TOPK, tt, t)
    t = jnp.where(t >= jnp.uint32(0x100), t - jnp.uint32(0x100),
                  jnp.uint32(0))
    fb = jnp.where(t >= jnp.uint32(0x80000000),
                   t & jnp.uint32(0x7FFFFFFF), ~t)
    tau_ref[...] = jax.lax.bitcast_convert_type(fb, jnp.float32)


def _tau(MT):
    return pl.pallas_call(
        _tau_kernel,
        grid=(B // _RB,),
        in_specs=[pl.BlockSpec((NCHUNK, _RB), lambda i: (0, i))],
        out_specs=[
            pl.BlockSpec((_RB, 1), lambda i: (i, 0)),
            pl.BlockSpec((_RB, NCHUNK), lambda i: (i, 0)),
        ],
        out_shape=[
            jax.ShapeDtypeStruct((B, 1), jnp.float32),
            jax.ShapeDtypeStruct((B, NCHUNK), jnp.float32),
        ],
    )(MT)


def _ce_desc(ka, va, kb, vb):
    ge = ka >= kb
    return (jnp.where(ge, ka, kb), jnp.where(ge, va, vb),
            jnp.where(ge, kb, ka), jnp.where(ge, vb, va))


def _sort256_desc(keys, vals):
    for i in range(16):
        keys[i], vals[i] = plsc.sort_key_val(keys[i], vals[i],
                                             descending=True)
    m = 1
    while m < 16:
        for lo in range(0, 16, 2 * m):
            seg = list(range(lo + m, lo + 2 * m))
            rk = [lax.rev(keys[i], (0,)) for i in reversed(seg)]
            rv = [lax.rev(vals[i], (0,)) for i in reversed(seg)]
            for n, i in enumerate(seg):
                keys[i], vals[i] = rk[n], rv[n]
            d = m
            while d >= 1:
                for i in range(lo, lo + 2 * m):
                    if (i - lo) % (2 * d) < d:
                        keys[i], vals[i], keys[i + d], vals[i + d] = _ce_desc(
                            keys[i], vals[i], keys[i + d], vals[i + d])
                d //= 2
            for i in range(lo, lo + 2 * m):
                keys[i], vals[i] = plsc.sort_key_val(keys[i], vals[i],
                                                     descending=True)
        m *= 2
    return keys, vals


MAXCH = 160


def _take16(v, idx):
    dn = lax.GatherDimensionNumbers(
        offset_dims=(), collapsed_slice_dims=(0,), start_index_map=(0,))
    return lax.gather(v, idx[:, None], dn, (1,),
                      mode=lax.GatherScatterMode.PROMISE_IN_BOUNDS)


def _sc_topk_body(scores_hbm, m_hbm, tau_hbm, out_hbm,
                  m_row, tau_blk, gidx_s, gidx, gidx2, colbase, gathered,
                  li_buf, out_row, sem):
    cc = lax.axis_index("c")
    ss = lax.axis_index("s")
    wid = ss * 2 + cc
    row0 = wid * ROWS_PER_W
    pltpu.sync_copy(tau_hbm.at[pl.ds(row0, ROWS_PER_W)], tau_blk)
    iota = lax.iota(jnp.int32, 16)
    zeros16 = jnp.zeros((16,), jnp.int32)
    neg_inf = jnp.full((16,), -jnp.inf, jnp.float32)

    def row_body(rr, _):
        r = row0 + rr
        pltpu.sync_copy(m_hbm.at[r], m_row)
        tau_vec = plsc.load_gather(tau_blk, [zeros16 + rr])

        pad_gidx = zeros16 + (((NCHUNK - 1) >> 2) * (4 * B) + r * 4 + 3)
        for k in range(MAXCH // 16 - 8):
            gidx_s[pl.ds(128 + k * 16, 16)] = pad_gidx
            colbase[pl.ds(128 + k * 16, 16)] = (NCHUNK - 1) * CS + zeros16

        def cid_body(ci, off):
            m16 = m_row[pl.ds(ci * 16, 16)]
            msk = jnp.logical_and(m16 >= tau_vec, (zeros16 + off) < MAXCH)
            cid = ci * 16 + iota
            gi = (cid >> 2) * (4 * B) + (cid & 3) + r * 4
            plsc.store_compressed(gidx_s.at[pl.ds(off, 16)], gi, mask=msk)
            plsc.store_compressed(colbase.at[pl.ds(off, 16)],
                                  cid * CS, mask=msk)
            return off + plsc.all_reduce_population_count(msk)[0]

        nch = lax.fori_loop(0, NCHUNK // 16, cid_body, 0)
        for k in range(8):
            gidx[pl.ds(k * 16, 16)] = gidx_s[pl.ds(k * 16, 16)]
        for k in range(MAXCH // 16 - 8):
            gidx2[pl.ds(k * 16, 16)] = gidx_s[pl.ds(128 + k * 16, 16)]

        pltpu.async_copy(scores_hbm.at[gidx],
                         gathered.at[pl.ds(0, 128)], sem).wait()

        @pl.when(nch > 128)
        def _():
            pltpu.async_copy(scores_hbm.at[gidx2],
                             gathered.at[pl.ds(128, MAXCH - 128)],
                             sem).wait()

        def scan_g(g, off):
            base = g * CS
            for k in range(CS // 16):
                sv = gathered[g, pl.ds(k * 16, 16)]
                msk = jnp.logical_and(sv >= tau_vec, (zeros16 + off) < CAP)
                liv = base + (k * 16) + iota
                plsc.store_compressed(li_buf.at[pl.ds(off, 16)], liv,
                                      mask=msk)
                off = off + plsc.all_reduce_population_count(msk)[0]
            return off

        noff = lax.fori_loop(0, jnp.minimum(nch, MAXCH), scan_g, 0)

        keys, vals = [], []
        for i in range(16):
            pos = i * 16 + iota
            valid = pos < (zeros16 + noff)
            li = jnp.where(valid, li_buf[pl.ds(i * 16, 16)], 0)
            g = li >> 5
            col = li & 31
            sc = plsc.load_gather(gathered, [g, col])
            cb = plsc.load_gather(colbase, [g])
            keys.append(jnp.where(valid, sc, neg_inf))
            vals.append(jnp.where(valid, cb + col, zeros16))
        keys, vals = _sort256_desc(keys, vals)

        shf = (iota + 1) & 15
        shb = (iota - 1) & 15
        is15 = iota == 15
        is0 = iota == 0
        pos_inf = jnp.full((16,), jnp.inf, jnp.float32)
        for i in range(8):
            kc, vc = keys[i], vals[i]
            kn = jnp.where(is15, _take16(keys[i + 1], zeros16),
                           _take16(kc, shf))
            vn = jnp.where(is15, _take16(vals[i + 1], zeros16),
                           _take16(vc, shf))
            if i == 0:
                kp, vp = pos_inf, zeros16
            else:
                kp = jnp.where(is0, _take16(keys[i - 1], zeros16 + 15),
                               _take16(kc, shb))
                vp = jnp.where(is0, _take16(vals[i - 1], zeros16 + 15),
                               _take16(vc, shb))
            fwd = jnp.logical_and(kc == kn, vc > vn)
            bwd = jnp.logical_and(kc == kp, vp > vc)
            out_row[pl.ds(i * 16, 16)] = jnp.where(
                bwd, vp, jnp.where(fwd, vn, vc))
        pltpu.sync_copy(out_row, out_hbm.at[r])
        return 0

    lax.fori_loop(0, ROWS_PER_W, row_body, 0)


def _sc_topk(scores2d, M, tau):
    mesh = plsc.VectorSubcoreMesh(core_axis_name="c", subcore_axis_name="s")
    f = functools.partial(
        pl.kernel,
        mesh=mesh,
        compiler_params=pltpu.CompilerParams(needs_layout_passes=False,
                                             use_tc_tiling_on_sc=False),
        out_type=jax.ShapeDtypeStruct((B, TOPK), jnp.int32),
        scratch_types=[
            pltpu.VMEM((NCHUNK,), jnp.float32),
            pltpu.VMEM((ROWS_PER_W,), jnp.float32),
            pltpu.VMEM((MAXCH + 16,), jnp.int32),
            pltpu.VMEM((128,), jnp.int32),
            pltpu.VMEM((MAXCH - 128,), jnp.int32),
            pltpu.VMEM((MAXCH + 16,), jnp.int32),
            pltpu.VMEM((MAXCH, CS), jnp.float32),
            pltpu.VMEM((CAP + 16,), jnp.int32),
            pltpu.VMEM((TOPK,), jnp.int32),
            pltpu.SemaphoreType.DMA,
        ],
    )(_sc_topk_body)
    return f(scores2d, M, tau)


def kernel(x, W, b):
    ones = jnp.ones((B, 1), dtype=x.dtype)
    xa = jnp.concatenate(
        [x, ones, jnp.zeros((B, K_PAD - D_IN - 1), x.dtype)], axis=-1)
    Wa = jnp.concatenate(
        [W, b[:, None], jnp.zeros((OUT_DIM, K_PAD - D_IN - 1), W.dtype)],
        axis=-1)
    Wa = jnp.pad(Wa, ((0, N_PAD - OUT_DIM), (0, 0)))
    neg = jnp.full((N_PAD - OUT_DIM,), -jnp.inf, W.dtype)
    Wa = Wa.at[OUT_DIM:, D_IN].set(neg)
    s, MT = _scores_and_maxima(xa, Wa)
    tau, Mrm = _tau(MT)
    I = _sc_topk(s.reshape(NCHUNK * B, CS), Mrm, tau.reshape(B))
    return I.astype(jnp.int64)

# --- scband reference (transcript-rebuilt; emitter-appended) ---
"""Pipeline reference for scband-approx-linear-38946763440484 (READ-ONLY COPY).

The authoritative reference and input builder live on the scoring server;
editing this copy changes nothing except your own understanding.
"""

import jax, jax.numpy as jnp
import numpy as np

B = 4096
D_IN = 128
OUT_DIM = 100000
TOPK = 128

def setup_inputs(seed: int = 0) -> dict:
    key = jax.random.key(seed)
    k1, k2, k3 = jax.random.split(key, 3)
    x = jax.random.normal(k1, (B, D_IN), dtype=jnp.float32)
    # learned params of the wrapped nn.Linear (with bias)
    W = jax.random.normal(k2, (OUT_DIM, D_IN), dtype=jnp.float32) * 0.02
    b = jax.random.normal(k3, (OUT_DIM,), dtype=jnp.float32) * 0.02
    return {"x": x, "W": W, "b": b}

def reference(x, W, b):
    # Faithful to ApproxLinear.forward with has_bias=True, dense=False.
    # faiss IVF/Flat inner-product search over rows of [W | b] against [x | 1];
    # the exact-math equivalent is a full inner-product top-k.
    bs = x.shape[0]
    ones = jnp.ones((bs, 1), dtype=x.dtype)
    x_aug = jnp.concatenate([x, ones], axis=-1)          # [B, D_IN+1]
    W_aug = jnp.concatenate([W, b[:, None]], axis=-1)     # [OUT_DIM, D_IN+1]
    scores = x_aug @ W_aug.T                              # [B, OUT_DIM] inner products
    D, I = jax.lax.top_k(scores, TOPK)                    # faiss METRIC_INNER_PRODUCT search
    return I.astype(jnp.int64)                            # module returns self.I[:bs]

if __name__ == "__main__":
    import jax
    _d = setup_inputs()
    print(jax.jit(kernel)(*tuple(_d.values())))

</pallas_src>

<mosaic_0001>
#map = affine_map<(d0, d1) -> (0, 0)>
#map1 = affine_map<(d0, d1) -> (0)>
module attributes {stable_mosaic.version = 14 : i64} {
  func.func @_sc_topk_body(%arg0: i32, %arg1: i32, %arg2: memref<12845056x32xf32, #tpu.memory_space<hbm>>, %arg3: memref<4096x3136xf32, #tpu.memory_space<hbm>>, %arg4: memref<4096xf32, #tpu.memory_space<hbm>>, %arg5: memref<4096x128xi32, #tpu.memory_space<hbm>>, %arg6: memref<3136xf32, #tpu.memory_space<vmem>>, %arg7: memref<128xf32, #tpu.memory_space<vmem>>, %arg8: memref<176xi32, #tpu.memory_space<vmem>>, %arg9: memref<128xi32, #tpu.memory_space<vmem>>, %arg10: memref<32xi32, #tpu.memory_space<vmem>>, %arg11: memref<176xi32, #tpu.memory_space<vmem>>, %arg12: memref<160x32xf32, #tpu.memory_space<vmem>>, %arg13: memref<272xi32, #tpu.memory_space<vmem>>, %arg14: memref<128xi32, #tpu.memory_space<vmem>>, %arg15: memref<!tpu.dma_semaphore, #tpu.memory_space<semaphore_mem>>) attributes {dimension_semantics = [#tpu.dimension_semantics<core_parallel>, #tpu.dimension_semantics<subcore_parallel>], iteration_bounds = array<i64: 2, 16>, scalar_prefetch = 0 : i64, scratch_operands = 10 : i64, tpu.core_type = #tpu.core_type<sc_vector_subcore>, window_params = [{transform_indices = #map}, {transform_indices = #map}, {transform_indices = #map1}, {transform_indices = #map}]} {
    %mul3A = arith.constant 2 : i32
    %mul3A_0 = arith.muli %arg1, %mul3A : i32
    %add3A = arith.addi %mul3A_0, %arg0 : i32
    %mul3A_1 = arith.constant 128 : i32
    %mul3A_2 = arith.muli %add3A, %mul3A_1 : i32
    "tpu.region"() ({
      %run_scoped3A = tpu.sem_alloc : memref<!tpu.dma_semaphore, #tpu.memory_space<semaphore_mem>>
      %dma_start3A = tpu.memref_slice %arg4[%mul3A_2] : memref<4096xf32, #tpu.memory_space<hbm>> -> memref<128xf32, #tpu.memory_space<hbm>>
      %dma_start3A_12 = tpu.memref_slice %arg4[%mul3A_2] : memref<4096xf32, #tpu.memory_space<hbm>> -> memref<128xf32, #tpu.memory_space<hbm>>
      tpu.enqueue_dma source(%dma_start3A_12 : memref<128xf32, #tpu.memory_space<hbm>>) target(%arg7 : memref<128xf32, #tpu.memory_space<vmem>>) target_semaphore(%run_scoped3A : memref<!tpu.dma_semaphore, #tpu.memory_space<semaphore_mem>>)
      %dma_wait3A = tpu.memref_slice %arg4[%mul3A_2] : memref<4096xf32, #tpu.memory_space<hbm>> -> memref<128xf32, #tpu.memory_space<hbm>>
      %dma_wait3A_13 = tpu.memref_slice %arg4[%mul3A_2] : memref<4096xf32, #tpu.memory_space<hbm>> -> memref<128xf32, #tpu.memory_space<hbm>>
      tpu.wait_dma2 semaphore(%run_scoped3A : memref<!tpu.dma_semaphore, #tpu.memory_space<semaphore_mem>>) src(%dma_wait3A_13 : memref<128xf32, #tpu.memory_space<hbm>>) dst(%arg7 : memref<128xf32, #tpu.memory_space<vmem>>)
      tpu.yield
    }) : () -> ()
    %iota3A = tpu.iota {dimensions = array<i32: 0>} : vector<16xi32>
    %broadcast_in_dim3A = arith.constant 0 : i32
    %broadcast_in_dim3A_3 = vector.broadcast %broadcast_in_dim3A : i32 to vector<16xi32>
    %broadcast_in_dim3A_4 = arith.constant 0xFF800000 : f32
    %broadcast_in_dim3A_5 = vector.broadcast %broadcast_in_dim3A_4 : f32 to vector<16xf32>
    %scan3A = arith.constant 0 : i32
    %scan3A_6 = arith.constant 0 : i32
    %scan3A_7 = arith.constant 128 : i32
    %scan3A_8 = arith.addi %scan3A_6, %scan3A_7 : i32
    %scan3A_9 = arith.constant 1 : i32
    %scan3A_10 = scf.for %scan3A_12 = %scan3A_6 to %scan3A_8 step %scan3A_9 iter_args(%scan3A_13 = %scan3A) -> (i32)  : i32 {
      %add3A_14 = arith.addi %mul3A_2, %scan3A_12 : i32
      "tpu.region"() ({
        %run_scoped3A = tpu.sem_alloc : memref<!tpu.dma_semaphore, #tpu.memory_space<semaphore_mem>>
        %dma_start3A_1843 = arith.constant 0 : i32
        %dma_start3A_1844 = tpu.memref_slice %arg3[%add3A_14, %dma_start3A_1843] : memref<4096x3136xf32, #tpu.memory_space<hbm>> -> memref<1x3136xf32, #tpu.memory_space<hbm>>
        %dma_start3A_1845 = tpu.memref_squeeze %dma_start3A_1844 : memref<1x3136xf32, #tpu.memory_space<hbm>> -> memref<3136xf32, #tpu.memory_space<hbm>>
        %dma_start3A_1846 = arith.constant 0 : i32
        %dma_start3A_1847 = tpu.memref_slice %arg3[%add3A_14, %dma_start3A_1846] : memref<4096x3136xf32, #tpu.memory_space<hbm>> -> memref<1x3136xf32, #tpu.memory_space<hbm>>
        %dma_start3A_1848 = tpu.memref_squeeze %dma_start3A_1847 : memref<1x3136xf32, #tpu.memory_space<hbm>> -> memref<3136xf32, #tpu.memory_space<hbm>>
        tpu.enqueue_dma source(%dma_start3A_1848 : memref<3136xf32, #tpu.memory_space<hbm>>) target(%arg6 : memref<3136xf32, #tpu.memory_space<vmem>>) target_semaphore(%run_scoped3A : memref<!tpu.dma_semaphore, #tpu.memory_space<semaphore_mem>>)
        %dma_wait3A_1849 = arith.constant 0 : i32
        %dma_wait3A_1850 = tpu.memref_slice %arg3[%add3A_14, %dma_wait3A_1849] : memref<4096x3136xf32, #tpu.memory_space<hbm>> -> memref<1x3136xf32, #tpu.memory_space<hbm>>
        %dma_wait3A_1851 = tpu.memref_squeeze %dma_wait3A_1850 : memref<1x3136xf32, #tpu.memory_space<hbm>> -> memref<3136xf32, #tpu.memory_space<hbm>>
        %dma_wait3A_1852 = arith.constant 0 : i32
        %dma_wait3A_1853 = tpu.memref_slice %arg3[%add3A_14, %dma_wait3A_1852] : memref<4096x3136xf32, #tpu.memory_space<hbm>> -> memref<1x3136xf32, #tpu.memory_space<hbm>>
        %dma_wait3A_1854 = tpu.memref_squeeze %dma_wait3A_1853 : memref<1x3136xf32, #tpu.memory_space<hbm>> -> memref<3136xf32, #tpu.memory_space<hbm>>
        tpu.wait_dma2 semaphore(%run_scoped3A : memref<!tpu.dma_semaphore, #tpu.memory_space<semaphore_mem>>) src(%dma_wait3A_1854 : memref<3136xf32, #tpu.memory_space<hbm>>) dst(%arg6 : memref<3136xf32, #tpu.memory_space<vmem>>)
        tpu.yield
      }) : () -> ()
      %add3A_15 = vector.broadcast %scan3A_12 : i32 to vector<16xi32>
      %add3A_16 = arith.addi %broadcast_in_dim3A_3, %add3A_15 : vector<16xi32>
      %gather3A = tpu.vector_load_idx %arg7[%add3A_16] : memref<128xf32, #tpu.memory_space<vmem>>[vector<16xi32>], vector<16xf32>,
      %mul3A_17 = arith.constant 4 : i32
      %mul3A_18 = arith.muli %add3A_14, %mul3A_17 : i32
      %add3A_19 = arith.constant 12828672 : i32
      %add3A_20 = arith.addi %add3A_19, %mul3A_18 : i32
      %add3A_21 = arith.constant 3 : i32
      %add3A_22 = arith.addi %add3A_20, %add3A_21 : i32
      %add3A_23 = vector.broadcast %add3A_22 : i32 to vector<16xi32>
      %add3A_24 = arith.addi %broadcast_in_dim3A_3, %add3A_23 : vector<16xi32>
      %swap3A = arith.constant 128 : index
      %swap3A_25 = tpu.vector_load %arg8[%swap3A] {strides = array<i32>} : memref<176xi32, #tpu.memory_space<vmem>>, vector<16xi32>,
      tpu.vector_store %arg8[%swap3A], %add3A_24 {strides = array<i32>} : memref<176xi32, #tpu.memory_space<vmem>>, vector<16xi32>,
      %add3A_26 = arith.constant 100320 : i32
      %add3A_27 = vector.broadcast %add3A_26 : i32 to vector<16xi32>
      %add3A_28 = arith.addi %add3A_27, %broadcast_in_dim3A_3 : vector<16xi32>
      %swap3A_29 = arith.constant 128 : index
      %swap3A_30 = tpu.vector_load %arg11[%swap3A_29] {strides = array<i32>} : memref<176xi32, #tpu.memory_space<vmem>>, vector<16xi32>,
      tpu.vector_store %arg11[%swap3A_29], %add3A_28 {strides = array<i32>} : memref<176xi32, #tpu.memory_space<vmem>>, vector<16xi32>,
      %swap3A_31 = arith.constant 144 : index
      %swap3A_32 = tpu.vector_load %arg8[%swap3A_31] {strides = array<i32>} : memref<176xi32, #tpu.memory_space<vmem>>, vector<16xi32>,
      tpu.vector_store %arg8[%swap3A_31], %add3A_24 {strides = array<i32>} : memref<176xi32, #tpu.memory_space<vmem>>, vector<16xi32>,
      %add3A_33 = arith.constant 100320 : i32
      %add3A_34 = vector.broadcast %add3A_33 : i32 to vector<16xi32>
      %add3A_35 = arith.addi %add3A_34, %broadcast_in_dim3A_3 : vector<16xi32>
      %swap3A_36 = arith.constant 144 : index
      %swap3A_37 = tpu.vector_load %arg11[%swap3A_36] {strides = array<i32>} : memref<176xi32, #tpu.memory_space<vmem>>, vector<16xi32>,
      tpu.vector_store %arg11[%swap3A_36], %add3A_35 {strides = array<i32>} : memref<176xi32, #tpu.memory_space<vmem>>, vector<16xi32>,
      %scan3A_38 = arith.constant 0 : i32
      %scan3A_39 = arith.constant 0 : i32
      %scan3A_40 = arith.constant 196 : i32
      %scan3A_41 = arith.addi %scan3A_39, %scan3A_40 : i32
      %scan3A_42 = arith.constant 1 : i32
      %scan3A_43 = scf.for %scan3A_1843 = %scan3A_39 to %scan3A_41 step %scan3A_42 iter_args(%scan3A_1844 = %scan3A_38) -> (i32)  : i32 {
        %mul3A_1845 = arith.constant 16 : i32
        %mul3A_1846 = arith.muli %scan3A_1843, %mul3A_1845 : i32
        %get3A_1847 = arith.index_cast %mul3A_1846 : i32 to index
        %get3A_1848 = tpu.vector_load %arg6[%get3A_1847] {strides = array<i32>} : memref<3136xf32, #tpu.memory_space<vmem>>, vector<16xf32>,
        %ge3A_1849 = arith.cmpf oge, %get3A_1848, %gather3A : vector<16xf32>
        %add3A_1850 = vector.broadcast %scan3A_1844 : i32 to vector<16xi32>
        %add3A_1851 = arith.addi %broadcast_in_dim3A_3, %add3A_1850 : vector<16xi32>
        %lt3A_1852 = arith.constant 160 : i32
        %lt3A_1853 = vector.broadcast %lt3A_1852 : i32 to vector<16xi32>
        %lt3A_1854 = arith.cmpi slt, %add3A_1851, %lt3A_1853 : vector<16xi32>
        %and3A_1855 = arith.andi %ge3A_1849, %lt3A_1854 : vector<16xi1>
        %mul3A_1856 = arith.constant 16 : i32
        %mul3A_1857 = arith.muli %scan3A_1843, %mul3A_1856 : i32
        %add3A_1858 = vector.broadcast %mul3A_1857 : i32 to vector<16xi32>
        %add3A_1859 = arith.addi %add3A_1858, %iota3A : vector<16xi32>
        %shift_right_arithmetic3A_1860 = arith.constant 2 : i32
        %shift_right_arithmetic3A_1861 = vector.broadcast %shift_right_arithmetic3A_1860 : i32 to vector<16xi32>
        %shift_right_arithmetic3A_1862 = arith.shrsi %add3A_1859, %shift_right_arithmetic3A_1861 : vector<16xi32>
        %mul3A_1863 = arith.constant 16384 : i32
        %mul3A_1864 = vector.broadcast %mul3A_1863 : i32 to vector<16xi32>
        %mul3A_1865 = arith.muli %shift_right_arithmetic3A_1862, %mul3A_1864 : vector<16xi32>
        %and3A_1866 = arith.constant 3 : i32
        %and3A_1867 = vector.broadcast %and3A_1866 : i32 to vector<16xi32>
        %and3A_1868 = arith.andi %add3A_1859, %and3A_1867 : vector<16xi32>
        %add3A_1869 = arith.addi %mul3A_1865, %and3A_1868 : vector<16xi32>
        %mul3A_1870 = arith.constant 4 : i32
        %mul3A_1871 = arith.muli %add3A_14, %mul3A_1870 : i32
        %add3A_1872 = vector.broadcast %mul3A_1871 : i32 to vector<16xi32>
        %add3A_1873 = arith.addi %add3A_1869, %add3A_1872 : vector<16xi32>
        %swap3A_1874 = arith.index_cast %scan3A_1844 : i32 to index
        %swap3A_1875 = tpu.vector_load %arg8[%swap3A_1874] masked %and3A_1855 {strides = array<i32>} : memref<176xi32, #tpu.memory_space<vmem>>, vector<16xi32>, vector<16xi1>
        tpu.vector_store %arg8[%swap3A_1874], %add3A_1873 masked %and3A_1855 {strides = array<i32>} : memref<176xi32, #tpu.memory_space<vmem>>, vector<16xi32>, vector<16xi1>
        %mul3A_1876 = arith.constant 32 : i32
        %mul3A_1877 = vector.broadcast %mul3A_1876 : i32 to vector<16xi32>
        %mul3A_1878 = arith.muli %add3A_1859, %mul3A_1877 : vector<16xi32>
        %swap3A_1879 = arith.index_cast %scan3A_1844 : i32 to index
        %swap3A_1880 = tpu.vector_load %arg11[%swap3A_1879] masked %and3A_1855 {strides = array<i32>} : memref<176xi32, #tpu.memory_space<vmem>>, vector<16xi32>, vector<16xi1>
        tpu.vector_store %arg11[%swap3A_1879], %mul3A_1878 masked %and3A_1855 {strides = array<i32>} : memref<176xi32, #tpu.memory_space<vmem>>, vector<16xi32>, vector<16xi1>
        %all_reduce_population_count3A = tpu.all_reduce %and3A_1855 {dim = 0 : i64, kind = #tpu.reduction_kind<sum>} : vector<16xi1> -> vector<16xi32>
        %slice3A = vector.extract_strided_slice %all_reduce_population_count3A {offsets = [0], sizes = [1], strides = [1]} : vector<16xi32> to vector<1xi32>
        %squeeze3A = vector.extract %slice3A[0] : i32 from vector<1xi32>
        %add3A_1881 = arith.addi %scan3A_1844, %squeeze3A : i32
        scf.yield %add3A_1881 : i32
      }
      %scan3A_44 = arith.constant 196 : i32
      %get3A = arith.constant 0 : index
      %get3A_45 = tpu.vector_load %arg8[%get3A] {strides = array<i32>} : memref<176xi32, #tpu.memory_space<vmem>>, vector<16xi32>,
      %swap3A_46 = arith.constant 0 : index
      %swap3A_47 = tpu.vector_load %arg9[%swap3A_46] {strides = array<i32>} : memref<128xi32, #tpu.memory_space<vmem>>, vector<16xi32>,
      tpu.vector_store %arg9[%swap3A_46], %get3A_45 {strides = array<i32>} : memref<128xi32, #tpu.memory_space<vmem>>, vector<16xi32>,
      %get3A_48 = arith.constant 16 : index
      %get3A_49 = tpu.vector_load %arg8[%get3A_48] {strides = array<i32>} : memref<176xi32, #tpu.memory_space<vmem>>, vector<16xi32>,
      %swap3A_50 = arith.constant 16 : index
      %swap3A_51 = tpu.vector_load %arg9[%swap3A_50] {strides = array<i32>} : memref<128xi32, #tpu.memory_space<vmem>>, vector<16xi32>,
      tpu.vector_store %arg9[%swap3A_50], %get3A_49 {strides = array<i32>} : memref<128xi32, #tpu.memory_space<vmem>>, vector<16xi32>,
      %get3A_52 = arith.constant 32 : index
      %get3A_53 = tpu.vector_load %arg8[%get3A_52] {strides = array<i32>} : memref<176xi32, #tpu.memory_space<vmem>>, vector<16xi32>,
      %swap3A_54 = arith.constant 32 : index
      %swap3A_55 = tpu.vector_load %arg9[%swap3A_54] {strides = array<i32>} : memref<128xi32, #tpu.memory_space<vmem>>, vector<16xi32>,
      tpu.vector_store %arg9[%swap3A_54], %get3A_53 {strides = array<i32>} : memref<128xi32, #tpu.memory_space<vmem>>, vector<16xi32>,
      %get3A_56 = arith.constant 48 : index
      %get3A_57 = tpu.vector_load %arg8[%get3A_56] {strides = array<i32>} : memref<176xi32, #tpu.memory_space<vmem>>, vector<16xi32>,
      %swap3A_58 = arith.constant 48 : index
      %swap3A_59 = tpu.vector_load %arg9[%swap3A_58] {strides = array<i32>} : memref<128xi32, #tpu.memory_space<vmem>>, vector<16xi32>,
      tpu.vector_store %arg9[%swap3A_58], %get3A_57 {strides = array<i32>} : memref<128xi32, #tpu.memory_space<vmem>>, vector<16xi32>,
      %get3A_60 = arith.constant 64 : index
      %get3A_61 = tpu.vector_load %arg8[%get3A_60] {strides = array<i32>} : memref<176xi32, #tpu.memory_space<vmem>>, vector<16xi32>,
      %swap3A_62 = arith.constant 64 : index
      %swap3A_63 = tpu.vector_load %arg9[%swap3A_62] {strides = array<i32>} : memref<128xi32, #tpu.memory_space<vmem>>, vector<16xi32>,
      tpu.vector_store %arg9[%swap3A_62], %get3A_61 {strides = array<i32>} : memref<128xi32, #tpu.memory_space<vmem>>, vector<16xi32>,
      %get3A_64 = arith.constant 80 : index
      %get3A_65 = tpu.vector_load %arg8[%get3A_64] {strides = array<i32>} : memref<176xi32, #tpu.memory_space<vmem>>, vector<16xi32>,
      %swap3A_66 = arith.constant 80 : index
      %swap3A_67 = tpu.vector_load %arg9[%swap3A_66] {strides = array<i32>} : memref<128xi32, #tpu.memory_space<vmem>>, vector<16xi32>,
      tpu.vector_store %arg9[%swap3A_66], %get3A_65 {strides = array<i32>} : memref<128xi32, #tpu.memory_space<vmem>>, vector<16xi32>,
      %get3A_68 = arith.constant 96 : index
      %get3A_69 = tpu.vector_load %arg8[%get3A_68] {strides = array<i32>} : memref<176xi32, #tpu.memory_space<vmem>>, vector<16xi32>,
      %swap3A_70 = arith.constant 96 : index
      %swap3A_71 = tpu.vector_load %arg9[%swap3A_70] {strides = array<i32>} : memref<128xi32, #tpu.memory_space<vmem>>, vector<16xi32>,
      tpu.vector_store %arg9[%swap3A_70], %get3A_69 {strides = array<i32>} : memref<128xi32, #tpu.memory_space<vmem>>, vector<16xi32>,
      %get3A_72 = arith.constant 112 : index
      %get3A_73 = tpu.vector_load %arg8[%get3A_72] {strides = array<i32>} : memref<176xi32, #tpu.memory_space<vmem>>, vector<16xi32>,
      %swap3A_74 = arith.constant 112 : index
      %swap3A_75 = tpu.vector_load %arg9[%swap3A_74] {strides = array<i32>} : memref<128xi32, #tpu.memory_space<vmem>>, vector<16xi32>,
      tpu.vector_store %arg9[%swap3A_74], %get3A_73 {strides = array<i32>} : memref<128xi32, #tpu.memory_space<vmem>>, vector<16xi32>,
      %get3A_76 = arith.constant 128 : index
      %get3A_77 = tpu.vector_load %arg8[%get3A_76] {strides = array<i32>} : memref<176xi32, #tpu.memory_space<vmem>>, vector<16xi32>,
      %swap3A_78 = arith.constant 0 : index
      %swap3A_79 = tpu.vector_load %arg10[%swap3A_78] {strides = array<i32>} : memref<32xi32, #tpu.memory_space<vmem>>, vector<16xi32>,
      tpu.vector_store %arg10[%swap3A_78], %get3A_77 {strides = array<i32>} : memref<32xi32, #tpu.memory_space<vmem>>, vector<16xi32>,
      %get3A_80 = arith.constant 144 : index
      %get3A_81 = tpu.vector_load %arg8[%get3A_80] {strides = array<i32>} : memref<176xi32, #tpu.memory_space<vmem>>, vector<16xi32>,
      %swap3A_82 = arith.constant 16 : index
      %swap3A_83 = tpu.vector_load %arg10[%swap3A_82] {strides = array<i32>} : memref<32xi32, #tpu.memory_space<vmem>>, vector<16xi32>,
      tpu.vector_store %arg10[%swap3A_82], %get3A_81 {strides = array<i32>} : memref<32xi32, #tpu.memory_space<vmem>>, vector<16xi32>,
      %dma_start3A = arith.constant 0 : i32
      %dma_start3A_84 = arith.constant 0 : i32
      %dma_start3A_85 = tpu.memref_slice %arg12[%dma_start3A, %dma_start3A_84] : memref<160x32xf32, #tpu.memory_space<vmem>> -> memref<128x32xf32, #tpu.memory_space<vmem>>
      %dma_start3A_86 = arith.constant 0 : i32
      %dma_start3A_87 = arith.constant 0 : i32
      %dma_start3A_88 = tpu.memref_slice %arg2[%dma_start3A_86, %dma_start3A_87] : memref<12845056x32xf32, #tpu.memory_space<hbm>> -> memref<12845056x32xf32, #tpu.memory_space<hbm>>
      tpu.enqueue_indirect_dma source(%dma_start3A_88 : memref<12845056x32xf32, #tpu.memory_space<hbm>>) target(%dma_start3A_85 : memref<128x32xf32, #tpu.memory_space<vmem>>) offsets(%arg9 : memref<128xi32, #tpu.memory_space<vmem>>) semaphore(%arg15 : memref<!tpu.dma_semaphore, #tpu.memory_space<semaphore_mem>>)
      %dma_wait3A = arith.constant 0 : i32
      %dma_wait3A_89 = arith.constant 0 : i32
      %dma_wait3A_90 = tpu.memref_slice %arg12[%dma_wait3A, %dma_wait3A_89] : memref<160x32xf32, #tpu.memory_space<vmem>> -> memref<128x32xf32, #tpu.memory_space<vmem>>
      %dma_wait3A_91 = arith.constant 0 : i32
      %dma_wait3A_92 = arith.constant 0 : i32
      %dma_wait3A_93 = tpu.memref_slice %arg2[%dma_wait3A_91, %dma_wait3A_92] : memref<12845056x32xf32, #tpu.memory_space<hbm>> -> memref<12845056x32xf32, #tpu.memory_space<hbm>>
      tpu.wait_indirect_dma semaphore(%arg15 : memref<!tpu.dma_semaphore, #tpu.memory_space<semaphore_mem>>) src(%dma_wait3A_93 : memref<12845056x32xf32, #tpu.memory_space<hbm>>) dst(%dma_wait3A_90 : memref<128x32xf32, #tpu.memory_space<vmem>>)
      %gt3A = arith.constant 128 : i32
      %gt3A_94 = arith.cmpi sgt, %scan3A_43, %gt3A : i32
      %convert_element_type3A = arith.extui %gt3A_94 : i1 to i32
      %cond3A = arith.constant 0 : i32
      %cond3A_95 = arith.cmpi ne, %convert_element_type3A, %cond3A : i32
      scf.if %cond3A_95 {
        %dma_start3A_1843 = arith.constant 128 : i32
        %dma_start3A_1844 = arith.constant 0 : i32
        %dma_start3A_1845 = tpu.memref_slice %arg12[%dma_start3A_1843, %dma_start3A_1844] : memref<160x32xf32, #tpu.memory_space<vmem>> -> memref<32x32xf32, #tpu.memory_space<vmem>>
        %dma_start3A_1846 = arith.constant 0 : i32
        %dma_start3A_1847 = arith.constant 0 : i32
        %dma_start3A_1848 = tpu.memref_slice %arg2[%dma_start3A_1846, %dma_start3A_1847] : memref<12845056x32xf32, #tpu.memory_space<hbm>> -> memref<12845056x32xf32, #tpu.memory_space<hbm>>
        tpu.enqueue_indirect_dma source(%dma_start3A_1848 : memref<12845056x32xf32, #tpu.memory_space<hbm>>) target(%dma_start3A_1845 : memref<32x32xf32, #tpu.memory_space<vmem>>) offsets(%arg10 : memref<32xi32, #tpu.memory_space<vmem>>) semaphore(%arg15 : memref<!tpu.dma_semaphore, #tpu.memory_space<semaphore_mem>>)
        %dma_wait3A_1849 = arith.constant 128 : i32
        %dma_wait3A_1850 = arith.constant 0 : i32
        %dma_wait3A_1851 = tpu.memref_slice %arg12[%dma_wait3A_1849, %dma_wait3A_1850] : memref<160x32xf32, #tpu.memory_space<vmem>> -> memref<32x32xf32, #tpu.memory_space<vmem>>
        %dma_wait3A_1852 = arith.constant 0 : i32
        %dma_wait3A_1853 = arith.constant 0 : i32
        %dma_wait3A_1854 = tpu.memref_slice %arg2[%dma_wait3A_1852, %dma_wait3A_1853] : memref<12845056x32xf32, #tpu.memory_space<hbm>> -> memref<12845056x32xf32, #tpu.memory_space<hbm>>
        tpu.wait_indirect_dma semaphore(%arg15 : memref<!tpu.dma_semaphore, #tpu.memory_space<semaphore_mem>>) src(%dma_wait3A_1854 : memref<12845056x32xf32, #tpu.memory_space<hbm>>) dst(%dma_wait3A_1851 : memref<32x32xf32, #tpu.memory_space<vmem>>)
      } else {
      }
      %min3A = arith.constant 160 : i32
      %min3A_96 = arith.minsi %scan3A_43, %min3A : i32
      %while3A = arith.constant 0 : i32
      %while3A_97 = arith.constant 0 : i32
      %while3A_98 = arith.subi %min3A_96, %while3A : i32
      %while3A_99 = arith.addi %while3A, %while3A_98 : i32
      %while3A_100 = arith.constant 1 : i32
      %while3A_101 = arith.divsi %while3A_98, %while3A_100 : i32
      %while3A_102 = arith.muli %while3A_101, %while3A_100 : i32
      %while3A_103 = arith.addi %while3A, %while3A_102 : i32
      %while3A_104 = arith.constant 1 : i32
      %while3A_105 = scf.for %while3A_1843 = %while3A to %while3A_103 step %while3A_104 iter_args(%while3A_1844 = %while3A_97) -> (i32)  : i32 {
        %mul3A_1845 = arith.constant 32 : i32
        %mul3A_1846 = arith.muli %while3A_1843, %mul3A_1845 : i32
        %get3A_1847 = arith.index_cast %while3A_1843 : i32 to index
        %get3A_1848 = arith.constant 0 : index
        %get3A_1849 = tpu.vector_load %arg12[%get3A_1847, %get3A_1848] {strides = array<i32>} : memref<160x32xf32, #tpu.memory_space<vmem>>, vector<16xf32>,
        %ge3A_1850 = arith.cmpf oge, %get3A_1849, %gather3A : vector<16xf32>
        %add3A_1851 = vector.broadcast %while3A_1844 : i32 to vector<16xi32>
        %add3A_1852 = arith.addi %broadcast_in_dim3A_3, %add3A_1851 : vector<16xi32>
        %lt3A_1853 = arith.constant 256 : i32
        %lt3A_1854 = vector.broadcast %lt3A_1853 : i32 to vector<16xi32>
        %lt3A_1855 = arith.cmpi slt, %add3A_1852, %lt3A_1854 : vector<16xi32>
        %and3A_1856 = arith.andi %ge3A_1850, %lt3A_1855 : vector<16xi1>
        %add3A_1857 = arith.constant 0 : i32
        %add3A_1858 = arith.addi %mul3A_1846, %add3A_1857 : i32
        %add3A_1859 = vector.broadcast %add3A_1858 : i32 to vector<16xi32>
        %add3A_1860 = arith.addi %add3A_1859, %iota3A : vector<16xi32>
        %swap3A_1861 = arith.index_cast %while3A_1844 : i32 to index
        %swap3A_1862 = tpu.vector_load %arg13[%swap3A_1861] masked %and3A_1856 {strides = array<i32>} : memref<272xi32, #tpu.memory_space<vmem>>, vector<16xi32>, vector<16xi1>
        tpu.vector_store %arg13[%swap3A_1861], %add3A_1860 masked %and3A_1856 {strides = array<i32>} : memref<272xi32, #tpu.memory_space<vmem>>, vector<16xi32>, vector<16xi1>
        %all_reduce_population_count3A = tpu.all_reduce %and3A_1856 {dim = 0 : i64, kind = #tpu.reduction_kind<sum>} : vector<16xi1> -> vector<16xi32>
        %slice3A = vector.extract_strided_slice %all_reduce_population_count3A {offsets = [0], sizes = [1], strides = [1]} : vector<16xi32> to vector<1xi32>
        %squeeze3A = vector.extract %slice3A[0] : i32 from vector<1xi32>
        %add3A_1863 = arith.addi %while3A_1844, %squeeze3A : i32
        %get3A_1864 = arith.index_cast %while3A_1843 : i32 to index
        %get3A_1865 = arith.constant 16 : index
        %get3A_1866 = tpu.vector_load %arg12[%get3A_1864, %get3A_1865] {strides = array<i32>} : memref<160x32xf32, #tpu.memory_space<vmem>>, vector<16xf32>,
        %ge3A_1867 = arith.cmpf oge, %get3A_1866, %gather3A : vector<16xf32>
        %add3A_1868 = vector.broadcast %add3A_1863 : i32 to vector<16xi32>
        %add3A_1869 = arith.addi %broadcast_in_dim3A_3, %add3A_1868 : vector<16xi32>
        %lt3A_1870 = arith.constant 256 : i32
        %lt3A_1871 = vector.broadcast %lt3A_1870 : i32 to vector<16xi32>
        %lt3A_1872 = arith.cmpi slt, %add3A_1869, %lt3A_1871 : vector<16xi32>
        %and3A_1873 = arith.andi %ge3A_1867, %lt3A_1872 : vector<16xi1>
        %add3A_1874 = arith.constant 16 : i32
        %add3A_1875 = arith.addi %mul3A_1846, %add3A_1874 : i32
        %add3A_1876 = vector.broadcast %add3A_1875 : i32 to vector<16xi32>
        %add3A_1877 = arith.addi %add3A_1876, %iota3A : vector<16xi32>
        %swap3A_1878 = arith.index_cast %add3A_1863 : i32 to index
        %swap3A_1879 = tpu.vector_load %arg13[%swap3A_1878] masked %and3A_1873 {strides = array<i32>} : memref<272xi32, #tpu.memory_space<vmem>>, vector<16xi32>, vector<16xi1>
        tpu.vector_store %arg13[%swap3A_1878], %add3A_1877 masked %and3A_1873 {strides = array<i32>} : memref<272xi32, #tpu.memory_space<vmem>>, vector<16xi32>, vector<16xi1>
        %all_reduce_population_count3A_1880 = tpu.all_reduce %and3A_1873 {dim = 0 : i64, kind = #tpu.reduction_kind<sum>} : vector<16xi1> -> vector<16xi32>
        %slice3A_1881 = vector.extract_strided_slice %all_reduce_population_count3A_1880 {offsets = [0], sizes = [1], strides = [1]} : vector<16xi32> to vector<1xi32>
        %squeeze3A_1882 = vector.extract %slice3A_1881[0] : i32 from vector<1xi32>
        %add3A_1883 = arith.addi %add3A_1863, %squeeze3A_1882 : i32
        scf.yield %add3A_1883 : i32
      }
      %while3A_106 = arith.constant 1 : i32
      %while3A_107 = scf.for %while3A_1843 = %while3A_103 to %while3A_99 step %while3A_106 iter_args(%while3A_1844 = %while3A_105) -> (i32)  : i32 {
        %mul3A_1845 = arith.constant 32 : i32
        %mul3A_1846 = arith.muli %while3A_1843, %mul3A_1845 : i32
        %get3A_1847 = arith.index_cast %while3A_1843 : i32 to index
        %get3A_1848 = arith.constant 0 : index
        %get3A_1849 = tpu.vector_load %arg12[%get3A_1847, %get3A_1848] {strides = array<i32>} : memref<160x32xf32, #tpu.memory_space<vmem>>, vector<16xf32>,
        %ge3A_1850 = arith.cmpf oge, %get3A_1849, %gather3A : vector<16xf32>
        %add3A_1851 = vector.broadcast %while3A_1844 : i32 to vector<16xi32>
        %add3A_1852 = arith.addi %broadcast_in_dim3A_3, %add3A_1851 : vector<16xi32>
        %lt3A_1853 = arith.constant 256 : i32
        %lt3A_1854 = vector.broadcast %lt3A_1853 : i32 to vector<16xi32>
        %lt3A_1855 = arith.cmpi slt, %add3A_1852, %lt3A_1854 : vector<16xi32>
        %and3A_1856 = arith.andi %ge3A_1850, %lt3A_1855 : vector<16xi1>
        %add3A_1857 = arith.constant 0 : i32
        %add3A_1858 = arith.addi %mul3A_1846, %add3A_1857 : i32
        %add3A_1859 = vector.broadcast %add3A_1858 : i32 to vector<16xi32>
        %add3A_1860 = arith.addi %add3A_1859, %iota3A : vector<16xi32>
        %swap3A_1861 = arith.index_cast %while3A_1844 : i32 to index
        %swap3A_1862 = tpu.vector_load %arg13[%swap3A_1861] masked %and3A_1856 {strides = array<i32>} : memref<272xi32, #tpu.memory_space<vmem>>, vector<16xi32>, vector<16xi1>
        tpu.vector_store %arg13[%swap3A_1861], %add3A_1860 masked %and3A_1856 {strides = array<i32>} : memref<272xi32, #tpu.memory_space<vmem>>, vector<16xi32>, vector<16xi1>
        %all_reduce_population_count3A = tpu.all_reduce %and3A_1856 {dim = 0 : i64, kind = #tpu.reduction_kind<sum>} : vector<16xi1> -> vector<16xi32>
        %slice3A = vector.extract_strided_slice %all_reduce_population_count3A {offsets = [0], sizes = [1], strides = [1]} : vector<16xi32> to vector<1xi32>
        %squeeze3A = vector.extract %slice3A[0] : i32 from vector<1xi32>
        %add3A_1863 = arith.addi %while3A_1844, %squeeze3A : i32
        %get3A_1864 = arith.index_cast %while3A_1843 : i32 to index
        %get3A_1865 = arith.constant 16 : index
        %get3A_1866 = tpu.vector_load %arg12[%get3A_1864, %get3A_1865] {strides = array<i32>} : memref<160x32xf32, #tpu.memory_space<vmem>>, vector<16xf32>,
        %ge3A_1867 = arith.cmpf oge, %get3A_1866, %gather3A : vector<16xf32>
        %add3A_1868 = vector.broadcast %add3A_1863 : i32 to vector<16xi32>
        %add3A_1869 = arith.addi %broadcast_in_dim3A_3, %add3A_1868 : vector<16xi32>
        %lt3A_1870 = arith.constant 256 : i32
        %lt3A_1871 = vector.broadcast %lt3A_1870 : i32 to vector<16xi32>
        %lt3A_1872 = arith.cmpi slt, %add3A_1869, %lt3A_1871 : vector<16xi32>
        %and3A_1873 = arith.andi %ge3A_1867, %lt3A_1872 : vector<16xi1>
        %add3A_1874 = arith.constant 16 : i32
        %add3A_1875 = arith.addi %mul3A_1846, %add3A_1874 : i32
        %add3A_1876 = vector.broadcast %add3A_1875 : i32 to vector<16xi32>
        %add3A_1877 = arith.addi %add3A_1876, %iota3A : vector<16xi32>
        %swap3A_1878 = arith.index_cast %add3A_1863 : i32 to index
        %swap3A_1879 = tpu.vector_load %arg13[%swap3A_1878] masked %and3A_1873 {strides = array<i32>} : memref<272xi32, #tpu.memory_space<vmem>>, vector<16xi32>, vector<16xi1>
        tpu.vector_store %arg13[%swap3A_1878], %add3A_1877 masked %and3A_1873 {strides = array<i32>} : memref<272xi32, #tpu.memory_space<vmem>>, vector<16xi32>, vector<16xi1>
        %all_reduce_population_count3A_1880 = tpu.all_reduce %and3A_1873 {dim = 0 : i64, kind = #tpu.reduction_kind<sum>} : vector<16xi1> -> vector<16xi32>
        %slice3A_1881 = vector.extract_strided_slice %all_reduce_population_count3A_1880 {offsets = [0], sizes = [1], strides = [1]} : vector<16xi32> to vector<1xi32>
        %squeeze3A_1882 = vector.extract %slice3A_1881[0] : i32 from vector<1xi32>
        %add3A_1883 = arith.addi %add3A_1863, %squeeze3A_1882 : i32
        scf.yield %add3A_1883 : i32
      }
      %add3A_108 = arith.constant 0 : i32
      %add3A_109 = vector.broadcast %add3A_108 : i32 to vector<16xi32>
      %add3A_110 = arith.addi %add3A_109, %iota3A : vector<16xi32>
      %add3A_111 = vector.broadcast %while3A_107 : i32 to vector<16xi32>
      %add3A_112 = arith.addi %broadcast_in_dim3A_3, %add3A_111 : vector<16xi32>
      %lt3A = arith.cmpi slt, %add3A_110, %add3A_112 : vector<16xi32>
      %get3A_113 = arith.constant 0 : index
      %get3A_114 = tpu.vector_load %arg13[%get3A_113] {strides = array<i32>} : memref<272xi32, #tpu.memory_space<vmem>>, vector<16xi32>,
      %jit3A = arith.constant 0 : i32
      %broadcast_in_dim3A_115 = vector.broadcast %jit3A : i32 to vector<16xi32>
      %select_n3A = arith.select %lt3A, %get3A_114, %broadcast_in_dim3A_115 : vector<16xi1>, vector<16xi32>
      %shift_right_arithmetic3A = arith.constant 5 : i32
      %shift_right_arithmetic3A_116 = vector.broadcast %shift_right_arithmetic3A : i32 to vector<16xi32>
      %shift_right_arithmetic3A_117 = arith.shrsi %select_n3A, %shift_right_arithmetic3A_116 : vector<16xi32>
      %and3A = arith.constant 31 : i32
      %and3A_118 = vector.broadcast %and3A : i32 to vector<16xi32>
      %and3A_119 = arith.andi %select_n3A, %and3A_118 : vector<16xi32>
      %gather3A_120 = tpu.vector_load_idx %arg12[%shift_right_arithmetic3A_117, %and3A_119] : memref<160x32xf32, #tpu.memory_space<vmem>>[vector<16xi32>, vector<16xi32>], vector<16xf32>,
      %gather3A_121 = tpu.vector_load_idx %arg11[%shift_right_arithmetic3A_117] : memref<176xi32, #tpu.memory_space<vmem>>[vector<16xi32>], vector<16xi32>,
      %select_n3A_122 = arith.select %lt3A, %gather3A_120, %broadcast_in_dim3A_5 : vector<16xi1>, vector<16xf32>
      %add3A_123 = arith.addi %gather3A_121, %and3A_119 : vector<16xi32>
      %select_n3A_124 = arith.select %lt3A, %add3A_123, %broadcast_in_dim3A_3 : vector<16xi1>, vector<16xi32>
      %add3A_125 = arith.constant 16 : i32
      %add3A_126 = vector.broadcast %add3A_125 : i32 to vector<16xi32>
      %add3A_127 = arith.addi %add3A_126, %iota3A : vector<16xi32>
      %add3A_128 = vector.broadcast %while3A_107 : i32 to vector<16xi32>
      %add3A_129 = arith.addi %broadcast_in_dim3A_3, %add3A_128 : vector<16xi32>
      %lt3A_130 = arith.cmpi slt, %add3A_127, %add3A_129 : vector<16xi32>
      %get3A_131 = arith.constant 16 : index
      %get3A_132 = tpu.vector_load %arg13[%get3A_131] {strides = array<i32>} : memref<272xi32, #tpu.memory_space<vmem>>, vector<16xi32>,
      %jit3A_133 = arith.constant 0 : i32
      %broadcast_in_dim3A_134 = vector.broadcast %jit3A_133 : i32 to vector<16xi32>
      %select_n3A_135 = arith.select %lt3A_130, %get3A_132, %broadcast_in_dim3A_134 : vector<16xi1>, vector<16xi32>
      %shift_right_arithmetic3A_136 = arith.constant 5 : i32
      %shift_right_arithmetic3A_137 = vector.broadcast %shift_right_arithmetic3A_136 : i32 to vector<16xi32>
      %shift_right_arithmetic3A_138 = arith.shrsi %select_n3A_135, %shift_right_arithmetic3A_137 : vector<16xi32>
      %and3A_139 = arith.constant 31 : i32
      %and3A_140 = vector.broadcast %and3A_139 : i32 to vector<16xi32>
      %and3A_141 = arith.andi %select_n3A_135, %and3A_140 : vector<16xi32>
      %gather3A_142 = tpu.vector_load_idx %arg12[%shift_right_arithmetic3A_138, %and3A_141] : memref<160x32xf32, #tpu.memory_space<vmem>>[vector<16xi32>, vector<16xi32>], vector<16xf32>,
      %gather3A_143 = tpu.vector_load_idx %arg11[%shift_right_arithmetic3A_138] : memref<176xi32, #tpu.memory_space<vmem>>[vector<16xi32>], vector<16xi32>,
      %select_n3A_144 = arith.select %lt3A_130, %gather3A_142, %broadcast_in_dim3A_5 : vector<16xi1>, vector<16xf32>
      %add3A_145 = arith.addi %gather3A_143, %and3A_141 : vector<16xi32>
      %select_n3A_146 = arith.select %lt3A_130, %add3A_145, %broadcast_in_dim3A_3 : vector<16xi1>, vector<16xi32>
      %add3A_147 = arith.constant 32 : i32
      %add3A_148 = vector.broadcast %add3A_147 : i32 to vector<16xi32>
      %add3A_149 = arith.addi %add3A_148, %iota3A : vector<16xi32>
      %add3A_150 = vector.broadcast %while3A_107 : i32 to vector<16xi32>
      %add3A_151 = arith.addi %broadcast_in_dim3A_3, %add3A_150 : vector<16xi32>
      %lt3A_152 = arith.cmpi slt, %add3A_149, %add3A_151 : vector<16xi32>
      %get3A_153 = arith.constant 32 : index
      %get3A_154 = tpu.vector_load %arg13[%get3A_153] {strides = array<i32>} : memref<272xi32, #tpu.memory_space<vmem>>, vector<16xi32>,
      %jit3A_155 = arith.constant 0 : i32
      %broadcast_in_dim3A_156 = vector.broadcast %jit3A_155 : i32 to vector<16xi32>
      %select_n3A_157 = arith.select %lt3A_152, %get3A_154, %broadcast_in_dim3A_156 : vector<16xi1>, vector<16xi32>
      %shift_right_arithmetic3A_158 = arith.constant 5 : i32
      %shift_right_arithmetic3A_159 = vector.broadcast %shift_right_arithmetic3A_158 : i32 to vector<16xi32>
      %shift_right_arithmetic3A_160 = arith.shrsi %select_n3A_157, %shift_right_arithmetic3A_159 : vector<16xi32>
      %and3A_161 = arith.constant 31 : i32
      %and3A_162 = vector.broadcast %and3A_161 : i32 to vector<16xi32>
      %and3A_163 = arith.andi %select_n3A_157, %and3A_162 : vector<16xi32>
      %gather3A_164 = tpu.vector_load_idx %arg12[%shift_right_arithmetic3A_160, %and3A_163] : memref<160x32xf32, #tpu.memory_space<vmem>>[vector<16xi32>, vector<16xi32>], vector<16xf32>,
      %gather3A_165 = tpu.vector_load_idx %arg11[%shift_right_arithmetic3A_160] : memref<176xi32, #tpu.memory_space<vmem>>[vector<16xi32>], vector<16xi32>,
      %select_n3A_166 = arith.select %lt3A_152, %gather3A_164, %broadcast_in_dim3A_5 : vector<16xi1>, vector<16xf32>
      %add3A_167 = arith.addi %gather3A_165, %and3A_163 : vector<16xi32>
      %select_n3A_168 = arith.select %lt3A_152, %add3A_167, %broadcast_in_dim3A_3 : vector<16xi1>, vector<16xi32>
      %add3A_169 = arith.constant 48 : i32
      %add3A_170 = vector.broadcast %add3A_169 : i32 to vector<16xi32>
      %add3A_171 = arith.addi %add3A_170, %iota3A : vector<16xi32>
      %add3A_172 = vector.broadcast %while3A_107 : i32 to vector<16xi32>
      %add3A_173 = arith.addi %broadcast_in_dim3A_3, %add3A_172 : vector<16xi32>
      %lt3A_174 = arith.cmpi slt, %add3A_171, %add3A_173 : vector<16xi32>
      %get3A_175 = arith.constant 48 : index
      %get3A_176 = tpu.vector_load %arg13[%get3A_175] {strides = array<i32>} : memref<272xi32, #tpu.memory_space<vmem>>, vector<16xi32>,
      %jit3A_177 = arith.constant 0 : i32
      %broadcast_in_dim3A_178 = vector.broadcast %jit3A_177 : i32 to vector<16xi32>
      %select_n3A_179 = arith.select %lt3A_174, %get3A_176, %broadcast_in_dim3A_178 : vector<16xi1>, vector<16xi32>
      %shift_right_arithmetic3A_180 = arith.constant 5 : i32
      %shift_right_arithmetic3A_181 = vector.broadcast %shift_right_arithmetic3A_180 : i32 to vector<16xi32>
      %shift_right_arithmetic3A_182 = arith.shrsi %select_n3A_179, %shift_right_arithmetic3A_181 : vector<16xi32>
      %and3A_183 = arith.constant 31 : i32
      %and3A_184 = vector.broadcast %and3A_183 : i32 to vector<16xi32>
      %and3A_185 = arith.andi %select_n3A_179, %and3A_184 : vector<16xi32>
      %gather3A_186 = tpu.vector_load_idx %arg12[%shift_right_arithmetic3A_182, %and3A_185] : memref<160x32xf32, #tpu.memory_space<vmem>>[vector<16xi32>, vector<16xi32>], vector<16xf32>,
      %gather3A_187 = tpu.vector_load_idx %arg11[%shift_right_arithmetic3A_182] : memref<176xi32, #tpu.memory_space<vmem>>[vector<16xi32>], vector<16xi32>,
      %select_n3A_188 = arith.select %lt3A_174, %gather3A_186, %broadcast_in_dim3A_5 : vector<16xi1>, vector<16xf32>
      %add3A_189 = arith.addi %gather3A_187, %and3A_185 : vector<16xi32>
      %select_n3A_190 = arith.select %lt3A_174, %add3A_189, %broadcast_in_dim3A_3 : vector<16xi1>, vector<16xi32>
      %add3A_191 = arith.constant 64 : i32
      %add3A_192 = vector.broadcast %add3A_191 : i32 to vector<16xi32>
      %add3A_193 = arith.addi %add3A_192, %iota3A : vector<16xi32>
      %add3A_194 = vector.broadcast %while3A_107 : i32 to vector<16xi32>
      %add3A_195 = arith.addi %broadcast_in_dim3A_3, %add3A_194 : vector<16xi32>
      %lt3A_196 = arith.cmpi slt, %add3A_193, %add3A_195 : vector<16xi32>
      %get3A_197 = arith.constant 64 : index
      %get3A_198 = tpu.vector_load %arg13[%get3A_197] {strides = array<i32>} : memref<272xi32, #tpu.memory_space<vmem>>, vector<16xi32>,
      %jit3A_199 = arith.constant 0 : i32
      %broadcast_in_dim3A_200 = vector.broadcast %jit3A_199 : i32 to vector<16xi32>
      %select_n3A_201 = arith.select %lt3A_196, %get3A_198, %broadcast_in_dim3A_200 : vector<16xi1>, vector<16xi32>
      %shift_right_arithmetic3A_202 = arith.constant 5 : i32
      %shift_right_arithmetic3A_203 = vector.broadcast %shift_right_arithmetic3A_202 : i32 to vector<16xi32>
      %shift_right_arithmetic3A_204 = arith.shrsi %select_n3A_201, %shift_right_arithmetic3A_203 : vector<16xi32>
      %and3A_205 = arith.constant 31 : i32
      %and3A_206 = vector.broadcast %and3A_205 : i32 to vector<16xi32>
      %and3A_207 = arith.andi %select_n3A_201, %and3A_206 : vector<16xi32>
      %gather3A_208 = tpu.vector_load_idx %arg12[%shift_right_arithmetic3A_204, %and3A_207] : memref<160x32xf32, #tpu.memory_space<vmem>>[vector<16xi32>, vector<16xi32>], vector<16xf32>,
      %gather3A_209 = tpu.vector_load_idx %arg11[%shift_right_arithmetic3A_204] : memref<176xi32, #tpu.memory_space<vmem>>[vector<16xi32>], vector<16xi32>,
      %select_n3A_210 = arith.select %lt3A_196, %gather3A_208, %broadcast_in_dim3A_5 : vector<16xi1>, vector<16xf32>
      %add3A_211 = arith.addi %gather3A_209, %and3A_207 : vector<16xi32>
      %select_n3A_212 = arith.select %lt3A_196, %add3A_211, %broadcast_in_dim3A_3 : vector<16xi1>, vector<16xi32>
      %add3A_213 = arith.constant 80 : i32
      %add3A_214 = vector.broadcast %add3A_213 : i32 to vector<16xi32>
      %add3A_215 = arith.addi %add3A_214, %iota3A : vector<16xi32>
      %add3A_216 = vector.broadcast %while3A_107 : i32 to vector<16xi32>
      %add3A_217 = arith.addi %broadcast_in_dim3A_3, %add3A_216 : vector<16xi32>
      %lt3A_218 = arith.cmpi slt, %add3A_215, %add3A_217 : vector<16xi32>
      %get3A_219 = arith.constant 80 : index
      %get3A_220 = tpu.vector_load %arg13[%get3A_219] {strides = array<i32>} : memref<272xi32, #tpu.memory_space<vmem>>, vector<16xi32>,
      %jit3A_221 = arith.constant 0 : i32
      %broadcast_in_dim3A_222 = vector.broadcast %jit3A_221 : i32 to vector<16xi32>
      %select_n3A_223 = arith.select %lt3A_218, %get3A_220, %broadcast_in_dim3A_222 : vector<16xi1>, vector<16xi32>
      %shift_right_arithmetic3A_224 = arith.constant 5 : i32
      %shift_right_arithmetic3A_225 = vector.broadcast %shift_right_arithmetic3A_224 : i32 to vector<16xi32>
      %shift_right_arithmetic3A_226 = arith.shrsi %select_n3A_223, %shift_right_arithmetic3A_225 : vector<16xi32>
      %and3A_227 = arith.constant 31 : i32
      %and3A_228 = vector.broadcast %and3A_227 : i32 to vector<16xi32>
      %and3A_229 = arith.andi %select_n3A_223, %and3A_228 : vector<16xi32>
      %gather3A_230 = tpu.vector_load_idx %arg12[%shift_right_arithmetic3A_226, %and3A_229] : memref<160x32xf32, #tpu.memory_space<vmem>>[vector<16xi32>, vector<16xi32>], vector<16xf32>,
      %gather3A_231 = tpu.vector_load_idx %arg11[%shift_right_arithmetic3A_226] : memref<176xi32, #tpu.memory_space<vmem>>[vector<16xi32>], vector<16xi32>,
      %select_n3A_232 = arith.select %lt3A_218, %gather3A_230, %broadcast_in_dim3A_5 : vector<16xi1>, vector<16xf32>
      %add3A_233 = arith.addi %gather3A_231, %and3A_229 : vector<16xi32>
      %select_n3A_234 = arith.select %lt3A_218, %add3A_233, %broadcast_in_dim3A_3 : vector<16xi1>, vector<16xi32>
      %add3A_235 = arith.constant 96 : i32
      %add3A_236 = vector.broadcast %add3A_235 : i32 to vector<16xi32>
      %add3A_237 = arith.addi %add3A_236, %iota3A : vector<16xi32>
      %add3A_238 = vector.broadcast %while3A_107 : i32 to vector<16xi32>
      %add3A_239 = arith.addi %broadcast_in_dim3A_3, %add3A_238 : vector<16xi32>
      %lt3A_240 = arith.cmpi slt, %add3A_237, %add3A_239 : vector<16xi32>
      %get3A_241 = arith.constant 96 : index
      %get3A_242 = tpu.vector_load %arg13[%get3A_241] {strides = array<i32>} : memref<272xi32, #tpu.memory_space<vmem>>, vector<16xi32>,
      %jit3A_243 = arith.constant 0 : i32
      %broadcast_in_dim3A_244 = vector.broadcast %jit3A_243 : i32 to vector<16xi32>
      %select_n3A_245 = arith.select %lt3A_240, %get3A_242, %broadcast_in_dim3A_244 : vector<16xi1>, vector<16xi32>
      %shift_right_arithmetic3A_246 = arith.constant 5 : i32
      %shift_right_arithmetic3A_247 = vector.broadcast %shift_right_arithmetic3A_246 : i32 to vector<16xi32>
      %shift_right_arithmetic3A_248 = arith.shrsi %select_n3A_245, %shift_right_arithmetic3A_247 : vector<16xi32>
      %and3A_249 = arith.constant 31 : i32
      %and3A_250 = vector.broadcast %and3A_249 : i32 to vector<16xi32>
      %and3A_251 = arith.andi %select_n3A_245, %and3A_250 : vector<16xi32>
      %gather3A_252 = tpu.vector_load_idx %arg12[%shift_right_arithmetic3A_248, %and3A_251] : memref<160x32xf32, #tpu.memory_space<vmem>>[vector<16xi32>, vector<16xi32>], vector<16xf32>,
      %gather3A_253 = tpu.vector_load_idx %arg11[%shift_right_arithmetic3A_248] : memref<176xi32, #tpu.memory_space<vmem>>[vector<16xi32>], vector<16xi32>,
      %select_n3A_254 = arith.select %lt3A_240, %gather3A_252, %broadcast_in_dim3A_5 : vector<16xi1>, vector<16xf32>
      %add3A_255 = arith.addi %gather3A_253, %and3A_251 : vector<16xi32>
      %select_n3A_256 = arith.select %lt3A_240, %add3A_255, %broadcast_in_dim3A_3 : vector<16xi1>, vector<16xi32>
      %add3A_257 = arith.constant 112 : i32
      %add3A_258 = vector.broadcast %add3A_257 : i32 to vector<16xi32>
      %add3A_259 = arith.addi %add3A_258, %iota3A : vector<16xi32>
      %add3A_260 = vector.broadcast %while3A_107 : i32 to vector<16xi32>
      %add3A_261 = arith.addi %broadcast_in_dim3A_3, %add3A_260 : vector<16xi32>
      %lt3A_262 = arith.cmpi slt, %add3A_259, %add3A_261 : vector<16xi32>
      %get3A_263 = arith.constant 112 : index
      %get3A_264 = tpu.vector_load %arg13[%get3A_263] {strides = array<i32>} : memref<272xi32, #tpu.memory_space<vmem>>, vector<16xi32>,
      %jit3A_265 = arith.constant 0 : i32
      %broadcast_in_dim3A_266 = vector.broadcast %jit3A_265 : i32 to vector<16xi32>
      %select_n3A_267 = arith.select %lt3A_262, %get3A_264, %broadcast_in_dim3A_266 : vector<16xi1>, vector<16xi32>
      %shift_right_arithmetic3A_268 = arith.constant 5 : i32
      %shift_right_arithmetic3A_269 = vector.broadcast %shift_right_arithmetic3A_268 : i32 to vector<16xi32>
      %shift_right_arithmetic3A_270 = arith.shrsi %select_n3A_267, %shift_right_arithmetic3A_269 : vector<16xi32>
      %and3A_271 = arith.constant 31 : i32
      %and3A_272 = vector.broadcast %and3A_271 : i32 to vector<16xi32>
      %and3A_273 = arith.andi %select_n3A_267, %and3A_272 : vector<16xi32>
      %gather3A_274 = tpu.vector_load_idx %arg12[%shift_right_arithmetic3A_270, %and3A_273] : memref<160x32xf32, #tpu.memory_space<vmem>>[vector<16xi32>, vector<16xi32>], vector<16xf32>,
      %gather3A_275 = tpu.vector_load_idx %arg11[%shift_right_arithmetic3A_270] : memref<176xi32, #tpu.memory_space<vmem>>[vector<16xi32>], vector<16xi32>,
      %select_n3A_276 = arith.select %lt3A_262, %gather3A_274, %broadcast_in_dim3A_5 : vector<16xi1>, vector<16xf32>
      %add3A_277 = arith.addi %gather3A_275, %and3A_273 : vector<16xi32>
      %select_n3A_278 = arith.select %lt3A_262, %add3A_277, %broadcast_in_dim3A_3 : vector<16xi1>, vector<16xi32>
      %add3A_279 = arith.constant 128 : i32
      %add3A_280 = vector.broadcast %add3A_279 : i32 to vector<16xi32>
      %add3A_281 = arith.addi %add3A_280, %iota3A : vector<16xi32>
      %add3A_282 = vector.broadcast %while3A_107 : i32 to vector<16xi32>
      %add3A_283 = arith.addi %broadcast_in_dim3A_3, %add3A_282 : vector<16xi32>
      %lt3A_284 = arith.cmpi slt, %add3A_281, %add3A_283 : vector<16xi32>
      %get3A_285 = arith.constant 128 : index
      %get3A_286 = tpu.vector_load %arg13[%get3A_285] {strides = array<i32>} : memref<272xi32, #tpu.memory_space<vmem>>, vector<16xi32>,
      %jit3A_287 = arith.constant 0 : i32
      %broadcast_in_dim3A_288 = vector.broadcast %jit3A_287 : i32 to vector<16xi32>
      %select_n3A_289 = arith.select %lt3A_284, %get3A_286, %broadcast_in_dim3A_288 : vector<16xi1>, vector<16xi32>
      %shift_right_arithmetic3A_290 = arith.constant 5 : i32
      %shift_right_arithmetic3A_291 = vector.broadcast %shift_right_arithmetic3A_290 : i32 to vector<16xi32>
      %shift_right_arithmetic3A_292 = arith.shrsi %select_n3A_289, %shift_right_arithmetic3A_291 : vector<16xi32>
      %and3A_293 = arith.constant 31 : i32
      %and3A_294 = vector.broadcast %and3A_293 : i32 to vector<16xi32>
      %and3A_295 = arith.andi %select_n3A_289, %and3A_294 : vector<16xi32>
      %gather3A_296 = tpu.vector_load_idx %arg12[%shift_right_arithmetic3A_292, %and3A_295] : memref<160x32xf32, #tpu.memory_space<vmem>>[vector<16xi32>, vector<16xi32>], vector<16xf32>,
      %gather3A_297 = tpu.vector_load_idx %arg11[%shift_right_arithmetic3A_292] : memref<176xi32, #tpu.memory_space<vmem>>[vector<16xi32>], vector<16xi32>,
      %select_n3A_298 = arith.select %lt3A_284, %gather3A_296, %broadcast_in_dim3A_5 : vector<16xi1>, vector<16xf32>
      %add3A_299 = arith.addi %gather3A_297, %and3A_295 : vector<16xi32>
      %select_n3A_300 = arith.select %lt3A_284, %add3A_299, %broadcast_in_dim3A_3 : vector<16xi1>, vector<16xi32>
      %add3A_301 = arith.constant 144 : i32
      %add3A_302 = vector.broadcast %add3A_301 : i32 to vector<16xi32>
      %add3A_303 = arith.addi %add3A_302, %iota3A : vector<16xi32>
      %add3A_304 = vector.broadcast %while3A_107 : i32 to vector<16xi32>
      %add3A_305 = arith.addi %broadcast_in_dim3A_3, %add3A_304 : vector<16xi32>
      %lt3A_306 = arith.cmpi slt, %add3A_303, %add3A_305 : vector<16xi32>
      %get3A_307 = arith.constant 144 : index
      %get3A_308 = tpu.vector_load %arg13[%get3A_307] {strides = array<i32>} : memref<272xi32, #tpu.memory_space<vmem>>, vector<16xi32>,
      %jit3A_309 = arith.constant 0 : i32
      %broadcast_in_dim3A_310 = vector.broadcast %jit3A_309 : i32 to vector<16xi32>
      %select_n3A_311 = arith.select %lt3A_306, %get3A_308, %broadcast_in_dim3A_310 : vector<16xi1>, vector<16xi32>
      %shift_right_arithmetic3A_312 = arith.constant 5 : i32
      %shift_right_arithmetic3A_313 = vector.broadcast %shift_right_arithmetic3A_312 : i32 to vector<16xi32>
      %shift_right_arithmetic3A_314 = arith.shrsi %select_n3A_311, %shift_right_arithmetic3A_313 : vector<16xi32>
      %and3A_315 = arith.constant 31 : i32
      %and3A_316 = vector.broadcast %and3A_315 : i32 to vector<16xi32>
      %and3A_317 = arith.andi %select_n3A_311, %and3A_316 : vector<16xi32>
      %gather3A_318 = tpu.vector_load_idx %arg12[%shift_right_arithmetic3A_314, %and3A_317] : memref<160x32xf32, #tpu.memory_space<vmem>>[vector<16xi32>, vector<16xi32>], vector<16xf32>,
      %gather3A_319 = tpu.vector_load_idx %arg11[%shift_right_arithmetic3A_314] : memref<176xi32, #tpu.memory_space<vmem>>[vector<16xi32>], vector<16xi32>,
      %select_n3A_320 = arith.select %lt3A_306, %gather3A_318, %broadcast_in_dim3A_5 : vector<16xi1>, vector<16xf32>
      %add3A_321 = arith.addi %gather3A_319, %and3A_317 : vector<16xi32>
      %select_n3A_322 = arith.select %lt3A_306, %add3A_321, %broadcast_in_dim3A_3 : vector<16xi1>, vector<16xi32>
      %add3A_323 = arith.constant 160 : i32
      %add3A_324 = vector.broadcast %add3A_323 : i32 to vector<16xi32>
      %add3A_325 = arith.addi %add3A_324, %iota3A : vector<16xi32>
      %add3A_326 = vector.broadcast %while3A_107 : i32 to vector<16xi32>
      %add3A_327 = arith.addi %broadcast_in_dim3A_3, %add3A_326 : vector<16xi32>
      %lt3A_328 = arith.cmpi slt, %add3A_325, %add3A_327 : vector<16xi32>
      %get3A_329 = arith.constant 160 : index
      %get3A_330 = tpu.vector_load %arg13[%get3A_329] {strides = array<i32>} : memref<272xi32, #tpu.memory_space<vmem>>, vector<16xi32>,
      %jit3A_331 = arith.constant 0 : i32
      %broadcast_in_dim3A_332 = vector.broadcast %jit3A_331 : i32 to vector<16xi32>
      %select_n3A_333 = arith.select %lt3A_328, %get3A_330, %broadcast_in_dim3A_332 : vector<16xi1>, vector<16xi32>
      %shift_right_arithmetic3A_334 = arith.constant 5 : i32
      %shift_right_arithmetic3A_335 = vector.broadcast %shift_right_arithmetic3A_334 : i32 to vector<16xi32>
      %shift_right_arithmetic3A_336 = arith.shrsi %select_n3A_333, %shift_right_arithmetic3A_335 : vector<16xi32>
      %and3A_337 = arith.constant 31 : i32
      %and3A_338 = vector.broadcast %and3A_337 : i32 to vector<16xi32>
      %and3A_339 = arith.andi %select_n3A_333, %and3A_338 : vector<16xi32>
      %gather3A_340 = tpu.vector_load_idx %arg12[%shift_right_arithmetic3A_336, %and3A_339] : memref<160x32xf32, #tpu.memory_space<vmem>>[vector<16xi32>, vector<16xi32>], vector<16xf32>,
      %gather3A_341 = tpu.vector_load_idx %arg11[%shift_right_arithmetic3A_336] : memref<176xi32, #tpu.memory_space<vmem>>[vector<16xi32>], vector<16xi32>,
      %select_n3A_342 = arith.select %lt3A_328, %gather3A_340, %broadcast_in_dim3A_5 : vector<16xi1>, vector<16xf32>
      %add3A_343 = arith.addi %gather3A_341, %and3A_339 : vector<16xi32>
      %select_n3A_344 = arith.select %lt3A_328, %add3A_343, %broadcast_in_dim3A_3 : vector<16xi1>, vector<16xi32>
      %add3A_345 = arith.constant 176 : i32
      %add3A_346 = vector.broadcast %add3A_345 : i32 to vector<16xi32>
      %add3A_347 = arith.addi %add3A_346, %iota3A : vector<16xi32>
      %add3A_348 = vector.broadcast %while3A_107 : i32 to vector<16xi32>
      %add3A_349 = arith.addi %broadcast_in_dim3A_3, %add3A_348 : vector<16xi32>
      %lt3A_350 = arith.cmpi slt, %add3A_347, %add3A_349 : vector<16xi32>
      %get3A_351 = arith.constant 176 : index
      %get3A_352 = tpu.vector_load %arg13[%get3A_351] {strides = array<i32>} : memref<272xi32, #tpu.memory_space<vmem>>, vector<16xi32>,
      %jit3A_353 = arith.constant 0 : i32
      %broadcast_in_dim3A_354 = vector.broadcast %jit3A_353 : i32 to vector<16xi32>
      %select_n3A_355 = arith.select %lt3A_350, %get3A_352, %broadcast_in_dim3A_354 : vector<16xi1>, vector<16xi32>
      %shift_right_arithmetic3A_356 = arith.constant 5 : i32
      %shift_right_arithmetic3A_357 = vector.broadcast %shift_right_arithmetic3A_356 : i32 to vector<16xi32>
      %shift_right_arithmetic3A_358 = arith.shrsi %select_n3A_355, %shift_right_arithmetic3A_357 : vector<16xi32>
      %and3A_359 = arith.constant 31 : i32
      %and3A_360 = vector.broadcast %and3A_359 : i32 to vector<16xi32>
      %and3A_361 = arith.andi %select_n3A_355, %and3A_360 : vector<16xi32>
      %gather3A_362 = tpu.vector_load_idx %arg12[%shift_right_arithmetic3A_358, %and3A_361] : memref<160x32xf32, #tpu.memory_space<vmem>>[vector<16xi32>, vector<16xi32>], vector<16xf32>,
      %gather3A_363 = tpu.vector_load_idx %arg11[%shift_right_arithmetic3A_358] : memref<176xi32, #tpu.memory_space<vmem>>[vector<16xi32>], vector<16xi32>,
      %select_n3A_364 = arith.select %lt3A_350, %gather3A_362, %broadcast_in_dim3A_5 : vector<16xi1>, vector<16xf32>
      %add3A_365 = arith.addi %gather3A_363, %and3A_361 : vector<16xi32>
      %select_n3A_366 = arith.select %lt3A_350, %add3A_365, %broadcast_in_dim3A_3 : vector<16xi1>, vector<16xi32>
      %add3A_367 = arith.constant 192 : i32
      %add3A_368 = vector.broadcast %add3A_367 : i32 to vector<16xi32>
      %add3A_369 = arith.addi %add3A_368, %iota3A : vector<16xi32>
      %add3A_370 = vector.broadcast %while3A_107 : i32 to vector<16xi32>
      %add3A_371 = arith.addi %broadcast_in_dim3A_3, %add3A_370 : vector<16xi32>
      %lt3A_372 = arith.cmpi slt, %add3A_369, %add3A_371 : vector<16xi32>
      %get3A_373 = arith.constant 192 : index
      %get3A_374 = tpu.vector_load %arg13[%get3A_373] {strides = array<i32>} : memref<272xi32, #tpu.memory_space<vmem>>, vector<16xi32>,
      %jit3A_375 = arith.constant 0 : i32
      %broadcast_in_dim3A_376 = vector.broadcast %jit3A_375 : i32 to vector<16xi32>
      %select_n3A_377 = arith.select %lt3A_372, %get3A_374, %broadcast_in_dim3A_376 : vector<16xi1>, vector<16xi32>
      %shift_right_arithmetic3A_378 = arith.constant 5 : i32
      %shift_right_arithmetic3A_379 = vector.broadcast %shift_right_arithmetic3A_378 : i32 to vector<16xi32>
      %shift_right_arithmetic3A_380 = arith.shrsi %select_n3A_377, %shift_right_arithmetic3A_379 : vector<16xi32>
      %and3A_381 = arith.constant 31 : i32
      %and3A_382 = vector.broadcast %and3A_381 : i32 to vector<16xi32>
      %and3A_383 = arith.andi %select_n3A_377, %and3A_382 : vector<16xi32>
      %gather3A_384 = tpu.vector_load_idx %arg12[%shift_right_arithmetic3A_380, %and3A_383] : memref<160x32xf32, #tpu.memory_space<vmem>>[vector<16xi32>, vector<16xi32>], vector<16xf32>,
      %gather3A_385 = tpu.vector_load_idx %arg11[%shift_right_arithmetic3A_380] : memref<176xi32, #tpu.memory_space<vmem>>[vector<16xi32>], vector<16xi32>,
      %select_n3A_386 = arith.select %lt3A_372, %gather3A_384, %broadcast_in_dim3A_5 : vector<16xi1>, vector<16xf32>
      %add3A_387 = arith.addi %gather3A_385, %and3A_383 : vector<16xi32>
      %select_n3A_388 = arith.select %lt3A_372, %add3A_387, %broadcast_in_dim3A_3 : vector<16xi1>, vector<16xi32>
      %add3A_389 = arith.constant 208 : i32
      %add3A_390 = vector.broadcast %add3A_389 : i32 to vector<16xi32>
      %add3A_391 = arith.addi %add3A_390, %iota3A : vector<16xi32>
      %add3A_392 = vector.broadcast %while3A_107 : i32 to vector<16xi32>
      %add3A_393 = arith.addi %broadcast_in_dim3A_3, %add3A_392 : vector<16xi32>
      %lt3A_394 = arith.cmpi slt, %add3A_391, %add3A_393 : vector<16xi32>
      %get3A_395 = arith.constant 208 : index
      %get3A_396 = tpu.vector_load %arg13[%get3A_395] {strides = array<i32>} : memref<272xi32, #tpu.memory_space<vmem>>, vector<16xi32>,
      %jit3A_397 = arith.constant 0 : i32
      %broadcast_in_dim3A_398 = vector.broadcast %jit3A_397 : i32 to vector<16xi32>
      %select_n3A_399 = arith.select %lt3A_394, %get3A_396, %broadcast_in_dim3A_398 : vector<16xi1>, vector<16xi32>
      %shift_right_arithmetic3A_400 = arith.constant 5 : i32
      %shift_right_arithmetic3A_401 = vector.broadcast %shift_right_arithmetic3A_400 : i32 to vector<16xi32>
      %shift_right_arithmetic3A_402 = arith.shrsi %select_n3A_399, %shift_right_arithmetic3A_401 : vector<16xi32>
      %and3A_403 = arith.constant 31 : i32
      %and3A_404 = vector.broadcast %and3A_403 : i32 to vector<16xi32>
      %and3A_405 = arith.andi %select_n3A_399, %and3A_404 : vector<16xi32>
      %gather3A_406 = tpu.vector_load_idx %arg12[%shift_right_arithmetic3A_402, %and3A_405] : memref<160x32xf32, #tpu.memory_space<vmem>>[vector<16xi32>, vector<16xi32>], vector<16xf32>,
      %gather3A_407 = tpu.vector_load_idx %arg11[%shift_right_arithmetic3A_402] : memref<176xi32, #tpu.memory_space<vmem>>[vector<16xi32>], vector<16xi32>,
      %select_n3A_408 = arith.select %lt3A_394, %gather3A_406, %broadcast_in_dim3A_5 : vector<16xi1>, vector<16xf32>
      %add3A_409 = arith.addi %gather3A_407, %and3A_405 : vector<16xi32>
      %select_n3A_410 = arith.select %lt3A_394, %add3A_409, %broadcast_in_dim3A_3 : vector<16xi1>, vector<16xi32>
      %add3A_411 = arith.constant 224 : i32
      %add3A_412 = vector.broadcast %add3A_411 : i32 to vector<16xi32>
      %add3A_413 = arith.addi %add3A_412, %iota3A : vector<16xi32>
      %add3A_414 = vector.broadcast %while3A_107 : i32 to vector<16xi32>
      %add3A_415 = arith.addi %broadcast_in_dim3A_3, %add3A_414 : vector<16xi32>
      %lt3A_416 = arith.cmpi slt, %add3A_413, %add3A_415 : vector<16xi32>
      %get3A_417 = arith.constant 224 : index
      %get3A_418 = tpu.vector_load %arg13[%get3A_417] {strides = array<i32>} : memref<272xi32, #tpu.memory_space<vmem>>, vector<16xi32>,
      %jit3A_419 = arith.constant 0 : i32
      %broadcast_in_dim3A_420 = vector.broadcast %jit3A_419 : i32 to vector<16xi32>
      %select_n3A_421 = arith.select %lt3A_416, %get3A_418, %broadcast_in_dim3A_420 : vector<16xi1>, vector<16xi32>
      %shift_right_arithmetic3A_422 = arith.constant 5 : i32
      %shift_right_arithmetic3A_423 = vector.broadcast %shift_right_arithmetic3A_422 : i32 to vector<16xi32>
      %shift_right_arithmetic3A_424 = arith.shrsi %select_n3A_421, %shift_right_arithmetic3A_423 : vector<16xi32>
      %and3A_425 = arith.constant 31 : i32
      %and3A_426 = vector.broadcast %and3A_425 : i32 to vector<16xi32>
      %and3A_427 = arith.andi %select_n3A_421, %and3A_426 : vector<16xi32>
      %gather3A_428 = tpu.vector_load_idx %arg12[%shift_right_arithmetic3A_424, %and3A_427] : memref<160x32xf32, #tpu.memory_space<vmem>>[vector<16xi32>, vector<16xi32>], vector<16xf32>,
      %gather3A_429 = tpu.vector_load_idx %arg11[%shift_right_arithmetic3A_424] : memref<176xi32, #tpu.memory_space<vmem>>[vector<16xi32>], vector<16xi32>,
      %select_n3A_430 = arith.select %lt3A_416, %gather3A_428, %broadcast_in_dim3A_5 : vector<16xi1>, vector<16xf32>
      %add3A_431 = arith.addi %gather3A_429, %and3A_427 : vector<16xi32>
      %select_n3A_432 = arith.select %lt3A_416, %add3A_431, %broadcast_in_dim3A_3 : vector<16xi1>, vector<16xi32>
      %add3A_433 = arith.constant 240 : i32
      %add3A_434 = vector.broadcast %add3A_433 : i32 to vector<16xi32>
      %add3A_435 = arith.addi %add3A_434, %iota3A : vector<16xi32>
      %add3A_436 = vector.broadcast %while3A_107 : i32 to vector<16xi32>
      %add3A_437 = arith.addi %broadcast_in_dim3A_3, %add3A_436 : vector<16xi32>
      %lt3A_438 = arith.cmpi slt, %add3A_435, %add3A_437 : vector<16xi32>
      %get3A_439 = arith.constant 240 : index
      %get3A_440 = tpu.vector_load %arg13[%get3A_439] {strides = array<i32>} : memref<272xi32, #tpu.memory_space<vmem>>, vector<16xi32>,
      %jit3A_441 = arith.constant 0 : i32
      %broadcast_in_dim3A_442 = vector.broadcast %jit3A_441 : i32 to vector<16xi32>
      %select_n3A_443 = arith.select %lt3A_438, %get3A_440, %broadcast_in_dim3A_442 : vector<16xi1>, vector<16xi32>
      %shift_right_arithmetic3A_444 = arith.constant 5 : i32
      %shift_right_arithmetic3A_445 = vector.broadcast %shift_right_arithmetic3A_444 : i32 to vector<16xi32>
      %shift_right_arithmetic3A_446 = arith.shrsi %select_n3A_443, %shift_right_arithmetic3A_445 : vector<16xi32>
      %and3A_447 = arith.constant 31 : i32
      %and3A_448 = vector.broadcast %and3A_447 : i32 to vector<16xi32>
      %and3A_449 = arith.andi %select_n3A_443, %and3A_448 : vector<16xi32>
      %gather3A_450 = tpu.vector_load_idx %arg12[%shift_right_arithmetic3A_446, %and3A_449] : memref<160x32xf32, #tpu.memory_space<vmem>>[vector<16xi32>, vector<16xi32>], vector<16xf32>,
      %gather3A_451 = tpu.vector_load_idx %arg11[%shift_right_arithmetic3A_446] : memref<176xi32, #tpu.memory_space<vmem>>[vector<16xi32>], vector<16xi32>,
      %select_n3A_452 = arith.select %lt3A_438, %gather3A_450, %broadcast_in_dim3A_5 : vector<16xi1>, vector<16xf32>
      %add3A_453 = arith.addi %gather3A_451, %and3A_449 : vector<16xi32>
      %select_n3A_454 = arith.select %lt3A_438, %add3A_453, %broadcast_in_dim3A_3 : vector<16xi1>, vector<16xi32>
      %masked_sort3A = arith.constant dense<true> : vector<16xi1>
      %masked_sort3A_455, %masked_sort3A_456, %masked_sort3A_457 = tpu.sort %select_n3A_122, %select_n3A_124 masked %masked_sort3A {descending = true} : (vector<16xf32>, vector<16xi32>, vector<16xi1>) -> (vector<16xi1>, vector<16xf32>, vector<16xi32>)
      %masked_sort3A_458 = arith.constant dense<true> : vector<16xi1>
      %masked_sort3A_459, %masked_sort3A_460, %masked_sort3A_461 = tpu.sort %select_n3A_144, %select_n3A_146 masked %masked_sort3A_458 {descending = true} : (vector<16xf32>, vector<16xi32>, vector<16xi1>) -> (vector<16xi1>, vector<16xf32>, vector<16xi32>)
      %masked_sort3A_462 = arith.constant dense<true> : vector<16xi1>
      %masked_sort3A_463, %masked_sort3A_464, %masked_sort3A_465 = tpu.sort %select_n3A_166, %select_n3A_168 masked %masked_sort3A_462 {descending = true} : (vector<16xf32>, vector<16xi32>, vector<16xi1>) -> (vector<16xi1>, vector<16xf32>, vector<16xi32>)
      %masked_sort3A_466 = arith.constant dense<true> : vector<16xi1>
      %masked_sort3A_467, %masked_sort3A_468, %masked_sort3A_469 = tpu.sort %select_n3A_188, %select_n3A_190 masked %masked_sort3A_466 {descending = true} : (vector<16xf32>, vector<16xi32>, vector<16xi1>) -> (vector<16xi1>, vector<16xf32>, vector<16xi32>)
      %masked_sort3A_470 = arith.constant dense<true> : vector<16xi1>
      %masked_sort3A_471, %masked_sort3A_472, %masked_sort3A_473 = tpu.sort %select_n3A_210, %select_n3A_212 masked %masked_sort3A_470 {descending = true} : (vector<16xf32>, vector<16xi32>, vector<16xi1>) -> (vector<16xi1>, vector<16xf32>, vector<16xi32>)
      %masked_sort3A_474 = arith.constant dense<true> : vector<16xi1>
      %masked_sort3A_475, %masked_sort3A_476, %masked_sort3A_477 = tpu.sort %select_n3A_232, %select_n3A_234 masked %masked_sort3A_474 {descending = true} : (vector<16xf32>, vector<16xi32>, vector<16xi1>) -> (vector<16xi1>, vector<16xf32>, vector<16xi32>)
      %masked_sort3A_478 = arith.constant dense<true> : vector<16xi1>
      %masked_sort3A_479, %masked_sort3A_480, %masked_sort3A_481 = tpu.sort %select_n3A_254, %select_n3A_256 masked %masked_sort3A_478 {descending = true} : (vector<16xf32>, vector<16xi32>, vector<16xi1>) -> (vector<16xi1>, vector<16xf32>, vector<16xi32>)
      %masked_sort3A_482 = arith.constant dense<true> : vector<16xi1>
      %masked_sort3A_483, %masked_sort3A_484, %masked_sort3A_485 = tpu.sort %select_n3A_276, %select_n3A_278 masked %masked_sort3A_482 {descending = true} : (vector<16xf32>, vector<16xi32>, vector<16xi1>) -> (vector<16xi1>, vector<16xf32>, vector<16xi32>)
      %masked_sort3A_486 = arith.constant dense<true> : vector<16xi1>
      %masked_sort3A_487, %masked_sort3A_488, %masked_sort3A_489 = tpu.sort %select_n3A_298, %select_n3A_300 masked %masked_sort3A_486 {descending = true} : (vector<16xf32>, vector<16xi32>, vector<16xi1>) -> (vector<16xi1>, vector<16xf32>, vector<16xi32>)
      %masked_sort3A_490 = arith.constant dense<true> : vector<16xi1>
      %masked_sort3A_491, %masked_sort3A_492, %masked_sort3A_493 = tpu.sort %select_n3A_320, %select_n3A_322 masked %masked_sort3A_490 {descending = true} : (vector<16xf32>, vector<16xi32>, vector<16xi1>) -> (vector<16xi1>, vector<16xf32>, vector<16xi32>)
      %masked_sort3A_494 = arith.constant dense<true> : vector<16xi1>
      %masked_sort3A_495, %masked_sort3A_496, %masked_sort3A_497 = tpu.sort %select_n3A_342, %select_n3A_344 masked %masked_sort3A_494 {descending = true} : (vector<16xf32>, vector<16xi32>, vector<16xi1>) -> (vector<16xi1>, vector<16xf32>, vector<16xi32>)
      %masked_sort3A_498 = arith.constant dense<true> : vector<16xi1>
      %masked_sort3A_499, %masked_sort3A_500, %masked_sort3A_501 = tpu.sort %select_n3A_364, %select_n3A_366 masked %masked_sort3A_498 {descending = true} : (vector<16xf32>, vector<16xi32>, vector<16xi1>) -> (vector<16xi1>, vector<16xf32>, vector<16xi32>)
      %masked_sort3A_502 = arith.constant dense<true> : vector<16xi1>
      %masked_sort3A_503, %masked_sort3A_504, %masked_sort3A_505 = tpu.sort %select_n3A_386, %select_n3A_388 masked %masked_sort3A_502 {descending = true} : (vector<16xf32>, vector<16xi32>, vector<16xi1>) -> (vector<16xi1>, vector<16xf32>, vector<16xi32>)
      %masked_sort3A_506 = arith.constant dense<true> : vector<16xi1>
      %masked_sort3A_507, %masked_sort3A_508, %masked_sort3A_509 = tpu.sort %select_n3A_408, %select_n3A_410 masked %masked_sort3A_506 {descending = true} : (vector<16xf32>, vector<16xi32>, vector<16xi1>) -> (vector<16xi1>, vector<16xf32>, vector<16xi32>)
      %masked_sort3A_510 = arith.constant dense<true> : vector<16xi1>
      %masked_sort3A_511, %masked_sort3A_512, %masked_sort3A_513 = tpu.sort %select_n3A_430, %select_n3A_432 masked %masked_sort3A_510 {descending = true} : (vector<16xf32>, vector<16xi32>, vector<16xi1>) -> (vector<16xi1>, vector<16xf32>, vector<16xi32>)
      %masked_sort3A_514 = arith.constant dense<true> : vector<16xi1>
      %masked_sort3A_515, %masked_sort3A_516, %masked_sort3A_517 = tpu.sort %select_n3A_452, %select_n3A_454 masked %masked_sort3A_514 {descending = true} : (vector<16xf32>, vector<16xi32>, vector<16xi1>) -> (vector<16xi1>, vector<16xf32>, vector<16xi32>)
      %rev3A = arith.constant 15 : i32
      %rev3A_518 = vector.broadcast %rev3A : i32 to vector<16xi32>
      %rev3A_519 = tpu.iota {dimensions = array<i32: 0>} : vector<16xi32>
      %rev3A_520 = arith.subi %rev3A_518, %rev3A_519 : vector<16xi32>
      %rev3A_521 = tpu.dynamic_gather %masked_sort3A_460[%rev3A_520] in [0] : vector<16xf32>, vector<16xi32> -> vector<16xf32>
      %rev3A_522 = arith.constant 15 : i32
      %rev3A_523 = vector.broadcast %rev3A_522 : i32 to vector<16xi32>
      %rev3A_524 = tpu.iota {dimensions = array<i32: 0>} : vector<16xi32>
      %rev3A_525 = arith.subi %rev3A_523, %rev3A_524 : vector<16xi32>
      %rev3A_526 = tpu.dynamic_gather %masked_sort3A_461[%rev3A_525] in [0] : vector<16xi32>, vector<16xi32> -> vector<16xi32>
      %ge3A = arith.cmpf oge, %masked_sort3A_456, %rev3A_521 : vector<16xf32>
      %select_n3A_527 = arith.select %ge3A, %masked_sort3A_456, %rev3A_521 : vector<16xi1>, vector<16xf32>
      %select_n3A_528 = arith.select %ge3A, %masked_sort3A_457, %rev3A_526 : vector<16xi1>, vector<16xi32>
      %select_n3A_529 = arith.select %ge3A, %rev3A_521, %masked_sort3A_456 : vector<16xi1>, vector<16xf32>
      %select_n3A_530 = arith.select %ge3A, %rev3A_526, %masked_sort3A_457 : vector<16xi1>, vector<16xi32>
      %masked_sort3A_531 = arith.constant dense<true> : vector<16xi1>
      %masked_sort3A_532, %masked_sort3A_533, %masked_sort3A_534 = tpu.sort %select_n3A_527, %select_n3A_528 masked %masked_sort3A_531 {descending = true} : (vector<16xf32>, vector<16xi32>, vector<16xi1>) -> (vector<16xi1>, vector<16xf32>, vector<16xi32>)
      %masked_sort3A_535 = arith.constant dense<true> : vector<16xi1>
      %masked_sort3A_536, %masked_sort3A_537, %masked_sort3A_538 = tpu.sort %select_n3A_529, %select_n3A_530 masked %masked_sort3A_535 {descending = true} : (vector<16xf32>, vector<16xi32>, vector<16xi1>) -> (vector<16xi1>, vector<16xf32>, vector<16xi32>)
      %rev3A_539 = arith.constant 15 : i32
      %rev3A_540 = vector.broadcast %rev3A_539 : i32 to vector<16xi32>
      %rev3A_541 = tpu.iota {dimensions = array<i32: 0>} : vector<16xi32>
      %rev3A_542 = arith.subi %rev3A_540, %rev3A_541 : vector<16xi32>
      %rev3A_543 = tpu.dynamic_gather %masked_sort3A_468[%rev3A_542] in [0] : vector<16xf32>, vector<16xi32> -> vector<16xf32>
      %rev3A_544 = arith.constant 15 : i32
      %rev3A_545 = vector.broadcast %rev3A_544 : i32 to vector<16xi32>
      %rev3A_546 = tpu.iota {dimensions = array<i32: 0>} : vector<16xi32>
      %rev3A_547 = arith.subi %rev3A_545, %rev3A_546 : vector<16xi32>
      %rev3A_548 = tpu.dynamic_gather %masked_sort3A_469[%rev3A_547] in [0] : vector<16xi32>, vector<16xi32> -> vector<16xi32>
      %ge3A_549 = arith.cmpf oge, %masked_sort3A_464, %rev3A_543 : vector<16xf32>
      %select_n3A_550 = arith.select %ge3A_549, %masked_sort3A_464, %rev3A_543 : vector<16xi1>, vector<16xf32>
      %select_n3A_551 = arith.select %ge3A_549, %masked_sort3A_465, %rev3A_548 : vector<16xi1>, vector<16xi32>
      %select_n3A_552 = arith.select %ge3A_549, %rev3A_543, %masked_sort3A_464 : vector<16xi1>, vector<16xf32>
      %select_n3A_553 = arith.select %ge3A_549, %rev3A_548, %masked_sort3A_465 : vector<16xi1>, vector<16xi32>
      %masked_sort3A_554 = arith.constant dense<true> : vector<16xi1>
      %masked_sort3A_555, %masked_sort3A_556, %masked_sort3A_557 = tpu.sort %select_n3A_550, %select_n3A_551 masked %masked_sort3A_554 {descending = true} : (vector<16xf32>, vector<16xi32>, vector<16xi1>) -> (vector<16xi1>, vector<16xf32>, vector<16xi32>)
      %masked_sort3A_558 = arith.constant dense<true> : vector<16xi1>
      %masked_sort3A_559, %masked_sort3A_560, %masked_sort3A_561 = tpu.sort %select_n3A_552, %select_n3A_553 masked %masked_sort3A_558 {descending = true} : (vector<16xf32>, vector<16xi32>, vector<16xi1>) -> (vector<16xi1>, vector<16xf32>, vector<16xi32>)
      %rev3A_562 = arith.constant 15 : i32
      %rev3A_563 = vector.broadcast %rev3A_562 : i32 to vector<16xi32>
      %rev3A_564 = tpu.iota {dimensions = array<i32: 0>} : vector<16xi32>
      %rev3A_565 = arith.subi %rev3A_563, %rev3A_564 : vector<16xi32>
      %rev3A_566 = tpu.dynamic_gather %masked_sort3A_476[%rev3A_565] in [0] : vector<16xf32>, vector<16xi32> -> vector<16xf32>
      %rev3A_567 = arith.constant 15 : i32
      %rev3A_568 = vector.broadcast %rev3A_567 : i32 to vector<16xi32>
      %rev3A_569 = tpu.iota {dimensions = array<i32: 0>} : vector<16xi32>
      %rev3A_570 = arith.subi %rev3A_568, %rev3A_569 : vector<16xi32>
      %rev3A_571 = tpu.dynamic_gather %masked_sort3A_477[%rev3A_570] in [0] : vector<16xi32>, vector<16xi32> -> vector<16xi32>
      %ge3A_572 = arith.cmpf oge, %masked_sort3A_472, %rev3A_566 : vector<16xf32>
      %select_n3A_573 = arith.select %ge3A_572, %masked_sort3A_472, %rev3A_566 : vector<16xi1>, vector<16xf32>
      %select_n3A_574 = arith.select %ge3A_572, %masked_sort3A_473, %rev3A_571 : vector<16xi1>, vector<16xi32>
      %select_n3A_575 = arith.select %ge3A_572, %rev3A_566, %masked_sort3A_472 : vector<16xi1>, vector<16xf32>
      %select_n3A_576 = arith.select %ge3A_572, %rev3A_571, %masked_sort3A_473 : vector<16xi1>, vector<16xi32>
      %masked_sort3A_577 = arith.constant dense<true> : vector<16xi1>
      %masked_sort3A_578, %masked_sort3A_579, %masked_sort3A_580 = tpu.sort %select_n3A_573, %select_n3A_574 masked %masked_sort3A_577 {descending = true} : (vector<16xf32>, vector<16xi32>, vector<16xi1>) -> (vector<16xi1>, vector<16xf32>, vector<16xi32>)
      %masked_sort3A_581 = arith.constant dense<true> : vector<16xi1>
      %masked_sort3A_582, %masked_sort3A_583, %masked_sort3A_584 = tpu.sort %select_n3A_575, %select_n3A_576 masked %masked_sort3A_581 {descending = true} : (vector<16xf32>, vector<16xi32>, vector<16xi1>) -> (vector<16xi1>, vector<16xf32>, vector<16xi32>)
      %rev3A_585 = arith.constant 15 : i32
      %rev3A_586 = vector.broadcast %rev3A_585 : i32 to vector<16xi32>
      %rev3A_587 = tpu.iota {dimensions = array<i32: 0>} : vector<16xi32>
      %rev3A_588 = arith.subi %rev3A_586, %rev3A_587 : vector<16xi32>
      %rev3A_589 = tpu.dynamic_gather %masked_sort3A_484[%rev3A_588] in [0] : vector<16xf32>, vector<16xi32> -> vector<16xf32>
      %rev3A_590 = arith.constant 15 : i32
      %rev3A_591 = vector.broadcast %rev3A_590 : i32 to vector<16xi32>
      %rev3A_592 = tpu.iota {dimensions = array<i32: 0>} : vector<16xi32>
      %rev3A_593 = arith.subi %rev3A_591, %rev3A_592 : vector<16xi32>
      %rev3A_594 = tpu.dynamic_gather %masked_sort3A_485[%rev3A_593] in [0] : vector<16xi32>, vector<16xi32> -> vector<16xi32>
      %ge3A_595 = arith.cmpf oge, %masked_sort3A_480, %rev3A_589 : vector<16xf32>
      %select_n3A_596 = arith.select %ge3A_595, %masked_sort3A_480, %rev3A_589 : vector<16xi1>, vector<16xf32>
      %select_n3A_597 = arith.select %ge3A_595, %masked_sort3A_481, %rev3A_594 : vector<16xi1>, vector<16xi32>
      %select_n3A_598 = arith.select %ge3A_595, %rev3A_589, %masked_sort3A_480 : vector<16xi1>, vector<16xf32>
      %select_n3A_599 = arith.select %ge3A_595, %rev3A_594, %masked_sort3A_481 : vector<16xi1>, vector<16xi32>
      %masked_sort3A_600 = arith.constant dense<true> : vector<16xi1>
      %masked_sort3A_601, %masked_sort3A_602, %masked_sort3A_603 = tpu.sort %select_n3A_596, %select_n3A_597 masked %masked_sort3A_600 {descending = true} : (vector<16xf32>, vector<16xi32>, vector<16xi1>) -> (vector<16xi1>, vector<16xf32>, vector<16xi32>)
      %masked_sort3A_604 = arith.constant dense<true> : vector<16xi1>
      %masked_sort3A_605, %masked_sort3A_606, %masked_sort3A_607 = tpu.sort %select_n3A_598, %select_n3A_599 masked %masked_sort3A_604 {descending = true} : (vector<16xf32>, vector<16xi32>, vector<16xi1>) -> (vector<16xi1>, vector<16xf32>, vector<16xi32>)
      %rev3A_608 = arith.constant 15 : i32
      %rev3A_609 = vector.broadcast %rev3A_608 : i32 to vector<16xi32>
      %rev3A_610 = tpu.iota {dimensions = array<i32: 0>} : vector<16xi32>
      %rev3A_611 = arith.subi %rev3A_609, %rev3A_610 : vector<16xi32>
      %rev3A_612 = tpu.dynamic_gather %masked_sort3A_492[%rev3A_611] in [0] : vector<16xf32>, vector<16xi32> -> vector<16xf32>
      %rev3A_613 = arith.constant 15 : i32
      %rev3A_614 = vector.broadcast %rev3A_613 : i32 to vector<16xi32>
      %rev3A_615 = tpu.iota {dimensions = array<i32: 0>} : vector<16xi32>
      %rev3A_616 = arith.subi %rev3A_614, %rev3A_615 : vector<16xi32>
      %rev3A_617 = tpu.dynamic_gather %masked_sort3A_493[%rev3A_616] in [0] : vector<16xi32>, vector<16xi32> -> vector<16xi32>
      %ge3A_618 = arith.cmpf oge, %masked_sort3A_488, %rev3A_612 : vector<16xf32>
      %select_n3A_619 = arith.select %ge3A_618, %masked_sort3A_488, %rev3A_612 : vector<16xi1>, vector<16xf32>
      %select_n3A_620 = arith.select %ge3A_618, %masked_sort3A_489, %rev3A_617 : vector<16xi1>, vector<16xi32>
      %select_n3A_621 = arith.select %ge3A_618, %rev3A_612, %masked_sort3A_488 : vector<16xi1>, vector<16xf32>
      %select_n3A_622 = arith.select %ge3A_618, %rev3A_617, %masked_sort3A_489 : vector<16xi1>, vector<16xi32>
      %masked_sort3A_623 = arith.constant dense<true> : vector<16xi1>
      %masked_sort3A_624, %masked_sort3A_625, %masked_sort3A_626 = tpu.sort %select_n3A_619, %select_n3A_620 masked %masked_sort3A_623 {descending = true} : (vector<16xf32>, vector<16xi32>, vector<16xi1>) -> (vector<16xi1>, vector<16xf32>, vector<16xi32>)
      %masked_sort3A_627 = arith.constant dense<true> : vector<16xi1>
      %masked_sort3A_628, %masked_sort3A_629, %masked_sort3A_630 = tpu.sort %select_n3A_621, %select_n3A_622 masked %masked_sort3A_627 {descending = true} : (vector<16xf32>, vector<16xi32>, vector<16xi1>) -> (vector<16xi1>, vector<16xf32>, vector<16xi32>)
      %rev3A_631 = arith.constant 15 : i32
      %rev3A_632 = vector.broadcast %rev3A_631 : i32 to vector<16xi32>
      %rev3A_633 = tpu.iota {dimensions = array<i32: 0>} : vector<16xi32>
      %rev3A_634 = arith.subi %rev3A_632, %rev3A_633 : vector<16xi32>
      %rev3A_635 = tpu.dynamic_gather %masked_sort3A_500[%rev3A_634] in [0] : vector<16xf32>, vector<16xi32> -> vector<16xf32>
      %rev3A_636 = arith.constant 15 : i32
      %rev3A_637 = vector.broadcast %rev3A_636 : i32 to vector<16xi32>
      %rev3A_638 = tpu.iota {dimensions = array<i32: 0>} : vector<16xi32>
      %rev3A_639 = arith.subi %rev3A_637, %rev3A_638 : vector<16xi32>
      %rev3A_640 = tpu.dynamic_gather %masked_sort3A_501[%rev3A_639] in [0] : vector<16xi32>, vector<16xi32> -> vector<16xi32>
      %ge3A_641 = arith.cmpf oge, %masked_sort3A_496, %rev3A_635 : vector<16xf32>
      %select_n3A_642 = arith.select %ge3A_641, %masked_sort3A_496, %rev3A_635 : vector<16xi1>, vector<16xf32>
      %select_n3A_643 = arith.select %ge3A_641, %masked_sort3A_497, %rev3A_640 : vector<16xi1>, vector<16xi32>
      %select_n3A_644 = arith.select %ge3A_641, %rev3A_635, %masked_sort3A_496 : vector<16xi1>, vector<16xf32>
      %select_n3A_645 = arith.select %ge3A_641, %rev3A_640, %masked_sort3A_497 : vector<16xi1>, vector<16xi32>
      %masked_sort3A_646 = arith.constant dense<true> : vector<16xi1>
      %masked_sort3A_647, %masked_sort3A_648, %masked_sort3A_649 = tpu.sort %select_n3A_642, %select_n3A_643 masked %masked_sort3A_646 {descending = true} : (vector<16xf32>, vector<16xi32>, vector<16xi1>) -> (vector<16xi1>, vector<16xf32>, vector<16xi32>)
      %masked_sort3A_650 = arith.constant dense<true> : vector<16xi1>
      %masked_sort3A_651, %masked_sort3A_652, %masked_sort3A_653 = tpu.sort %select_n3A_644, %select_n3A_645 masked %masked_sort3A_650 {descending = true} : (vector<16xf32>, vector<16xi32>, vector<16xi1>) -> (vector<16xi1>, vector<16xf32>, vector<16xi32>)
      %rev3A_654 = arith.constant 15 : i32
      %rev3A_655 = vector.broadcast %rev3A_654 : i32 to vector<16xi32>
      %rev3A_656 = tpu.iota {dimensions = array<i32: 0>} : vector<16xi32>
      %rev3A_657 = arith.subi %rev3A_655, %rev3A_656 : vector<16xi32>
      %rev3A_658 = tpu.dynamic_gather %masked_sort3A_508[%rev3A_657] in [0] : vector<16xf32>, vector<16xi32> -> vector<16xf32>
      %rev3A_659 = arith.constant 15 : i32
      %rev3A_660 = vector.broadcast %rev3A_659 : i32 to vector<16xi32>
      %rev3A_661 = tpu.iota {dimensions = array<i32: 0>} : vector<16xi32>
      %rev3A_662 = arith.subi %rev3A_660, %rev3A_661 : vector<16xi32>
      %rev3A_663 = tpu.dynamic_gather %masked_sort3A_509[%rev3A_662] in [0] : vector<16xi32>, vector<16xi32> -> vector<16xi32>
      %ge3A_664 = arith.cmpf oge, %masked_sort3A_504, %rev3A_658 : vector<16xf32>
      %select_n3A_665 = arith.select %ge3A_664, %masked_sort3A_504, %rev3A_658 : vector<16xi1>, vector<16xf32>
      %select_n3A_666 = arith.select %ge3A_664, %masked_sort3A_505, %rev3A_663 : vector<16xi1>, vector<16xi32>
      %select_n3A_667 = arith.select %ge3A_664, %rev3A_658, %masked_sort3A_504 : vector<16xi1>, vector<16xf32>
      %select_n3A_668 = arith.select %ge3A_664, %rev3A_663, %masked_sort3A_505 : vector<16xi1>, vector<16xi32>
      %masked_sort3A_669 = arith.constant dense<true> : vector<16xi1>
      %masked_sort3A_670, %masked_sort3A_671, %masked_sort3A_672 = tpu.sort %select_n3A_665, %select_n3A_666 masked %masked_sort3A_669 {descending = true} : (vector<16xf32>, vector<16xi32>, vector<16xi1>) -> (vector<16xi1>, vector<16xf32>, vector<16xi32>)
      %masked_sort3A_673 = arith.constant dense<true> : vector<16xi1>
      %masked_sort3A_674, %masked_sort3A_675, %masked_sort3A_676 = tpu.sort %select_n3A_667, %select_n3A_668 masked %masked_sort3A_673 {descending = true} : (vector<16xf32>, vector<16xi32>, vector<16xi1>) -> (vector<16xi1>, vector<16xf32>, vector<16xi32>)
      %rev3A_677 = arith.constant 15 : i32
      %rev3A_678 = vector.broadcast %rev3A_677 : i32 to vector<16xi32>
      %rev3A_679 = tpu.iota {dimensions = array<i32: 0>} : vector<16xi32>
      %rev3A_680 = arith.subi %rev3A_678, %rev3A_679 : vector<16xi32>
      %rev3A_681 = tpu.dynamic_gather %masked_sort3A_516[%rev3A_680] in [0] : vector<16xf32>, vector<16xi32> -> vector<16xf32>
      %rev3A_682 = arith.constant 15 : i32
      %rev3A_683 = vector.broadcast %rev3A_682 : i32 to vector<16xi32>
      %rev3A_684 = tpu.iota {dimensions = array<i32: 0>} : vector<16xi32>
      %rev3A_685 = arith.subi %rev3A_683, %rev3A_684 : vector<16xi32>
      %rev3A_686 = tpu.dynamic_gather %masked_sort3A_517[%rev3A_685] in [0] : vector<16xi32>, vector<16xi32> -> vector<16xi32>
      %ge3A_687 = arith.cmpf oge, %masked_sort3A_512, %rev3A_681 : vector<16xf32>
      %select_n3A_688 = arith.select %ge3A_687, %masked_sort3A_512, %rev3A_681 : vector<16xi1>, vector<16xf32>
      %select_n3A_689 = arith.select %ge3A_687, %masked_sort3A_513, %rev3A_686 : vector<16xi1>, vector<16xi32>
      %select_n3A_690 = arith.select %ge3A_687, %rev3A_681, %masked_sort3A_512 : vector<16xi1>, vector<16xf32>
      %select_n3A_691 = arith.select %ge3A_687, %rev3A_686, %masked_sort3A_513 : vector<16xi1>, vector<16xi32>
      %masked_sort3A_692 = arith.constant dense<true> : vector<16xi1>
      %masked_sort3A_693, %masked_sort3A_694, %masked_sort3A_695 = tpu.sort %select_n3A_688, %select_n3A_689 masked %masked_sort3A_692 {descending = true} : (vector<16xf32>, vector<16xi32>, vector<16xi1>) -> (vector<16xi1>, vector<16xf32>, vector<16xi32>)
      %masked_sort3A_696 = arith.constant dense<true> : vector<16xi1>
      %masked_sort3A_697, %masked_sort3A_698, %masked_sort3A_699 = tpu.sort %select_n3A_690, %select_n3A_691 masked %masked_sort3A_696 {descending = true} : (vector<16xf32>, vector<16xi32>, vector<16xi1>) -> (vector<16xi1>, vector<16xf32>, vector<16xi32>)
      %rev3A_700 = arith.constant 15 : i32
      %rev3A_701 = vector.broadcast %rev3A_700 : i32 to vector<16xi32>
      %rev3A_702 = tpu.iota {dimensions = array<i32: 0>} : vector<16xi32>
      %rev3A_703 = arith.subi %rev3A_701, %rev3A_702 : vector<16xi32>
      %rev3A_704 = tpu.dynamic_gather %masked_sort3A_560[%rev3A_703] in [0] : vector<16xf32>, vector<16xi32> -> vector<16xf32>
      %rev3A_705 = arith.constant 15 : i32
      %rev3A_706 = vector.broadcast %rev3A_705 : i32 to vector<16xi32>
      %rev3A_707 = tpu.iota {dimensions = array<i32: 0>} : vector<16xi32>
      %rev3A_708 = arith.subi %rev3A_706, %rev3A_707 : vector<16xi32>
      %rev3A_709 = tpu.dynamic_gather %masked_sort3A_556[%rev3A_708] in [0] : vector<16xf32>, vector<16xi32> -> vector<16xf32>
      %rev3A_710 = arith.constant 15 : i32
      %rev3A_711 = vector.broadcast %rev3A_710 : i32 to vector<16xi32>
      %rev3A_712 = tpu.iota {dimensions = array<i32: 0>} : vector<16xi32>
      %rev3A_713 = arith.subi %rev3A_711, %rev3A_712 : vector<16xi32>
      %rev3A_714 = tpu.dynamic_gather %masked_sort3A_561[%rev3A_713] in [0] : vector<16xi32>, vector<16xi32> -> vector<16xi32>
      %rev3A_715 = arith.constant 15 : i32
      %rev3A_716 = vector.broadcast %rev3A_715 : i32 to vector<16xi32>
      %rev3A_717 = tpu.iota {dimensions = array<i32: 0>} : vector<16xi32>
      %rev3A_718 = arith.subi %rev3A_716, %rev3A_717 : vector<16xi32>
      %rev3A_719 = tpu.dynamic_gather %masked_sort3A_557[%rev3A_718] in [0] : vector<16xi32>, vector<16xi32> -> vector<16xi32>
      %ge3A_720 = arith.cmpf oge, %masked_sort3A_533, %rev3A_704 : vector<16xf32>
      %select_n3A_721 = arith.select %ge3A_720, %masked_sort3A_533, %rev3A_704 : vector<16xi1>, vector<16xf32>
      %select_n3A_722 = arith.select %ge3A_720, %masked_sort3A_534, %rev3A_714 : vector<16xi1>, vector<16xi32>
      %select_n3A_723 = arith.select %ge3A_720, %rev3A_704, %masked_sort3A_533 : vector<16xi1>, vector<16xf32>
      %select_n3A_724 = arith.select %ge3A_720, %rev3A_714, %masked_sort3A_534 : vector<16xi1>, vector<16xi32>
      %ge3A_725 = arith.cmpf oge, %masked_sort3A_537, %rev3A_709 : vector<16xf32>
      %select_n3A_726 = arith.select %ge3A_725, %masked_sort3A_537, %rev3A_709 : vector<16xi1>, vector<16xf32>
      %select_n3A_727 = arith.select %ge3A_725, %masked_sort3A_538, %rev3A_719 : vector<16xi1>, vector<16xi32>
      %select_n3A_728 = arith.select %ge3A_725, %rev3A_709, %masked_sort3A_537 : vector<16xi1>, vector<16xf32>
      %select_n3A_729 = arith.select %ge3A_725, %rev3A_719, %masked_sort3A_538 : vector<16xi1>, vector<16xi32>
      %ge3A_730 = arith.cmpf oge, %select_n3A_721, %select_n3A_726 : vector<16xf32>
      %select_n3A_731 = arith.select %ge3A_730, %select_n3A_721, %select_n3A_726 : vector<16xi1>, vector<16xf32>
      %select_n3A_732 = arith.select %ge3A_730, %select_n3A_722, %select_n3A_727 : vector<16xi1>, vector<16xi32>
      %select_n3A_733 = arith.select %ge3A_730, %select_n3A_726, %select_n3A_721 : vector<16xi1>, vector<16xf32>
      %select_n3A_734 = arith.select %ge3A_730, %select_n3A_727, %select_n3A_722 : vector<16xi1>, vector<16xi32>
      %ge3A_735 = arith.cmpf oge, %select_n3A_723, %select_n3A_728 : vector<16xf32>
      %select_n3A_736 = arith.select %ge3A_735, %select_n3A_723, %select_n3A_728 : vector<16xi1>, vector<16xf32>
      %select_n3A_737 = arith.select %ge3A_735, %select_n3A_724, %select_n3A_729 : vector<16xi1>, vector<16xi32>
      %select_n3A_738 = arith.select %ge3A_735, %select_n3A_728, %select_n3A_723 : vector<16xi1>, vector<16xf32>
      %select_n3A_739 = arith.select %ge3A_735, %select_n3A_729, %select_n3A_724 : vector<16xi1>, vector<16xi32>
      %masked_sort3A_740 = arith.constant dense<true> : vector<16xi1>
      %masked_sort3A_741, %masked_sort3A_742, %masked_sort3A_743 = tpu.sort %select_n3A_731, %select_n3A_732 masked %masked_sort3A_740 {descending = true} : (vector<16xf32>, vector<16xi32>, vector<16xi1>) -> (vector<16xi1>, vector<16xf32>, vector<16xi32>)
      %masked_sort3A_744 = arith.constant dense<true> : vector<16xi1>
      %masked_sort3A_745, %masked_sort3A_746, %masked_sort3A_747 = tpu.sort %select_n3A_733, %select_n3A_734 masked %masked_sort3A_744 {descending = true} : (vector<16xf32>, vector<16xi32>, vector<16xi1>) -> (vector<16xi1>, vector<16xf32>, vector<16xi32>)
      %masked_sort3A_748 = arith.constant dense<true> : vector<16xi1>
      %masked_sort3A_749, %masked_sort3A_750, %masked_sort3A_751 = tpu.sort %select_n3A_736, %select_n3A_737 masked %masked_sort3A_748 {descending = true} : (vector<16xf32>, vector<16xi32>, vector<16xi1>) -> (vector<16xi1>, vector<16xf32>, vector<16xi32>)
      %masked_sort3A_752 = arith.constant dense<true> : vector<16xi1>
      %masked_sort3A_753, %masked_sort3A_754, %masked_sort3A_755 = tpu.sort %select_n3A_738, %select_n3A_739 masked %masked_sort3A_752 {descending = true} : (vector<16xf32>, vector<16xi32>, vector<16xi1>) -> (vector<16xi1>, vector<16xf32>, vector<16xi32>)
      %rev3A_756 = arith.constant 15 : i32
      %rev3A_757 = vector.broadcast %rev3A_756 : i32 to vector<16xi32>
      %rev3A_758 = tpu.iota {dimensions = array<i32: 0>} : vector<16xi32>
      %rev3A_759 = arith.subi %rev3A_757, %rev3A_758 : vector<16xi32>
      %rev3A_760 = tpu.dynamic_gather %masked_sort3A_606[%rev3A_759] in [0] : vector<16xf32>, vector<16xi32> -> vector<16xf32>
      %rev3A_761 = arith.constant 15 : i32
      %rev3A_762 = vector.broadcast %rev3A_761 : i32 to vector<16xi32>
      %rev3A_763 = tpu.iota {dimensions = array<i32: 0>} : vector<16xi32>
      %rev3A_764 = arith.subi %rev3A_762, %rev3A_763 : vector<16xi32>
      %rev3A_765 = tpu.dynamic_gather %masked_sort3A_602[%rev3A_764] in [0] : vector<16xf32>, vector<16xi32> -> vector<16xf32>
      %rev3A_766 = arith.constant 15 : i32
      %rev3A_767 = vector.broadcast %rev3A_766 : i32 to vector<16xi32>
      %rev3A_768 = tpu.iota {dimensions = array<i32: 0>} : vector<16xi32>
      %rev3A_769 = arith.subi %rev3A_767, %rev3A_768 : vector<16xi32>
      %rev3A_770 = tpu.dynamic_gather %masked_sort3A_607[%rev3A_769] in [0] : vector<16xi32>, vector<16xi32> -> vector<16xi32>
      %rev3A_771 = arith.constant 15 : i32
      %rev3A_772 = vector.broadcast %rev3A_771 : i32 to vector<16xi32>
      %rev3A_773 = tpu.iota {dimensions = array<i32: 0>} : vector<16xi32>
      %rev3A_774 = arith.subi %rev3A_772, %rev3A_773 : vector<16xi32>
      %rev3A_775 = tpu.dynamic_gather %masked_sort3A_603[%rev3A_774] in [0] : vector<16xi32>, vector<16xi32> -> vector<16xi32>
      %ge3A_776 = arith.cmpf oge, %masked_sort3A_579, %rev3A_760 : vector<16xf32>
      %select_n3A_777 = arith.select %ge3A_776, %masked_sort3A_579, %rev3A_760 : vector<16xi1>, vector<16xf32>
      %select_n3A_778 = arith.select %ge3A_776, %masked_sort3A_580, %rev3A_770 : vector<16xi1>, vector<16xi32>
      %select_n3A_779 = arith.select %ge3A_776, %rev3A_760, %masked_sort3A_579 : vector<16xi1>, vector<16xf32>
      %select_n3A_780 = arith.select %ge3A_776, %rev3A_770, %masked_sort3A_580 : vector<16xi1>, vector<16xi32>
      %ge3A_781 = arith.cmpf oge, %masked_sort3A_583, %rev3A_765 : vector<16xf32>
      %select_n3A_782 = arith.select %ge3A_781, %masked_sort3A_583, %rev3A_765 : vector<16xi1>, vector<16xf32>
      %select_n3A_783 = arith.select %ge3A_781, %masked_sort3A_584, %rev3A_775 : vector<16xi1>, vector<16xi32>
      %select_n3A_784 = arith.select %ge3A_781, %rev3A_765, %masked_sort3A_583 : vector<16xi1>, vector<16xf32>
      %select_n3A_785 = arith.select %ge3A_781, %rev3A_775, %masked_sort3A_584 : vector<16xi1>, vector<16xi32>
      %ge3A_786 = arith.cmpf oge, %select_n3A_777, %select_n3A_782 : vector<16xf32>
      %select_n3A_787 = arith.select %ge3A_786, %select_n3A_777, %select_n3A_782 : vector<16xi1>, vector<16xf32>
      %select_n3A_788 = arith.select %ge3A_786, %select_n3A_778, %select_n3A_783 : vector<16xi1>, vector<16xi32>
      %select_n3A_789 = arith.select %ge3A_786, %select_n3A_782, %select_n3A_777 : vector<16xi1>, vector<16xf32>
      %select_n3A_790 = arith.select %ge3A_786, %select_n3A_783, %select_n3A_778 : vector<16xi1>, vector<16xi32>
      %ge3A_791 = arith.cmpf oge, %select_n3A_779, %select_n3A_784 : vector<16xf32>
      %select_n3A_792 = arith.select %ge3A_791, %select_n3A_779, %select_n3A_784 : vector<16xi1>, vector<16xf32>
      %select_n3A_793 = arith.select %ge3A_791, %select_n3A_780, %select_n3A_785 : vector<16xi1>, vector<16xi32>
      %select_n3A_794 = arith.select %ge3A_791, %select_n3A_784, %select_n3A_779 : vector<16xi1>, vector<16xf32>
      %select_n3A_795 = arith.select %ge3A_791, %select_n3A_785, %select_n3A_780 : vector<16xi1>, vector<16xi32>
      %masked_sort3A_796 = arith.constant dense<true> : vector<16xi1>
      %masked_sort3A_797, %masked_sort3A_798, %masked_sort3A_799 = tpu.sort %select_n3A_787, %select_n3A_788 masked %masked_sort3A_796 {descending = true} : (vector<16xf32>, vector<16xi32>, vector<16xi1>) -> (vector<16xi1>, vector<16xf32>, vector<16xi32>)
      %masked_sort3A_800 = arith.constant dense<true> : vector<16xi1>
      %masked_sort3A_801, %masked_sort3A_802, %masked_sort3A_803 = tpu.sort %select_n3A_789, %select_n3A_790 masked %masked_sort3A_800 {descending = true} : (vector<16xf32>, vector<16xi32>, vector<16xi1>) -> (vector<16xi1>, vector<16xf32>, vector<16xi32>)
      %masked_sort3A_804 = arith.constant dense<true> : vector<16xi1>
      %masked_sort3A_805, %masked_sort3A_806, %masked_sort3A_807 = tpu.sort %select_n3A_792, %select_n3A_793 masked %masked_sort3A_804 {descending = true} : (vector<16xf32>, vector<16xi32>, vector<16xi1>) -> (vector<16xi1>, vector<16xf32>, vector<16xi32>)
      %masked_sort3A_808 = arith.constant dense<true> : vector<16xi1>
      %masked_sort3A_809, %masked_sort3A_810, %masked_sort3A_811 = tpu.sort %select_n3A_794, %select_n3A_795 masked %masked_sort3A_808 {descending = true} : (vector<16xf32>, vector<16xi32>, vector<16xi1>) -> (vector<16xi1>, vector<16xf32>, vector<16xi32>)
      %rev3A_812 = arith.constant 15 : i32
      %rev3A_813 = vector.broadcast %rev3A_812 : i32 to vector<16xi32>
      %rev3A_814 = tpu.iota {dimensions = array<i32: 0>} : vector<16xi32>
      %rev3A_815 = arith.subi %rev3A_813, %rev3A_814 : vector<16xi32>
      %rev3A_816 = tpu.dynamic_gather %masked_sort3A_652[%rev3A_815] in [0] : vector<16xf32>, vector<16xi32> -> vector<16xf32>
      %rev3A_817 = arith.constant 15 : i32
      %rev3A_818 = vector.broadcast %rev3A_817 : i32 to vector<16xi32>
      %rev3A_819 = tpu.iota {dimensions = array<i32: 0>} : vector<16xi32>
      %rev3A_820 = arith.subi %rev3A_818, %rev3A_819 : vector<16xi32>
      %rev3A_821 = tpu.dynamic_gather %masked_sort3A_648[%rev3A_820] in [0] : vector<16xf32>, vector<16xi32> -> vector<16xf32>
      %rev3A_822 = arith.constant 15 : i32
      %rev3A_823 = vector.broadcast %rev3A_822 : i32 to vector<16xi32>
      %rev3A_824 = tpu.iota {dimensions = array<i32: 0>} : vector<16xi32>
      %rev3A_825 = arith.subi %rev3A_823, %rev3A_824 : vector<16xi32>
      %rev3A_826 = tpu.dynamic_gather %masked_sort3A_653[%rev3A_825] in [0] : vector<16xi32>, vector<16xi32> -> vector<16xi32>
      %rev3A_827 = arith.constant 15 : i32
      %rev3A_828 = vector.broadcast %rev3A_827 : i32 to vector<16xi32>
      %rev3A_829 = tpu.iota {dimensions = array<i32: 0>} : vector<16xi32>
      %rev3A_830 = arith.subi %rev3A_828, %rev3A_829 : vector<16xi32>
      %rev3A_831 = tpu.dynamic_gather %masked_sort3A_649[%rev3A_830] in [0] : vector<16xi32>, vector<16xi32> -> vector<16xi32>
      %ge3A_832 = arith.cmpf oge, %masked_sort3A_625, %rev3A_816 : vector<16xf32>
      %select_n3A_833 = arith.select %ge3A_832, %masked_sort3A_625, %rev3A_816 : vector<16xi1>, vector<16xf32>
      %select_n3A_834 = arith.select %ge3A_832, %masked_sort3A_626, %rev3A_826 : vector<16xi1>, vector<16xi32>
      %select_n3A_835 = arith.select %ge3A_832, %rev3A_816, %masked_sort3A_625 : vector<16xi1>, vector<16xf32>
      %select_n3A_836 = arith.select %ge3A_832, %rev3A_826, %masked_sort3A_626 : vector<16xi1>, vector<16xi32>
      %ge3A_837 = arith.cmpf oge, %masked_sort3A_629, %rev3A_821 : vector<16xf32>
      %select_n3A_838 = arith.select %ge3A_837, %masked_sort3A_629, %rev3A_821 : vector<16xi1>, vector<16xf32>
      %select_n3A_839 = arith.select %ge3A_837, %masked_sort3A_630, %rev3A_831 : vector<16xi1>, vector<16xi32>
      %select_n3A_840 = arith.select %ge3A_837, %rev3A_821, %masked_sort3A_629 : vector<16xi1>, vector<16xf32>
      %select_n3A_841 = arith.select %ge3A_837, %rev3A_831, %masked_sort3A_630 : vector<16xi1>, vector<16xi32>
      %ge3A_842 = arith.cmpf oge, %select_n3A_833, %select_n3A_838 : vector<16xf32>
      %select_n3A_843 = arith.select %ge3A_842, %select_n3A_833, %select_n3A_838 : vector<16xi1>, vector<16xf32>
      %select_n3A_844 = arith.select %ge3A_842, %select_n3A_834, %select_n3A_839 : vector<16xi1>, vector<16xi32>
      %select_n3A_845 = arith.select %ge3A_842, %select_n3A_838, %select_n3A_833 : vector<16xi1>, vector<16xf32>
      %select_n3A_846 = arith.select %ge3A_842, %select_n3A_839, %select_n3A_834 : vector<16xi1>, vector<16xi32>
      %ge3A_847 = arith.cmpf oge, %select_n3A_835, %select_n3A_840 : vector<16xf32>
      %select_n3A_848 = arith.select %ge3A_847, %select_n3A_835, %select_n3A_840 : vector<16xi1>, vector<16xf32>
      %select_n3A_849 = arith.select %ge3A_847, %select_n3A_836, %select_n3A_841 : vector<16xi1>, vector<16xi32>
      %select_n3A_850 = arith.select %ge3A_847, %select_n3A_840, %select_n3A_835 : vector<16xi1>, vector<16xf32>
      %select_n3A_851 = arith.select %ge3A_847, %select_n3A_841, %select_n3A_836 : vector<16xi1>, vector<16xi32>
      %masked_sort3A_852 = arith.constant dense<true> : vector<16xi1>
      %masked_sort3A_853, %masked_sort3A_854, %masked_sort3A_855 = tpu.sort %select_n3A_843, %select_n3A_844 masked %masked_sort3A_852 {descending = true} : (vector<16xf32>, vector<16xi32>, vector<16xi1>) -> (vector<16xi1>, vector<16xf32>, vector<16xi32>)
      %masked_sort3A_856 = arith.constant dense<true> : vector<16xi1>
      %masked_sort3A_857, %masked_sort3A_858, %masked_sort3A_859 = tpu.sort %select_n3A_845, %select_n3A_846 masked %masked_sort3A_856 {descending = true} : (vector<16xf32>, vector<16xi32>, vector<16xi1>) -> (vector<16xi1>, vector<16xf32>, vector<16xi32>)
      %masked_sort3A_860 = arith.constant dense<true> : vector<16xi1>
      %masked_sort3A_861, %masked_sort3A_862, %masked_sort3A_863 = tpu.sort %select_n3A_848, %select_n3A_849 masked %masked_sort3A_860 {descending = true} : (vector<16xf32>, vector<16xi32>, vector<16xi1>) -> (vector<16xi1>, vector<16xf32>, vector<16xi32>)
      %masked_sort3A_864 = arith.constant dense<true> : vector<16xi1>
      %masked_sort3A_865, %masked_sort3A_866, %masked_sort3A_867 = tpu.sort %select_n3A_850, %select_n3A_851 masked %masked_sort3A_864 {descending = true} : (vector<16xf32>, vector<16xi32>, vector<16xi1>) -> (vector<16xi1>, vector<16xf32>, vector<16xi32>)
      %rev3A_868 = arith.constant 15 : i32
      %rev3A_869 = vector.broadcast %rev3A_868 : i32 to vector<16xi32>
      %rev3A_870 = tpu.iota {dimensions = array<i32: 0>} : vector<16xi32>
      %rev3A_871 = arith.subi %rev3A_869, %rev3A_870 : vector<16xi32>
      %rev3A_872 = tpu.dynamic_gather %masked_sort3A_698[%rev3A_871] in [0] : vector<16xf32>, vector<16xi32> -> vector<16xf32>
      %rev3A_873 = arith.constant 15 : i32
      %rev3A_874 = vector.broadcast %rev3A_873 : i32 to vector<16xi32>
      %rev3A_875 = tpu.iota {dimensions = array<i32: 0>} : vector<16xi32>
      %rev3A_876 = arith.subi %rev3A_874, %rev3A_875 : vector<16xi32>
      %rev3A_877 = tpu.dynamic_gather %masked_sort3A_694[%rev3A_876] in [0] : vector<16xf32>, vector<16xi32> -> vector<16xf32>
      %rev3A_878 = arith.constant 15 : i32
      %rev3A_879 = vector.broadcast %rev3A_878 : i32 to vector<16xi32>
      %rev3A_880 = tpu.iota {dimensions = array<i32: 0>} : vector<16xi32>
      %rev3A_881 = arith.subi %rev3A_879, %rev3A_880 : vector<16xi32>
      %rev3A_882 = tpu.dynamic_gather %masked_sort3A_699[%rev3A_881] in [0] : vector<16xi32>, vector<16xi32> -> vector<16xi32>
      %rev3A_883 = arith.constant 15 : i32
      %rev3A_884 = vector.broadcast %rev3A_883 : i32 to vector<16xi32>
      %rev3A_885 = tpu.iota {dimensions = array<i32: 0>} : vector<16xi32>
      %rev3A_886 = arith.subi %rev3A_884, %rev3A_885 : vector<16xi32>
      %rev3A_887 = tpu.dynamic_gather %masked_sort3A_695[%rev3A_886] in [0] : vector<16xi32>, vector<16xi32> -> vector<16xi32>
      %ge3A_888 = arith.cmpf oge, %masked_sort3A_671, %rev3A_872 : vector<16xf32>
      %select_n3A_889 = arith.select %ge3A_888, %masked_sort3A_671, %rev3A_872 : vector<16xi1>, vector<16xf32>
      %select_n3A_890 = arith.select %ge3A_888, %masked_sort3A_672, %rev3A_882 : vector<16xi1>, vector<16xi32>
      %select_n3A_891 = arith.select %ge3A_888, %rev3A_872, %masked_sort3A_671 : vector<16xi1>, vector<16xf32>
      %select_n3A_892 = arith.select %ge3A_888, %rev3A_882, %masked_sort3A_672 : vector<16xi1>, vector<16xi32>
      %ge3A_893 = arith.cmpf oge, %masked_sort3A_675, %rev3A_877 : vector<16xf32>
      %select_n3A_894 = arith.select %ge3A_893, %masked_sort3A_675, %rev3A_877 : vector<16xi1>, vector<16xf32>
      %select_n3A_895 = arith.select %ge3A_893, %masked_sort3A_676, %rev3A_887 : vector<16xi1>, vector<16xi32>
      %select_n3A_896 = arith.select %ge3A_893, %rev3A_877, %masked_sort3A_675 : vector<16xi1>, vector<16xf32>
      %select_n3A_897 = arith.select %ge3A_893, %rev3A_887, %masked_sort3A_676 : vector<16xi1>, vector<16xi32>
      %ge3A_898 = arith.cmpf oge, %select_n3A_889, %select_n3A_894 : vector<16xf32>
      %select_n3A_899 = arith.select %ge3A_898, %select_n3A_889, %select_n3A_894 : vector<16xi1>, vector<16xf32>
      %select_n3A_900 = arith.select %ge3A_898, %select_n3A_890, %select_n3A_895 : vector<16xi1>, vector<16xi32>
      %select_n3A_901 = arith.select %ge3A_898, %select_n3A_894, %select_n3A_889 : vector<16xi1>, vector<16xf32>
      %select_n3A_902 = arith.select %ge3A_898, %select_n3A_895, %select_n3A_890 : vector<16xi1>, vector<16xi32>
      %ge3A_903 = arith.cmpf oge, %select_n3A_891, %select_n3A_896 : vector<16xf32>
      %select_n3A_904 = arith.select %ge3A_903, %select_n3A_891, %select_n3A_896 : vector<16xi1>, vector<16xf32>
      %select_n3A_905 = arith.select %ge3A_903, %select_n3A_892, %select_n3A_897 : vector<16xi1>, vector<16xi32>
      %select_n3A_906 = arith.select %ge3A_903, %select_n3A_896, %select_n3A_891 : vector<16xi1>, vector<16xf32>
      %select_n3A_907 = arith.select %ge3A_903, %select_n3A_897, %select_n3A_892 : vector<16xi1>, vector<16xi32>
      %masked_sort3A_908 = arith.constant dense<true> : vector<16xi1>
      %masked_sort3A_909, %masked_sort3A_910, %masked_sort3A_911 = tpu.sort %select_n3A_899, %select_n3A_900 masked %masked_sort3A_908 {descending = true} : (vector<16xf32>, vector<16xi32>, vector<16xi1>) -> (vector<16xi1>, vector<16xf32>, vector<16xi32>)
      %masked_sort3A_912 = arith.constant dense<true> : vector<16xi1>
      %masked_sort3A_913, %masked_sort3A_914, %masked_sort3A_915 = tpu.sort %select_n3A_901, %select_n3A_902 masked %masked_sort3A_912 {descending = true} : (vector<16xf32>, vector<16xi32>, vector<16xi1>) -> (vector<16xi1>, vector<16xf32>, vector<16xi32>)
      %masked_sort3A_916 = arith.constant dense<true> : vector<16xi1>
      %masked_sort3A_917, %masked_sort3A_918, %masked_sort3A_919 = tpu.sort %select_n3A_904, %select_n3A_905 masked %masked_sort3A_916 {descending = true} : (vector<16xf32>, vector<16xi32>, vector<16xi1>) -> (vector<16xi1>, vector<16xf32>, vector<16xi32>)
      %masked_sort3A_920 = arith.constant dense<true> : vector<16xi1>
      %masked_sort3A_921, %masked_sort3A_922, %masked_sort3A_923 = tpu.sort %select_n3A_906, %select_n3A_907 masked %masked_sort3A_920 {descending = true} : (vector<16xf32>, vector<16xi32>, vector<16xi1>) -> (vector<16xi1>, vector<16xf32>, vector<16xi32>)
      %rev3A_924 = arith.constant 15 : i32
      %rev3A_925 = vector.broadcast %rev3A_924 : i32 to vector<16xi32>
      %rev3A_926 = tpu.iota {dimensions = array<i32: 0>} : vector<16xi32>
      %rev3A_927 = arith.subi %rev3A_925, %rev3A_926 : vector<16xi32>
      %rev3A_928 = tpu.dynamic_gather %masked_sort3A_810[%rev3A_927] in [0] : vector<16xf32>, vector<16xi32> -> vector<16xf32>
      %rev3A_929 = arith.constant 15 : i32
      %rev3A_930 = vector.broadcast %rev3A_929 : i32 to vector<16xi32>
      %rev3A_931 = tpu.iota {dimensions = array<i32: 0>} : vector<16xi32>
      %rev3A_932 = arith.subi %rev3A_930, %rev3A_931 : vector<16xi32>
      %rev3A_933 = tpu.dynamic_gather %masked_sort3A_806[%rev3A_932] in [0] : vector<16xf32>, vector<16xi32> -> vector<16xf32>
      %rev3A_934 = arith.constant 15 : i32
      %rev3A_935 = vector.broadcast %rev3A_934 : i32 to vector<16xi32>
      %rev3A_936 = tpu.iota {dimensions = array<i32: 0>} : vector<16xi32>
      %rev3A_937 = arith.subi %rev3A_935, %rev3A_936 : vector<16xi32>
      %rev3A_938 = tpu.dynamic_gather %masked_sort3A_802[%rev3A_937] in [0] : vector<16xf32>, vector<16xi32> -> vector<16xf32>
      %rev3A_939 = arith.constant 15 : i32
      %rev3A_940 = vector.broadcast %rev3A_939 : i32 to vector<16xi32>
      %rev3A_941 = tpu.iota {dimensions = array<i32: 0>} : vector<16xi32>
      %rev3A_942 = arith.subi %rev3A_940, %rev3A_941 : vector<16xi32>
      %rev3A_943 = tpu.dynamic_gather %masked_sort3A_798[%rev3A_942] in [0] : vector<16xf32>, vector<16xi32> -> vector<16xf32>
      %rev3A_944 = arith.constant 15 : i32
      %rev3A_945 = vector.broadcast %rev3A_944 : i32 to vector<16xi32>
      %rev3A_946 = tpu.iota {dimensions = array<i32: 0>} : vector<16xi32>
      %rev3A_947 = arith.subi %rev3A_945, %rev3A_946 : vector<16xi32>
      %rev3A_948 = tpu.dynamic_gather %masked_sort3A_811[%rev3A_947] in [0] : vector<16xi32>, vector<16xi32> -> vector<16xi32>
      %rev3A_949 = arith.constant 15 : i32
      %rev3A_950 = vector.broadcast %rev3A_949 : i32 to vector<16xi32>
      %rev3A_951 = tpu.iota {dimensions = array<i32: 0>} : vector<16xi32>
      %rev3A_952 = arith.subi %rev3A_950, %rev3A_951 : vector<16xi32>
      %rev3A_953 = tpu.dynamic_gather %masked_sort3A_807[%rev3A_952] in [0] : vector<16xi32>, vector<16xi32> -> vector<16xi32>
      %rev3A_954 = arith.constant 15 : i32
      %rev3A_955 = vector.broadcast %rev3A_954 : i32 to vector<16xi32>
      %rev3A_956 = tpu.iota {dimensions = array<i32: 0>} : vector<16xi32>
      %rev3A_957 = arith.subi %rev3A_955, %rev3A_956 : vector<16xi32>
      %rev3A_958 = tpu.dynamic_gather %masked_sort3A_803[%rev3A_957] in [0] : vector<16xi32>, vector<16xi32> -> vector<16xi32>
      %rev3A_959 = arith.constant 15 : i32
      %rev3A_960 = vector.broadcast %rev3A_959 : i32 to vector<16xi32>
      %rev3A_961 = tpu.iota {dimensions = array<i32: 0>} : vector<16xi32>
      %rev3A_962 = arith.subi %rev3A_960, %rev3A_961 : vector<16xi32>
      %rev3A_963 = tpu.dynamic_gather %masked_sort3A_799[%rev3A_962] in [0] : vector<16xi32>, vector<16xi32> -> vector<16xi32>
      %ge3A_964 = arith.cmpf oge, %masked_sort3A_742, %rev3A_928 : vector<16xf32>
      %select_n3A_965 = arith.select %ge3A_964, %masked_sort3A_742, %rev3A_928 : vector<16xi1>, vector<16xf32>
      %select_n3A_966 = arith.select %ge3A_964, %masked_sort3A_743, %rev3A_948 : vector<16xi1>, vector<16xi32>
      %select_n3A_967 = arith.select %ge3A_964, %rev3A_928, %masked_sort3A_742 : vector<16xi1>, vector<16xf32>
      %select_n3A_968 = arith.select %ge3A_964, %rev3A_948, %masked_sort3A_743 : vector<16xi1>, vector<16xi32>
      %ge3A_969 = arith.cmpf oge, %masked_sort3A_746, %rev3A_933 : vector<16xf32>
      %select_n3A_970 = arith.select %ge3A_969, %masked_sort3A_746, %rev3A_933 : vector<16xi1>, vector<16xf32>
      %select_n3A_971 = arith.select %ge3A_969, %masked_sort3A_747, %rev3A_953 : vector<16xi1>, vector<16xi32>
      %select_n3A_972 = arith.select %ge3A_969, %rev3A_933, %masked_sort3A_746 : vector<16xi1>, vector<16xf32>
      %select_n3A_973 = arith.select %ge3A_969, %rev3A_953, %masked_sort3A_747 : vector<16xi1>, vector<16xi32>
      %ge3A_974 = arith.cmpf oge, %masked_sort3A_750, %rev3A_938 : vector<16xf32>
      %select_n3A_975 = arith.select %ge3A_974, %masked_sort3A_750, %rev3A_938 : vector<16xi1>, vector<16xf32>
      %select_n3A_976 = arith.select %ge3A_974, %masked_sort3A_751, %rev3A_958 : vector<16xi1>, vector<16xi32>
      %select_n3A_977 = arith.select %ge3A_974, %rev3A_938, %masked_sort3A_750 : vector<16xi1>, vector<16xf32>
      %select_n3A_978 = arith.select %ge3A_974, %rev3A_958, %masked_sort3A_751 : vector<16xi1>, vector<16xi32>
      %ge3A_979 = arith.cmpf oge, %masked_sort3A_754, %rev3A_943 : vector<16xf32>
      %select_n3A_980 = arith.select %ge3A_979, %masked_sort3A_754, %rev3A_943 : vector<16xi1>, vector<16xf32>
      %select_n3A_981 = arith.select %ge3A_979, %masked_sort3A_755, %rev3A_963 : vector<16xi1>, vector<16xi32>
      %select_n3A_982 = arith.select %ge3A_979, %rev3A_943, %masked_sort3A_754 : vector<16xi1>, vector<16xf32>
      %select_n3A_983 = arith.select %ge3A_979, %rev3A_963, %masked_sort3A_755 : vector<16xi1>, vector<16xi32>
      %ge3A_984 = arith.cmpf oge, %select_n3A_965, %select_n3A_975 : vector<16xf32>
      %select_n3A_985 = arith.select %ge3A_984, %select_n3A_965, %select_n3A_975 : vector<16xi1>, vector<16xf32>
      %select_n3A_986 = arith.select %ge3A_984, %select_n3A_966, %select_n3A_976 : vector<16xi1>, vector<16xi32>
      %select_n3A_987 = arith.select %ge3A_984, %select_n3A_975, %select_n3A_965 : vector<16xi1>, vector<16xf32>
      %select_n3A_988 = arith.select %ge3A_984, %select_n3A_976, %select_n3A_966 : vector<16xi1>, vector<16xi32>
      %ge3A_989 = arith.cmpf oge, %select_n3A_970, %select_n3A_980 : vector<16xf32>
      %select_n3A_990 = arith.select %ge3A_989, %select_n3A_970, %select_n3A_980 : vector<16xi1>, vector<16xf32>
      %select_n3A_991 = arith.select %ge3A_989, %select_n3A_971, %select_n3A_981 : vector<16xi1>, vector<16xi32>
      %select_n3A_992 = arith.select %ge3A_989, %select_n3A_980, %select_n3A_970 : vector<16xi1>, vector<16xf32>
      %select_n3A_993 = arith.select %ge3A_989, %select_n3A_981, %select_n3A_971 : vector<16xi1>, vector<16xi32>
      %ge3A_994 = arith.cmpf oge, %select_n3A_967, %select_n3A_977 : vector<16xf32>
      %select_n3A_995 = arith.select %ge3A_994, %select_n3A_967, %select_n3A_977 : vector<16xi1>, vector<16xf32>
      %select_n3A_996 = arith.select %ge3A_994, %select_n3A_968, %select_n3A_978 : vector<16xi1>, vector<16xi32>
      %select_n3A_997 = arith.select %ge3A_994, %select_n3A_977, %select_n3A_967 : vector<16xi1>, vector<16xf32>
      %select_n3A_998 = arith.select %ge3A_994, %select_n3A_978, %select_n3A_968 : vector<16xi1>, vector<16xi32>
      %ge3A_999 = arith.cmpf oge, %select_n3A_972, %select_n3A_982 : vector<16xf32>
      %select_n3A_1000 = arith.select %ge3A_999, %select_n3A_972, %select_n3A_982 : vector<16xi1>, vector<16xf32>
      %select_n3A_1001 = arith.select %ge3A_999, %select_n3A_973, %select_n3A_983 : vector<16xi1>, vector<16xi32>
      %select_n3A_1002 = arith.select %ge3A_999, %select_n3A_982, %select_n3A_972 : vector<16xi1>, vector<16xf32>
      %select_n3A_1003 = arith.select %ge3A_999, %select_n3A_983, %select_n3A_973 : vector<16xi1>, vector<16xi32>
      %ge3A_1004 = arith.cmpf oge, %select_n3A_985, %select_n3A_990 : vector<16xf32>
      %select_n3A_1005 = arith.select %ge3A_1004, %select_n3A_985, %select_n3A_990 : vector<16xi1>, vector<16xf32>
      %select_n3A_1006 = arith.select %ge3A_1004, %select_n3A_986, %select_n3A_991 : vector<16xi1>, vector<16xi32>
      %select_n3A_1007 = arith.select %ge3A_1004, %select_n3A_990, %select_n3A_985 : vector<16xi1>, vector<16xf32>
      %select_n3A_1008 = arith.select %ge3A_1004, %select_n3A_991, %select_n3A_986 : vector<16xi1>, vector<16xi32>
      %ge3A_1009 = arith.cmpf oge, %select_n3A_987, %select_n3A_992 : vector<16xf32>
      %select_n3A_1010 = arith.select %ge3A_1009, %select_n3A_987, %select_n3A_992 : vector<16xi1>, vector<16xf32>
      %select_n3A_1011 = arith.select %ge3A_1009, %select_n3A_988, %select_n3A_993 : vector<16xi1>, vector<16xi32>
      %select_n3A_1012 = arith.select %ge3A_1009, %select_n3A_992, %select_n3A_987 : vector<16xi1>, vector<16xf32>
      %select_n3A_1013 = arith.select %ge3A_1009, %select_n3A_993, %select_n3A_988 : vector<16xi1>, vector<16xi32>
      %ge3A_1014 = arith.cmpf oge, %select_n3A_995, %select_n3A_1000 : vector<16xf32>
      %select_n3A_1015 = arith.select %ge3A_1014, %select_n3A_995, %select_n3A_1000 : vector<16xi1>, vector<16xf32>
      %select_n3A_1016 = arith.select %ge3A_1014, %select_n3A_996, %select_n3A_1001 : vector<16xi1>, vector<16xi32>
      %select_n3A_1017 = arith.select %ge3A_1014, %select_n3A_1000, %select_n3A_995 : vector<16xi1>, vector<16xf32>
      %select_n3A_1018 = arith.select %ge3A_1014, %select_n3A_1001, %select_n3A_996 : vector<16xi1>, vector<16xi32>
      %ge3A_1019 = arith.cmpf oge, %select_n3A_997, %select_n3A_1002 : vector<16xf32>
      %select_n3A_1020 = arith.select %ge3A_1019, %select_n3A_997, %select_n3A_1002 : vector<16xi1>, vector<16xf32>
      %select_n3A_1021 = arith.select %ge3A_1019, %select_n3A_998, %select_n3A_1003 : vector<16xi1>, vector<16xi32>
      %select_n3A_1022 = arith.select %ge3A_1019, %select_n3A_1002, %select_n3A_997 : vector<16xi1>, vector<16xf32>
      %select_n3A_1023 = arith.select %ge3A_1019, %select_n3A_1003, %select_n3A_998 : vector<16xi1>, vector<16xi32>
      %masked_sort3A_1024 = arith.constant dense<true> : vector<16xi1>
      %masked_sort3A_1025, %masked_sort3A_1026, %masked_sort3A_1027 = tpu.sort %select_n3A_1005, %select_n3A_1006 masked %masked_sort3A_1024 {descending = true} : (vector<16xf32>, vector<16xi32>, vector<16xi1>) -> (vector<16xi1>, vector<16xf32>, vector<16xi32>)
      %masked_sort3A_1028 = arith.constant dense<true> : vector<16xi1>
      %masked_sort3A_1029, %masked_sort3A_1030, %masked_sort3A_1031 = tpu.sort %select_n3A_1007, %select_n3A_1008 masked %masked_sort3A_1028 {descending = true} : (vector<16xf32>, vector<16xi32>, vector<16xi1>) -> (vector<16xi1>, vector<16xf32>, vector<16xi32>)
      %masked_sort3A_1032 = arith.constant dense<true> : vector<16xi1>
      %masked_sort3A_1033, %masked_sort3A_1034, %masked_sort3A_1035 = tpu.sort %select_n3A_1010, %select_n3A_1011 masked %masked_sort3A_1032 {descending = true} : (vector<16xf32>, vector<16xi32>, vector<16xi1>) -> (vector<16xi1>, vector<16xf32>, vector<16xi32>)
      %masked_sort3A_1036 = arith.constant dense<true> : vector<16xi1>
      %masked_sort3A_1037, %masked_sort3A_1038, %masked_sort3A_1039 = tpu.sort %select_n3A_1012, %select_n3A_1013 masked %masked_sort3A_1036 {descending = true} : (vector<16xf32>, vector<16xi32>, vector<16xi1>) -> (vector<16xi1>, vector<16xf32>, vector<16xi32>)
      %masked_sort3A_1040 = arith.constant dense<true> : vector<16xi1>
      %masked_sort3A_1041, %masked_sort3A_1042, %masked_sort3A_1043 = tpu.sort %select_n3A_1015, %select_n3A_1016 masked %masked_sort3A_1040 {descending = true} : (vector<16xf32>, vector<16xi32>, vector<16xi1>) -> (vector<16xi1>, vector<16xf32>, vector<16xi32>)
      %masked_sort3A_1044 = arith.constant dense<true> : vector<16xi1>
      %masked_sort3A_1045, %masked_sort3A_1046, %masked_sort3A_1047 = tpu.sort %select_n3A_1017, %select_n3A_1018 masked %masked_sort3A_1044 {descending = true} : (vector<16xf32>, vector<16xi32>, vector<16xi1>) -> (vector<16xi1>, vector<16xf32>, vector<16xi32>)
      %masked_sort3A_1048 = arith.constant dense<true> : vector<16xi1>
      %masked_sort3A_1049, %masked_sort3A_1050, %masked_sort3A_1051 = tpu.sort %select_n3A_1020, %select_n3A_1021 masked %masked_sort3A_1048 {descending = true} : (vector<16xf32>, vector<16xi32>, vector<16xi1>) -> (vector<16xi1>, vector<16xf32>, vector<16xi32>)
      %masked_sort3A_1052 = arith.constant dense<true> : vector<16xi1>
      %masked_sort3A_1053, %masked_sort3A_1054, %masked_sort3A_1055 = tpu.sort %select_n3A_1022, %select_n3A_1023 masked %masked_sort3A_1052 {descending = true} : (vector<16xf32>, vector<16xi32>, vector<16xi1>) -> (vector<16xi1>, vector<16xf32>, vector<16xi32>)
      %rev3A_1056 = arith.constant 15 : i32
      %rev3A_1057 = vector.broadcast %rev3A_1056 : i32 to vector<16xi32>
      %rev3A_1058 = tpu.iota {dimensions = array<i32: 0>} : vector<16xi32>
      %rev3A_1059 = arith.subi %rev3A_1057, %rev3A_1058 : vector<16xi32>
      %rev3A_1060 = tpu.dynamic_gather %masked_sort3A_922[%rev3A_1059] in [0] : vector<16xf32>, vector<16xi32> -> vector<16xf32>
      %rev3A_1061 = arith.constant 15 : i32
      %rev3A_1062 = vector.broadcast %rev3A_1061 : i32 to vector<16xi32>
      %rev3A_1063 = tpu.iota {dimensions = array<i32: 0>} : vector<16xi32>
      %rev3A_1064 = arith.subi %rev3A_1062, %rev3A_1063 : vector<16xi32>
      %rev3A_1065 = tpu.dynamic_gather %masked_sort3A_918[%rev3A_1064] in [0] : vector<16xf32>, vector<16xi32> -> vector<16xf32>
      %rev3A_1066 = arith.constant 15 : i32
      %rev3A_1067 = vector.broadcast %rev3A_1066 : i32 to vector<16xi32>
      %rev3A_1068 = tpu.iota {dimensions = array<i32: 0>} : vector<16xi32>
      %rev3A_1069 = arith.subi %rev3A_1067, %rev3A_1068 : vector<16xi32>
      %rev3A_1070 = tpu.dynamic_gather %masked_sort3A_914[%rev3A_1069] in [0] : vector<16xf32>, vector<16xi32> -> vector<16xf32>
      %rev3A_1071 = arith.constant 15 : i32
      %rev3A_1072 = vector.broadcast %rev3A_1071 : i32 to vector<16xi32>
      %rev3A_1073 = tpu.iota {dimensions = array<i32: 0>} : vector<16xi32>
      %rev3A_1074 = arith.subi %rev3A_1072, %rev3A_1073 : vector<16xi32>
      %rev3A_1075 = tpu.dynamic_gather %masked_sort3A_910[%rev3A_1074] in [0] : vector<16xf32>, vector<16xi32> -> vector<16xf32>
      %rev3A_1076 = arith.constant 15 : i32
      %rev3A_1077 = vector.broadcast %rev3A_1076 : i32 to vector<16xi32>
      %rev3A_1078 = tpu.iota {dimensions = array<i32: 0>} : vector<16xi32>
      %rev3A_1079 = arith.subi %rev3A_1077, %rev3A_1078 : vector<16xi32>
      %rev3A_1080 = tpu.dynamic_gather %masked_sort3A_923[%rev3A_1079] in [0] : vector<16xi32>, vector<16xi32> -> vector<16xi32>
      %rev3A_1081 = arith.constant 15 : i32
      %rev3A_1082 = vector.broadcast %rev3A_1081 : i32 to vector<16xi32>
      %rev3A_1083 = tpu.iota {dimensions = array<i32: 0>} : vector<16xi32>
      %rev3A_1084 = arith.subi %rev3A_1082, %rev3A_1083 : vector<16xi32>
      %rev3A_1085 = tpu.dynamic_gather %masked_sort3A_919[%rev3A_1084] in [0] : vector<16xi32>, vector<16xi32> -> vector<16xi32>
      %rev3A_1086 = arith.constant 15 : i32
      %rev3A_1087 = vector.broadcast %rev3A_1086 : i32 to vector<16xi32>
      %rev3A_1088 = tpu.iota {dimensions = array<i32: 0>} : vector<16xi32>
      %rev3A_1089 = arith.subi %rev3A_1087, %rev3A_1088 : vector<16xi32>
      %rev3A_1090 = tpu.dynamic_gather %masked_sort3A_915[%rev3A_1089] in [0] : vector<16xi32>, vector<16xi32> -> vector<16xi32>
      %rev3A_1091 = arith.constant 15 : i32
      %rev3A_1092 = vector.broadcast %rev3A_1091 : i32 to vector<16xi32>
      %rev3A_1093 = tpu.iota {dimensions = array<i32: 0>} : vector<16xi32>
      %rev3A_1094 = arith.subi %rev3A_1092, %rev3A_1093 : vector<16xi32>
      %rev3A_1095 = tpu.dynamic_gather %masked_sort3A_911[%rev3A_1094] in [0] : vector<16xi32>, vector<16xi32> -> vector<16xi32>
      %ge3A_1096 = arith.cmpf oge, %masked_sort3A_854, %rev3A_1060 : vector<16xf32>
      %select_n3A_1097 = arith.select %ge3A_1096, %masked_sort3A_854, %rev3A_1060 : vector<16xi1>, vector<16xf32>
      %select_n3A_1098 = arith.select %ge3A_1096, %masked_sort3A_855, %rev3A_1080 : vector<16xi1>, vector<16xi32>
      %select_n3A_1099 = arith.select %ge3A_1096, %rev3A_1060, %masked_sort3A_854 : vector<16xi1>, vector<16xf32>
      %select_n3A_1100 = arith.select %ge3A_1096, %rev3A_1080, %masked_sort3A_855 : vector<16xi1>, vector<16xi32>
      %ge3A_1101 = arith.cmpf oge, %masked_sort3A_858, %rev3A_1065 : vector<16xf32>
      %select_n3A_1102 = arith.select %ge3A_1101, %masked_sort3A_858, %rev3A_1065 : vector<16xi1>, vector<16xf32>
      %select_n3A_1103 = arith.select %ge3A_1101, %masked_sort3A_859, %rev3A_1085 : vector<16xi1>, vector<16xi32>
      %select_n3A_1104 = arith.select %ge3A_1101, %rev3A_1065, %masked_sort3A_858 : vector<16xi1>, vector<16xf32>
      %select_n3A_1105 = arith.select %ge3A_1101, %rev3A_1085, %masked_sort3A_859 : vector<16xi1>, vector<16xi32>
      %ge3A_1106 = arith.cmpf oge, %masked_sort3A_862, %rev3A_1070 : vector<16xf32>
      %select_n3A_1107 = arith.select %ge3A_1106, %masked_sort3A_862, %rev3A_1070 : vector<16xi1>, vector<16xf32>
      %select_n3A_1108 = arith.select %ge3A_1106, %masked_sort3A_863, %rev3A_1090 : vector<16xi1>, vector<16xi32>
      %select_n3A_1109 = arith.select %ge3A_1106, %rev3A_1070, %masked_sort3A_862 : vector<16xi1>, vector<16xf32>
      %select_n3A_1110 = arith.select %ge3A_1106, %rev3A_1090, %masked_sort3A_863 : vector<16xi1>, vector<16xi32>
      %ge3A_1111 = arith.cmpf oge, %masked_sort3A_866, %rev3A_1075 : vector<16xf32>
      %select_n3A_1112 = arith.select %ge3A_1111, %masked_sort3A_866, %rev3A_1075 : vector<16xi1>, vector<16xf32>
      %select_n3A_1113 = arith.select %ge3A_1111, %masked_sort3A_867, %rev3A_1095 : vector<16xi1>, vector<16xi32>
      %select_n3A_1114 = arith.select %ge3A_1111, %rev3A_1075, %masked_sort3A_866 : vector<16xi1>, vector<16xf32>
      %select_n3A_1115 = arith.select %ge3A_1111, %rev3A_1095, %masked_sort3A_867 : vector<16xi1>, vector<16xi32>
      %ge3A_1116 = arith.cmpf oge, %select_n3A_1097, %select_n3A_1107 : vector<16xf32>
      %select_n3A_1117 = arith.select %ge3A_1116, %select_n3A_1097, %select_n3A_1107 : vector<16xi1>, vector<16xf32>
      %select_n3A_1118 = arith.select %ge3A_1116, %select_n3A_1098, %select_n3A_1108 : vector<16xi1>, vector<16xi32>
      %select_n3A_1119 = arith.select %ge3A_1116, %select_n3A_1107, %select_n3A_1097 : vector<16xi1>, vector<16xf32>
      %select_n3A_1120 = arith.select %ge3A_1116, %select_n3A_1108, %select_n3A_1098 : vector<16xi1>, vector<16xi32>
      %ge3A_1121 = arith.cmpf oge, %select_n3A_1102, %select_n3A_1112 : vector<16xf32>
      %select_n3A_1122 = arith.select %ge3A_1121, %select_n3A_1102, %select_n3A_1112 : vector<16xi1>, vector<16xf32>
      %select_n3A_1123 = arith.select %ge3A_1121, %select_n3A_1103, %select_n3A_1113 : vector<16xi1>, vector<16xi32>
      %select_n3A_1124 = arith.select %ge3A_1121, %select_n3A_1112, %select_n3A_1102 : vector<16xi1>, vector<16xf32>
      %select_n3A_1125 = arith.select %ge3A_1121, %select_n3A_1113, %select_n3A_1103 : vector<16xi1>, vector<16xi32>
      %ge3A_1126 = arith.cmpf oge, %select_n3A_1099, %select_n3A_1109 : vector<16xf32>
      %select_n3A_1127 = arith.select %ge3A_1126, %select_n3A_1099, %select_n3A_1109 : vector<16xi1>, vector<16xf32>
      %select_n3A_1128 = arith.select %ge3A_1126, %select_n3A_1100, %select_n3A_1110 : vector<16xi1>, vector<16xi32>
      %select_n3A_1129 = arith.select %ge3A_1126, %select_n3A_1109, %select_n3A_1099 : vector<16xi1>, vector<16xf32>
      %select_n3A_1130 = arith.select %ge3A_1126, %select_n3A_1110, %select_n3A_1100 : vector<16xi1>, vector<16xi32>
      %ge3A_1131 = arith.cmpf oge, %select_n3A_1104, %select_n3A_1114 : vector<16xf32>
      %select_n3A_1132 = arith.select %ge3A_1131, %select_n3A_1104, %select_n3A_1114 : vector<16xi1>, vector<16xf32>
      %select_n3A_1133 = arith.select %ge3A_1131, %select_n3A_1105, %select_n3A_1115 : vector<16xi1>, vector<16xi32>
      %select_n3A_1134 = arith.select %ge3A_1131, %select_n3A_1114, %select_n3A_1104 : vector<16xi1>, vector<16xf32>
      %select_n3A_1135 = arith.select %ge3A_1131, %select_n3A_1115, %select_n3A_1105 : vector<16xi1>, vector<16xi32>
      %ge3A_1136 = arith.cmpf oge, %select_n3A_1117, %select_n3A_1122 : vector<16xf32>
      %select_n3A_1137 = arith.select %ge3A_1136, %select_n3A_1117, %select_n3A_1122 : vector<16xi1>, vector<16xf32>
      %select_n3A_1138 = arith.select %ge3A_1136, %select_n3A_1118, %select_n3A_1123 : vector<16xi1>, vector<16xi32>
      %select_n3A_1139 = arith.select %ge3A_1136, %select_n3A_1122, %select_n3A_1117 : vector<16xi1>, vector<16xf32>
      %select_n3A_1140 = arith.select %ge3A_1136, %select_n3A_1123, %select_n3A_1118 : vector<16xi1>, vector<16xi32>
      %ge3A_1141 = arith.cmpf oge, %select_n3A_1119, %select_n3A_1124 : vector<16xf32>
      %select_n3A_1142 = arith.select %ge3A_1141, %select_n3A_1119, %select_n3A_1124 : vector<16xi1>, vector<16xf32>
      %select_n3A_1143 = arith.select %ge3A_1141, %select_n3A_1120, %select_n3A_1125 : vector<16xi1>, vector<16xi32>
      %select_n3A_1144 = arith.select %ge3A_1141, %select_n3A_1124, %select_n3A_1119 : vector<16xi1>, vector<16xf32>
      %select_n3A_1145 = arith.select %ge3A_1141, %select_n3A_1125, %select_n3A_1120 : vector<16xi1>, vector<16xi32>
      %ge3A_1146 = arith.cmpf oge, %select_n3A_1127, %select_n3A_1132 : vector<16xf32>
      %select_n3A_1147 = arith.select %ge3A_1146, %select_n3A_1127, %select_n3A_1132 : vector<16xi1>, vector<16xf32>
      %select_n3A_1148 = arith.select %ge3A_1146, %select_n3A_1128, %select_n3A_1133 : vector<16xi1>, vector<16xi32>
      %select_n3A_1149 = arith.select %ge3A_1146, %select_n3A_1132, %select_n3A_1127 : vector<16xi1>, vector<16xf32>
      %select_n3A_1150 = arith.select %ge3A_1146, %select_n3A_1133, %select_n3A_1128 : vector<16xi1>, vector<16xi32>
      %ge3A_1151 = arith.cmpf oge, %select_n3A_1129, %select_n3A_1134 : vector<16xf32>
      %select_n3A_1152 = arith.select %ge3A_1151, %select_n3A_1129, %select_n3A_1134 : vector<16xi1>, vector<16xf32>
      %select_n3A_1153 = arith.select %ge3A_1151, %select_n3A_1130, %select_n3A_1135 : vector<16xi1>, vector<16xi32>
      %select_n3A_1154 = arith.select %ge3A_1151, %select_n3A_1134, %select_n3A_1129 : vector<16xi1>, vector<16xf32>
      %select_n3A_1155 = arith.select %ge3A_1151, %select_n3A_1135, %select_n3A_1130 : vector<16xi1>, vector<16xi32>
      %masked_sort3A_1156 = arith.constant dense<true> : vector<16xi1>
      %masked_sort3A_1157, %masked_sort3A_1158, %masked_sort3A_1159 = tpu.sort %select_n3A_1137, %select_n3A_1138 masked %masked_sort3A_1156 {descending = true} : (vector<16xf32>, vector<16xi32>, vector<16xi1>) -> (vector<16xi1>, vector<16xf32>, vector<16xi32>)
      %masked_sort3A_1160 = arith.constant dense<true> : vector<16xi1>
      %masked_sort3A_1161, %masked_sort3A_1162, %masked_sort3A_1163 = tpu.sort %select_n3A_1139, %select_n3A_1140 masked %masked_sort3A_1160 {descending = true} : (vector<16xf32>, vector<16xi32>, vector<16xi1>) -> (vector<16xi1>, vector<16xf32>, vector<16xi32>)
      %masked_sort3A_1164 = arith.constant dense<true> : vector<16xi1>
      %masked_sort3A_1165, %masked_sort3A_1166, %masked_sort3A_1167 = tpu.sort %select_n3A_1142, %select_n3A_1143 masked %masked_sort3A_1164 {descending = true} : (vector<16xf32>, vector<16xi32>, vector<16xi1>) -> (vector<16xi1>, vector<16xf32>, vector<16xi32>)
      %masked_sort3A_1168 = arith.constant dense<true> : vector<16xi1>
      %masked_sort3A_1169, %masked_sort3A_1170, %masked_sort3A_1171 = tpu.sort %select_n3A_1144, %select_n3A_1145 masked %masked_sort3A_1168 {descending = true} : (vector<16xf32>, vector<16xi32>, vector<16xi1>) -> (vector<16xi1>, vector<16xf32>, vector<16xi32>)
      %masked_sort3A_1172 = arith.constant dense<true> : vector<16xi1>
      %masked_sort3A_1173, %masked_sort3A_1174, %masked_sort3A_1175 = tpu.sort %select_n3A_1147, %select_n3A_1148 masked %masked_sort3A_1172 {descending = true} : (vector<16xf32>, vector<16xi32>, vector<16xi1>) -> (vector<16xi1>, vector<16xf32>, vector<16xi32>)
      %masked_sort3A_1176 = arith.constant dense<true> : vector<16xi1>
      %masked_sort3A_1177, %masked_sort3A_1178, %masked_sort3A_1179 = tpu.sort %select_n3A_1149, %select_n3A_1150 masked %masked_sort3A_1176 {descending = true} : (vector<16xf32>, vector<16xi32>, vector<16xi1>) -> (vector<16xi1>, vector<16xf32>, vector<16xi32>)
      %masked_sort3A_1180 = arith.constant dense<true> : vector<16xi1>
      %masked_sort3A_1181, %masked_sort3A_1182, %masked_sort3A_1183 = tpu.sort %select_n3A_1152, %select_n3A_1153 masked %masked_sort3A_1180 {descending = true} : (vector<16xf32>, vector<16xi32>, vector<16xi1>) -> (vector<16xi1>, vector<16xf32>, vector<16xi32>)
      %masked_sort3A_1184 = arith.constant dense<true> : vector<16xi1>
      %masked_sort3A_1185, %masked_sort3A_1186, %masked_sort3A_1187 = tpu.sort %select_n3A_1154, %select_n3A_1155 masked %masked_sort3A_1184 {descending = true} : (vector<16xf32>, vector<16xi32>, vector<16xi1>) -> (vector<16xi1>, vector<16xf32>, vector<16xi32>)
      %rev3A_1188 = arith.constant 15 : i32
      %rev3A_1189 = vector.broadcast %rev3A_1188 : i32 to vector<16xi32>
      %rev3A_1190 = tpu.iota {dimensions = array<i32: 0>} : vector<16xi32>
      %rev3A_1191 = arith.subi %rev3A_1189, %rev3A_1190 : vector<16xi32>
      %rev3A_1192 = tpu.dynamic_gather %masked_sort3A_1186[%rev3A_1191] in [0] : vector<16xf32>, vector<16xi32> -> vector<16xf32>
      %rev3A_1193 = arith.constant 15 : i32
      %rev3A_1194 = vector.broadcast %rev3A_1193 : i32 to vector<16xi32>
      %rev3A_1195 = tpu.iota {dimensions = array<i32: 0>} : vector<16xi32>
      %rev3A_1196 = arith.subi %rev3A_1194, %rev3A_1195 : vector<16xi32>
      %rev3A_1197 = tpu.dynamic_gather %masked_sort3A_1182[%rev3A_1196] in [0] : vector<16xf32>, vector<16xi32> -> vector<16xf32>
      %rev3A_1198 = arith.constant 15 : i32
      %rev3A_1199 = vector.broadcast %rev3A_1198 : i32 to vector<16xi32>
      %rev3A_1200 = tpu.iota {dimensions = array<i32: 0>} : vector<16xi32>
      %rev3A_1201 = arith.subi %rev3A_1199, %rev3A_1200 : vector<16xi32>
      %rev3A_1202 = tpu.dynamic_gather %masked_sort3A_1178[%rev3A_1201] in [0] : vector<16xf32>, vector<16xi32> -> vector<16xf32>
      %rev3A_1203 = arith.constant 15 : i32
      %rev3A_1204 = vector.broadcast %rev3A_1203 : i32 to vector<16xi32>
      %rev3A_1205 = tpu.iota {dimensions = array<i32: 0>} : vector<16xi32>
      %rev3A_1206 = arith.subi %rev3A_1204, %rev3A_1205 : vector<16xi32>
      %rev3A_1207 = tpu.dynamic_gather %masked_sort3A_1174[%rev3A_1206] in [0] : vector<16xf32>, vector<16xi32> -> vector<16xf32>
      %rev3A_1208 = arith.constant 15 : i32
      %rev3A_1209 = vector.broadcast %rev3A_1208 : i32 to vector<16xi32>
      %rev3A_1210 = tpu.iota {dimensions = array<i32: 0>} : vector<16xi32>
      %rev3A_1211 = arith.subi %rev3A_1209, %rev3A_1210 : vector<16xi32>
      %rev3A_1212 = tpu.dynamic_gather %masked_sort3A_1170[%rev3A_1211] in [0] : vector<16xf32>, vector<16xi32> -> vector<16xf32>
      %rev3A_1213 = arith.constant 15 : i32
      %rev3A_1214 = vector.broadcast %rev3A_1213 : i32 to vector<16xi32>
      %rev3A_1215 = tpu.iota {dimensions = array<i32: 0>} : vector<16xi32>
      %rev3A_1216 = arith.subi %rev3A_1214, %rev3A_1215 : vector<16xi32>
      %rev3A_1217 = tpu.dynamic_gather %masked_sort3A_1166[%rev3A_1216] in [0] : vector<16xf32>, vector<16xi32> -> vector<16xf32>
      %rev3A_1218 = arith.constant 15 : i32
      %rev3A_1219 = vector.broadcast %rev3A_1218 : i32 to vector<16xi32>
      %rev3A_1220 = tpu.iota {dimensions = array<i32: 0>} : vector<16xi32>
      %rev3A_1221 = arith.subi %rev3A_1219, %rev3A_1220 : vector<16xi32>
      %rev3A_1222 = tpu.dynamic_gather %masked_sort3A_1162[%rev3A_1221] in [0] : vector<16xf32>, vector<16xi32> -> vector<16xf32>
      %rev3A_1223 = arith.constant 15 : i32
      %rev3A_1224 = vector.broadcast %rev3A_1223 : i32 to vector<16xi32>
      %rev3A_1225 = tpu.iota {dimensions = array<i32: 0>} : vector<16xi32>
      %rev3A_1226 = arith.subi %rev3A_1224, %rev3A_1225 : vector<16xi32>
      %rev3A_1227 = tpu.dynamic_gather %masked_sort3A_1158[%rev3A_1226] in [0] : vector<16xf32>, vector<16xi32> -> vector<16xf32>
      %rev3A_1228 = arith.constant 15 : i32
      %rev3A_1229 = vector.broadcast %rev3A_1228 : i32 to vector<16xi32>
      %rev3A_1230 = tpu.iota {dimensions = array<i32: 0>} : vector<16xi32>
      %rev3A_1231 = arith.subi %rev3A_1229, %rev3A_1230 : vector<16xi32>
      %rev3A_1232 = tpu.dynamic_gather %masked_sort3A_1187[%rev3A_1231] in [0] : vector<16xi32>, vector<16xi32> -> vector<16xi32>
      %rev3A_1233 = arith.constant 15 : i32
      %rev3A_1234 = vector.broadcast %rev3A_1233 : i32 to vector<16xi32>
      %rev3A_1235 = tpu.iota {dimensions = array<i32: 0>} : vector<16xi32>
      %rev3A_1236 = arith.subi %rev3A_1234, %rev3A_1235 : vector<16xi32>
      %rev3A_1237 = tpu.dynamic_gather %masked_sort3A_1183[%rev3A_1236] in [0] : vector<16xi32>, vector<16xi32> -> vector<16xi32>
      %rev3A_1238 = arith.constant 15 : i32
      %rev3A_1239 = vector.broadcast %rev3A_1238 : i32 to vector<16xi32>
      %rev3A_1240 = tpu.iota {dimensions = array<i32: 0>} : vector<16xi32>
      %rev3A_1241 = arith.subi %rev3A_1239, %rev3A_1240 : vector<16xi32>
      %rev3A_1242 = tpu.dynamic_gather %masked_sort3A_1179[%rev3A_1241] in [0] : vector<16xi32>, vector<16xi32> -> vector<16xi32>
      %rev3A_1243 = arith.constant 15 : i32
      %rev3A_1244 = vector.broadcast %rev3A_1243 : i32 to vector<16xi32>
      %rev3A_1245 = tpu.iota {dimensions = array<i32: 0>} : vector<16xi32>
      %rev3A_1246 = arith.subi %rev3A_1244, %rev3A_1245 : vector<16xi32>
      %rev3A_1247 = tpu.dynamic_gather %masked_sort3A_1175[%rev3A_1246] in [0] : vector<16xi32>, vector<16xi32> -> vector<16xi32>
      %rev3A_1248 = arith.constant 15 : i32
      %rev3A_1249 = vector.broadcast %rev3A_1248 : i32 to vector<16xi32>
      %rev3A_1250 = tpu.iota {dimensions = array<i32: 0>} : vector<16xi32>
      %rev3A_1251 = arith.subi %rev3A_1249, %rev3A_1250 : vector<16xi32>
      %rev3A_1252 = tpu.dynamic_gather %masked_sort3A_1171[%rev3A_1251] in [0] : vector<16xi32>, vector<16xi32> -> vector<16xi32>
      %rev3A_1253 = arith.constant 15 : i32
      %rev3A_1254 = vector.broadcast %rev3A_1253 : i32 to vector<16xi32>
      %rev3A_1255 = tpu.iota {dimensions = array<i32: 0>} : vector<16xi32>
      %rev3A_1256 = arith.subi %rev3A_1254, %rev3A_1255 : vector<16xi32>
      %rev3A_1257 = tpu.dynamic_gather %masked_sort3A_1167[%rev3A_1256] in [0] : vector<16xi32>, vector<16xi32> -> vector<16xi32>
      %rev3A_1258 = arith.constant 15 : i32
      %rev3A_1259 = vector.broadcast %rev3A_1258 : i32 to vector<16xi32>
      %rev3A_1260 = tpu.iota {dimensions = array<i32: 0>} : vector<16xi32>
      %rev3A_1261 = arith.subi %rev3A_1259, %rev3A_1260 : vector<16xi32>
      %rev3A_1262 = tpu.dynamic_gather %masked_sort3A_1163[%rev3A_1261] in [0] : vector<16xi32>, vector<16xi32> -> vector<16xi32>
      %rev3A_1263 = arith.constant 15 : i32
      %rev3A_1264 = vector.broadcast %rev3A_1263 : i32 to vector<16xi32>
      %rev3A_1265 = tpu.iota {dimensions = array<i32: 0>} : vector<16xi32>
      %rev3A_1266 = arith.subi %rev3A_1264, %rev3A_1265 : vector<16xi32>
      %rev3A_1267 = tpu.dynamic_gather %masked_sort3A_1159[%rev3A_1266] in [0] : vector<16xi32>, vector<16xi32> -> vector<16xi32>
      %ge3A_1268 = arith.cmpf oge, %masked_sort3A_1026, %rev3A_1192 : vector<16xf32>
      %select_n3A_1269 = arith.select %ge3A_1268, %masked_sort3A_1026, %rev3A_1192 : vector<16xi1>, vector<16xf32>
      %select_n3A_1270 = arith.select %ge3A_1268, %masked_sort3A_1027, %rev3A_1232 : vector<16xi1>, vector<16xi32>
      %select_n3A_1271 = arith.select %ge3A_1268, %rev3A_1192, %masked_sort3A_1026 : vector<16xi1>, vector<16xf32>
      %select_n3A_1272 = arith.select %ge3A_1268, %rev3A_1232, %masked_sort3A_1027 : vector<16xi1>, vector<16xi32>
      %ge3A_1273 = arith.cmpf oge, %masked_sort3A_1030, %rev3A_1197 : vector<16xf32>
      %select_n3A_1274 = arith.select %ge3A_1273, %masked_sort3A_1030, %rev3A_1197 : vector<16xi1>, vector<16xf32>
      %select_n3A_1275 = arith.select %ge3A_1273, %masked_sort3A_1031, %rev3A_1237 : vector<16xi1>, vector<16xi32>
      %select_n3A_1276 = arith.select %ge3A_1273, %rev3A_1197, %masked_sort3A_1030 : vector<16xi1>, vector<16xf32>
      %select_n3A_1277 = arith.select %ge3A_1273, %rev3A_1237, %masked_sort3A_1031 : vector<16xi1>, vector<16xi32>
      %ge3A_1278 = arith.cmpf oge, %masked_sort3A_1034, %rev3A_1202 : vector<16xf32>
      %select_n3A_1279 = arith.select %ge3A_1278, %masked_sort3A_1034, %rev3A_1202 : vector<16xi1>, vector<16xf32>
      %select_n3A_1280 = arith.select %ge3A_1278, %masked_sort3A_1035, %rev3A_1242 : vector<16xi1>, vector<16xi32>
      %select_n3A_1281 = arith.select %ge3A_1278, %rev3A_1202, %masked_sort3A_1034 : vector<16xi1>, vector<16xf32>
      %select_n3A_1282 = arith.select %ge3A_1278, %rev3A_1242, %masked_sort3A_1035 : vector<16xi1>, vector<16xi32>
      %ge3A_1283 = arith.cmpf oge, %masked_sort3A_1038, %rev3A_1207 : vector<16xf32>
      %select_n3A_1284 = arith.select %ge3A_1283, %masked_sort3A_1038, %rev3A_1207 : vector<16xi1>, vector<16xf32>
      %select_n3A_1285 = arith.select %ge3A_1283, %masked_sort3A_1039, %rev3A_1247 : vector<16xi1>, vector<16xi32>
      %select_n3A_1286 = arith.select %ge3A_1283, %rev3A_1207, %masked_sort3A_1038 : vector<16xi1>, vector<16xf32>
      %select_n3A_1287 = arith.select %ge3A_1283, %rev3A_1247, %masked_sort3A_1039 : vector<16xi1>, vector<16xi32>
      %ge3A_1288 = arith.cmpf oge, %masked_sort3A_1042, %rev3A_1212 : vector<16xf32>
      %select_n3A_1289 = arith.select %ge3A_1288, %masked_sort3A_1042, %rev3A_1212 : vector<16xi1>, vector<16xf32>
      %select_n3A_1290 = arith.select %ge3A_1288, %masked_sort3A_1043, %rev3A_1252 : vector<16xi1>, vector<16xi32>
      %select_n3A_1291 = arith.select %ge3A_1288, %rev3A_1212, %masked_sort3A_1042 : vector<16xi1>, vector<16xf32>
      %select_n3A_1292 = arith.select %ge3A_1288, %rev3A_1252, %masked_sort3A_1043 : vector<16xi1>, vector<16xi32>
      %ge3A_1293 = arith.cmpf oge, %masked_sort3A_1046, %rev3A_1217 : vector<16xf32>
      %select_n3A_1294 = arith.select %ge3A_1293, %masked_sort3A_1046, %rev3A_1217 : vector<16xi1>, vector<16xf32>
      %select_n3A_1295 = arith.select %ge3A_1293, %masked_sort3A_1047, %rev3A_1257 : vector<16xi1>, vector<16xi32>
      %select_n3A_1296 = arith.select %ge3A_1293, %rev3A_1217, %masked_sort3A_1046 : vector<16xi1>, vector<16xf32>
      %select_n3A_1297 = arith.select %ge3A_1293, %rev3A_1257, %masked_sort3A_1047 : vector<16xi1>, vector<16xi32>
      %ge3A_1298 = arith.cmpf oge, %masked_sort3A_1050, %rev3A_1222 : vector<16xf32>
      %select_n3A_1299 = arith.select %ge3A_1298, %masked_sort3A_1050, %rev3A_1222 : vector<16xi1>, vector<16xf32>
      %select_n3A_1300 = arith.select %ge3A_1298, %masked_sort3A_1051, %rev3A_1262 : vector<16xi1>, vector<16xi32>
      %select_n3A_1301 = arith.select %ge3A_1298, %rev3A_1222, %masked_sort3A_1050 : vector<16xi1>, vector<16xf32>
      %select_n3A_1302 = arith.select %ge3A_1298, %rev3A_1262, %masked_sort3A_1051 : vector<16xi1>, vector<16xi32>
      %ge3A_1303 = arith.cmpf oge, %masked_sort3A_1054, %rev3A_1227 : vector<16xf32>
      %select_n3A_1304 = arith.select %ge3A_1303, %masked_sort3A_1054, %rev3A_1227 : vector<16xi1>, vector<16xf32>
      %select_n3A_1305 = arith.select %ge3A_1303, %masked_sort3A_1055, %rev3A_1267 : vector<16xi1>, vector<16xi32>
      %select_n3A_1306 = arith.select %ge3A_1303, %rev3A_1227, %masked_sort3A_1054 : vector<16xi1>, vector<16xf32>
      %select_n3A_1307 = arith.select %ge3A_1303, %rev3A_1267, %masked_sort3A_1055 : vector<16xi1>, vector<16xi32>
      %ge3A_1308 = arith.cmpf oge, %select_n3A_1269, %select_n3A_1289 : vector<16xf32>
      %select_n3A_1309 = arith.select %ge3A_1308, %select_n3A_1269, %select_n3A_1289 : vector<16xi1>, vector<16xf32>
      %select_n3A_1310 = arith.select %ge3A_1308, %select_n3A_1270, %select_n3A_1290 : vector<16xi1>, vector<16xi32>
      %select_n3A_1311 = arith.select %ge3A_1308, %select_n3A_1289, %select_n3A_1269 : vector<16xi1>, vector<16xf32>
      %select_n3A_1312 = arith.select %ge3A_1308, %select_n3A_1290, %select_n3A_1270 : vector<16xi1>, vector<16xi32>
      %ge3A_1313 = arith.cmpf oge, %select_n3A_1274, %select_n3A_1294 : vector<16xf32>
      %select_n3A_1314 = arith.select %ge3A_1313, %select_n3A_1274, %select_n3A_1294 : vector<16xi1>, vector<16xf32>
      %select_n3A_1315 = arith.select %ge3A_1313, %select_n3A_1275, %select_n3A_1295 : vector<16xi1>, vector<16xi32>
      %select_n3A_1316 = arith.select %ge3A_1313, %select_n3A_1294, %select_n3A_1274 : vector<16xi1>, vector<16xf32>
      %select_n3A_1317 = arith.select %ge3A_1313, %select_n3A_1295, %select_n3A_1275 : vector<16xi1>, vector<16xi32>
      %ge3A_1318 = arith.cmpf oge, %select_n3A_1279, %select_n3A_1299 : vector<16xf32>
      %select_n3A_1319 = arith.select %ge3A_1318, %select_n3A_1279, %select_n3A_1299 : vector<16xi1>, vector<16xf32>
      %select_n3A_1320 = arith.select %ge3A_1318, %select_n3A_1280, %select_n3A_1300 : vector<16xi1>, vector<16xi32>
      %select_n3A_1321 = arith.select %ge3A_1318, %select_n3A_1299, %select_n3A_1279 : vector<16xi1>, vector<16xf32>
      %select_n3A_1322 = arith.select %ge3A_1318, %select_n3A_1300, %select_n3A_1280 : vector<16xi1>, vector<16xi32>
      %ge3A_1323 = arith.cmpf oge, %select_n3A_1284, %select_n3A_1304 : vector<16xf32>
      %select_n3A_1324 = arith.select %ge3A_1323, %select_n3A_1284, %select_n3A_1304 : vector<16xi1>, vector<16xf32>
      %select_n3A_1325 = arith.select %ge3A_1323, %select_n3A_1285, %select_n3A_1305 : vector<16xi1>, vector<16xi32>
      %select_n3A_1326 = arith.select %ge3A_1323, %select_n3A_1304, %select_n3A_1284 : vector<16xi1>, vector<16xf32>
      %select_n3A_1327 = arith.select %ge3A_1323, %select_n3A_1305, %select_n3A_1285 : vector<16xi1>, vector<16xi32>
      %ge3A_1328 = arith.cmpf oge, %select_n3A_1271, %select_n3A_1291 : vector<16xf32>
      %select_n3A_1329 = arith.select %ge3A_1328, %select_n3A_1271, %select_n3A_1291 : vector<16xi1>, vector<16xf32>
      %select_n3A_1330 = arith.select %ge3A_1328, %select_n3A_1272, %select_n3A_1292 : vector<16xi1>, vector<16xi32>
      %select_n3A_1331 = arith.select %ge3A_1328, %select_n3A_1291, %select_n3A_1271 : vector<16xi1>, vector<16xf32>
      %select_n3A_1332 = arith.select %ge3A_1328, %select_n3A_1292, %select_n3A_1272 : vector<16xi1>, vector<16xi32>
      %ge3A_1333 = arith.cmpf oge, %select_n3A_1276, %select_n3A_1296 : vector<16xf32>
      %select_n3A_1334 = arith.select %ge3A_1333, %select_n3A_1276, %select_n3A_1296 : vector<16xi1>, vector<16xf32>
      %select_n3A_1335 = arith.select %ge3A_1333, %select_n3A_1277, %select_n3A_1297 : vector<16xi1>, vector<16xi32>
      %select_n3A_1336 = arith.select %ge3A_1333, %select_n3A_1296, %select_n3A_1276 : vector<16xi1>, vector<16xf32>
      %select_n3A_1337 = arith.select %ge3A_1333, %select_n3A_1297, %select_n3A_1277 : vector<16xi1>, vector<16xi32>
      %ge3A_1338 = arith.cmpf oge, %select_n3A_1281, %select_n3A_1301 : vector<16xf32>
      %select_n3A_1339 = arith.select %ge3A_1338, %select_n3A_1281, %select_n3A_1301 : vector<16xi1>, vector<16xf32>
      %select_n3A_1340 = arith.select %ge3A_1338, %select_n3A_1282, %select_n3A_1302 : vector<16xi1>, vector<16xi32>
      %select_n3A_1341 = arith.select %ge3A_1338, %select_n3A_1301, %select_n3A_1281 : vector<16xi1>, vector<16xf32>
      %select_n3A_1342 = arith.select %ge3A_1338, %select_n3A_1302, %select_n3A_1282 : vector<16xi1>, vector<16xi32>
      %ge3A_1343 = arith.cmpf oge, %select_n3A_1286, %select_n3A_1306 : vector<16xf32>
      %select_n3A_1344 = arith.select %ge3A_1343, %select_n3A_1286, %select_n3A_1306 : vector<16xi1>, vector<16xf32>
      %select_n3A_1345 = arith.select %ge3A_1343, %select_n3A_1287, %select_n3A_1307 : vector<16xi1>, vector<16xi32>
      %select_n3A_1346 = arith.select %ge3A_1343, %select_n3A_1306, %select_n3A_1286 : vector<16xi1>, vector<16xf32>
      %select_n3A_1347 = arith.select %ge3A_1343, %select_n3A_1307, %select_n3A_1287 : vector<16xi1>, vector<16xi32>
      %ge3A_1348 = arith.cmpf oge, %select_n3A_1309, %select_n3A_1319 : vector<16xf32>
      %select_n3A_1349 = arith.select %ge3A_1348, %select_n3A_1309, %select_n3A_1319 : vector<16xi1>, vector<16xf32>
      %select_n3A_1350 = arith.select %ge3A_1348, %select_n3A_1310, %select_n3A_1320 : vector<16xi1>, vector<16xi32>
      %select_n3A_1351 = arith.select %ge3A_1348, %select_n3A_1319, %select_n3A_1309 : vector<16xi1>, vector<16xf32>
      %select_n3A_1352 = arith.select %ge3A_1348, %select_n3A_1320, %select_n3A_1310 : vector<16xi1>, vector<16xi32>
      %ge3A_1353 = arith.cmpf oge, %select_n3A_1314, %select_n3A_1324 : vector<16xf32>
      %select_n3A_1354 = arith.select %ge3A_1353, %select_n3A_1314, %select_n3A_1324 : vector<16xi1>, vector<16xf32>
      %select_n3A_1355 = arith.select %ge3A_1353, %select_n3A_1315, %select_n3A_1325 : vector<16xi1>, vector<16xi32>
      %select_n3A_1356 = arith.select %ge3A_1353, %select_n3A_1324, %select_n3A_1314 : vector<16xi1>, vector<16xf32>
      %select_n3A_1357 = arith.select %ge3A_1353, %select_n3A_1325, %select_n3A_1315 : vector<16xi1>, vector<16xi32>
      %ge3A_1358 = arith.cmpf oge, %select_n3A_1311, %select_n3A_1321 : vector<16xf32>
      %select_n3A_1359 = arith.select %ge3A_1358, %select_n3A_1311, %select_n3A_1321 : vector<16xi1>, vector<16xf32>
      %select_n3A_1360 = arith.select %ge3A_1358, %select_n3A_1312, %select_n3A_1322 : vector<16xi1>, vector<16xi32>
      %select_n3A_1361 = arith.select %ge3A_1358, %select_n3A_1321, %select_n3A_1311 : vector<16xi1>, vector<16xf32>
      %select_n3A_1362 = arith.select %ge3A_1358, %select_n3A_1322, %select_n3A_1312 : vector<16xi1>, vector<16xi32>
      %ge3A_1363 = arith.cmpf oge, %select_n3A_1316, %select_n3A_1326 : vector<16xf32>
      %select_n3A_1364 = arith.select %ge3A_1363, %select_n3A_1316, %select_n3A_1326 : vector<16xi1>, vector<16xf32>
      %select_n3A_1365 = arith.select %ge3A_1363, %select_n3A_1317, %select_n3A_1327 : vector<16xi1>, vector<16xi32>
      %select_n3A_1366 = arith.select %ge3A_1363, %select_n3A_1326, %select_n3A_1316 : vector<16xi1>, vector<16xf32>
      %select_n3A_1367 = arith.select %ge3A_1363, %select_n3A_1327, %select_n3A_1317 : vector<16xi1>, vector<16xi32>
      %ge3A_1368 = arith.cmpf oge, %select_n3A_1329, %select_n3A_1339 : vector<16xf32>
      %select_n3A_1369 = arith.select %ge3A_1368, %select_n3A_1329, %select_n3A_1339 : vector<16xi1>, vector<16xf32>
      %select_n3A_1370 = arith.select %ge3A_1368, %select_n3A_1330, %select_n3A_1340 : vector<16xi1>, vector<16xi32>
      %select_n3A_1371 = arith.select %ge3A_1368, %select_n3A_1339, %select_n3A_1329 : vector<16xi1>, vector<16xf32>
      %select_n3A_1372 = arith.select %ge3A_1368, %select_n3A_1340, %select_n3A_1330 : vector<16xi1>, vector<16xi32>
      %ge3A_1373 = arith.cmpf oge, %select_n3A_1334, %select_n3A_1344 : vector<16xf32>
      %select_n3A_1374 = arith.select %ge3A_1373, %select_n3A_1334, %select_n3A_1344 : vector<16xi1>, vector<16xf32>
      %select_n3A_1375 = arith.select %ge3A_1373, %select_n3A_1335, %select_n3A_1345 : vector<16xi1>, vector<16xi32>
      %select_n3A_1376 = arith.select %ge3A_1373, %select_n3A_1344, %select_n3A_1334 : vector<16xi1>, vector<16xf32>
      %select_n3A_1377 = arith.select %ge3A_1373, %select_n3A_1345, %select_n3A_1335 : vector<16xi1>, vector<16xi32>
      %ge3A_1378 = arith.cmpf oge, %select_n3A_1331, %select_n3A_1341 : vector<16xf32>
      %select_n3A_1379 = arith.select %ge3A_1378, %select_n3A_1331, %select_n3A_1341 : vector<16xi1>, vector<16xf32>
      %select_n3A_1380 = arith.select %ge3A_1378, %select_n3A_1332, %select_n3A_1342 : vector<16xi1>, vector<16xi32>
      %select_n3A_1381 = arith.select %ge3A_1378, %select_n3A_1341, %select_n3A_1331 : vector<16xi1>, vector<16xf32>
      %select_n3A_1382 = arith.select %ge3A_1378, %select_n3A_1342, %select_n3A_1332 : vector<16xi1>, vector<16xi32>
      %ge3A_1383 = arith.cmpf oge, %select_n3A_1336, %select_n3A_1346 : vector<16xf32>
      %select_n3A_1384 = arith.select %ge3A_1383, %select_n3A_1336, %select_n3A_1346 : vector<16xi1>, vector<16xf32>
      %select_n3A_1385 = arith.select %ge3A_1383, %select_n3A_1337, %select_n3A_1347 : vector<16xi1>, vector<16xi32>
      %select_n3A_1386 = arith.select %ge3A_1383, %select_n3A_1346, %select_n3A_1336 : vector<16xi1>, vector<16xf32>
      %select_n3A_1387 = arith.select %ge3A_1383, %select_n3A_1347, %select_n3A_1337 : vector<16xi1>, vector<16xi32>
      %ge3A_1388 = arith.cmpf oge, %select_n3A_1349, %select_n3A_1354 : vector<16xf32>
      %select_n3A_1389 = arith.select %ge3A_1388, %select_n3A_1349, %select_n3A_1354 : vector<16xi1>, vector<16xf32>
      %select_n3A_1390 = arith.select %ge3A_1388, %select_n3A_1350, %select_n3A_1355 : vector<16xi1>, vector<16xi32>
      %select_n3A_1391 = arith.select %ge3A_1388, %select_n3A_1354, %select_n3A_1349 : vector<16xi1>, vector<16xf32>
      %select_n3A_1392 = arith.select %ge3A_1388, %select_n3A_1355, %select_n3A_1350 : vector<16xi1>, vector<16xi32>
      %ge3A_1393 = arith.cmpf oge, %select_n3A_1351, %select_n3A_1356 : vector<16xf32>
      %select_n3A_1394 = arith.select %ge3A_1393, %select_n3A_1351, %select_n3A_1356 : vector<16xi1>, vector<16xf32>
      %select_n3A_1395 = arith.select %ge3A_1393, %select_n3A_1352, %select_n3A_1357 : vector<16xi1>, vector<16xi32>
      %select_n3A_1396 = arith.select %ge3A_1393, %select_n3A_1356, %select_n3A_1351 : vector<16xi1>, vector<16xf32>
      %select_n3A_1397 = arith.select %ge3A_1393, %select_n3A_1357, %select_n3A_1352 : vector<16xi1>, vector<16xi32>
      %ge3A_1398 = arith.cmpf oge, %select_n3A_1359, %select_n3A_1364 : vector<16xf32>
      %select_n3A_1399 = arith.select %ge3A_1398, %select_n3A_1359, %select_n3A_1364 : vector<16xi1>, vector<16xf32>
      %select_n3A_1400 = arith.select %ge3A_1398, %select_n3A_1360, %select_n3A_1365 : vector<16xi1>, vector<16xi32>
      %select_n3A_1401 = arith.select %ge3A_1398, %select_n3A_1364, %select_n3A_1359 : vector<16xi1>, vector<16xf32>
      %select_n3A_1402 = arith.select %ge3A_1398, %select_n3A_1365, %select_n3A_1360 : vector<16xi1>, vector<16xi32>
      %ge3A_1403 = arith.cmpf oge, %select_n3A_1361, %select_n3A_1366 : vector<16xf32>
      %select_n3A_1404 = arith.select %ge3A_1403, %select_n3A_1361, %select_n3A_1366 : vector<16xi1>, vector<16xf32>
      %select_n3A_1405 = arith.select %ge3A_1403, %select_n3A_1362, %select_n3A_1367 : vector<16xi1>, vector<16xi32>
      %select_n3A_1406 = arith.select %ge3A_1403, %select_n3A_1366, %select_n3A_1361 : vector<16xi1>, vector<16xf32>
      %select_n3A_1407 = arith.select %ge3A_1403, %select_n3A_1367, %select_n3A_1362 : vector<16xi1>, vector<16xi32>
      %ge3A_1408 = arith.cmpf oge, %select_n3A_1369, %select_n3A_1374 : vector<16xf32>
      %select_n3A_1409 = arith.select %ge3A_1408, %select_n3A_1369, %select_n3A_1374 : vector<16xi1>, vector<16xf32>
      %select_n3A_1410 = arith.select %ge3A_1408, %select_n3A_1370, %select_n3A_1375 : vector<16xi1>, vector<16xi32>
      %select_n3A_1411 = arith.select %ge3A_1408, %select_n3A_1374, %select_n3A_1369 : vector<16xi1>, vector<16xf32>
      %select_n3A_1412 = arith.select %ge3A_1408, %select_n3A_1375, %select_n3A_1370 : vector<16xi1>, vector<16xi32>
      %ge3A_1413 = arith.cmpf oge, %select_n3A_1371, %select_n3A_1376 : vector<16xf32>
      %select_n3A_1414 = arith.select %ge3A_1413, %select_n3A_1371, %select_n3A_1376 : vector<16xi1>, vector<16xf32>
      %select_n3A_1415 = arith.select %ge3A_1413, %select_n3A_1372, %select_n3A_1377 : vector<16xi1>, vector<16xi32>
      %select_n3A_1416 = arith.select %ge3A_1413, %select_n3A_1376, %select_n3A_1371 : vector<16xi1>, vector<16xf32>
      %select_n3A_1417 = arith.select %ge3A_1413, %select_n3A_1377, %select_n3A_1372 : vector<16xi1>, vector<16xi32>
      %ge3A_1418 = arith.cmpf oge, %select_n3A_1379, %select_n3A_1384 : vector<16xf32>
      %select_n3A_1419 = arith.select %ge3A_1418, %select_n3A_1379, %select_n3A_1384 : vector<16xi1>, vector<16xf32>
      %select_n3A_1420 = arith.select %ge3A_1418, %select_n3A_1380, %select_n3A_1385 : vector<16xi1>, vector<16xi32>
      %select_n3A_1421 = arith.select %ge3A_1418, %select_n3A_1384, %select_n3A_1379 : vector<16xi1>, vector<16xf32>
      %select_n3A_1422 = arith.select %ge3A_1418, %select_n3A_1385, %select_n3A_1380 : vector<16xi1>, vector<16xi32>
      %ge3A_1423 = arith.cmpf oge, %select_n3A_1381, %select_n3A_1386 : vector<16xf32>
      %select_n3A_1424 = arith.select %ge3A_1423, %select_n3A_1381, %select_n3A_1386 : vector<16xi1>, vector<16xf32>
      %select_n3A_1425 = arith.select %ge3A_1423, %select_n3A_1382, %select_n3A_1387 : vector<16xi1>, vector<16xi32>
      %select_n3A_1426 = arith.select %ge3A_1423, %select_n3A_1386, %select_n3A_1381 : vector<16xi1>, vector<16xf32>
      %select_n3A_1427 = arith.select %ge3A_1423, %select_n3A_1387, %select_n3A_1382 : vector<16xi1>, vector<16xi32>
      %masked_sort3A_1428 = arith.constant dense<true> : vector<16xi1>
      %masked_sort3A_1429, %masked_sort3A_1430, %masked_sort3A_1431 = tpu.sort %select_n3A_1389, %select_n3A_1390 masked %masked_sort3A_1428 {descending = true} : (vector<16xf32>, vector<16xi32>, vector<16xi1>) -> (vector<16xi1>, vector<16xf32>, vector<16xi32>)
      %masked_sort3A_1432 = arith.constant dense<true> : vector<16xi1>
      %masked_sort3A_1433, %masked_sort3A_1434, %masked_sort3A_1435 = tpu.sort %select_n3A_1391, %select_n3A_1392 masked %masked_sort3A_1432 {descending = true} : (vector<16xf32>, vector<16xi32>, vector<16xi1>) -> (vector<16xi1>, vector<16xf32>, vector<16xi32>)
      %masked_sort3A_1436 = arith.constant dense<true> : vector<16xi1>
      %masked_sort3A_1437, %masked_sort3A_1438, %masked_sort3A_1439 = tpu.sort %select_n3A_1394, %select_n3A_1395 masked %masked_sort3A_1436 {descending = true} : (vector<16xf32>, vector<16xi32>, vector<16xi1>) -> (vector<16xi1>, vector<16xf32>, vector<16xi32>)
      %masked_sort3A_1440 = arith.constant dense<true> : vector<16xi1>
      %masked_sort3A_1441, %masked_sort3A_1442, %masked_sort3A_1443 = tpu.sort %select_n3A_1396, %select_n3A_1397 masked %masked_sort3A_1440 {descending = true} : (vector<16xf32>, vector<16xi32>, vector<16xi1>) -> (vector<16xi1>, vector<16xf32>, vector<16xi32>)
      %masked_sort3A_1444 = arith.constant dense<true> : vector<16xi1>
      %masked_sort3A_1445, %masked_sort3A_1446, %masked_sort3A_1447 = tpu.sort %select_n3A_1399, %select_n3A_1400 masked %masked_sort3A_1444 {descending = true} : (vector<16xf32>, vector<16xi32>, vector<16xi1>) -> (vector<16xi1>, vector<16xf32>, vector<16xi32>)
      %masked_sort3A_1448 = arith.constant dense<true> : vector<16xi1>
      %masked_sort3A_1449, %masked_sort3A_1450, %masked_sort3A_1451 = tpu.sort %select_n3A_1401, %select_n3A_1402 masked %masked_sort3A_1448 {descending = true} : (vector<16xf32>, vector<16xi32>, vector<16xi1>) -> (vector<16xi1>, vector<16xf32>, vector<16xi32>)
      %masked_sort3A_1452 = arith.constant dense<true> : vector<16xi1>
      %masked_sort3A_1453, %masked_sort3A_1454, %masked_sort3A_1455 = tpu.sort %select_n3A_1404, %select_n3A_1405 masked %masked_sort3A_1452 {descending = true} : (vector<16xf32>, vector<16xi32>, vector<16xi1>) -> (vector<16xi1>, vector<16xf32>, vector<16xi32>)
      %masked_sort3A_1456 = arith.constant dense<true> : vector<16xi1>
      %masked_sort3A_1457, %masked_sort3A_1458, %masked_sort3A_1459 = tpu.sort %select_n3A_1406, %select_n3A_1407 masked %masked_sort3A_1456 {descending = true} : (vector<16xf32>, vector<16xi32>, vector<16xi1>) -> (vector<16xi1>, vector<16xf32>, vector<16xi32>)
      %masked_sort3A_1460 = arith.constant dense<true> : vector<16xi1>
      %masked_sort3A_1461, %masked_sort3A_1462, %masked_sort3A_1463 = tpu.sort %select_n3A_1409, %select_n3A_1410 masked %masked_sort3A_1460 {descending = true} : (vector<16xf32>, vector<16xi32>, vector<16xi1>) -> (vector<16xi1>, vector<16xf32>, vector<16xi32>)
      %masked_sort3A_1464 = arith.constant dense<true> : vector<16xi1>
      %masked_sort3A_1465, %masked_sort3A_1466, %masked_sort3A_1467 = tpu.sort %select_n3A_1411, %select_n3A_1412 masked %masked_sort3A_1464 {descending = true} : (vector<16xf32>, vector<16xi32>, vector<16xi1>) -> (vector<16xi1>, vector<16xf32>, vector<16xi32>)
      %masked_sort3A_1468 = arith.constant dense<true> : vector<16xi1>
      %masked_sort3A_1469, %masked_sort3A_1470, %masked_sort3A_1471 = tpu.sort %select_n3A_1414, %select_n3A_1415 masked %masked_sort3A_1468 {descending = true} : (vector<16xf32>, vector<16xi32>, vector<16xi1>) -> (vector<16xi1>, vector<16xf32>, vector<16xi32>)
      %masked_sort3A_1472 = arith.constant dense<true> : vector<16xi1>
      %masked_sort3A_1473, %masked_sort3A_1474, %masked_sort3A_1475 = tpu.sort %select_n3A_1416, %select_n3A_1417 masked %masked_sort3A_1472 {descending = true} : (vector<16xf32>, vector<16xi32>, vector<16xi1>) -> (vector<16xi1>, vector<16xf32>, vector<16xi32>)
      %masked_sort3A_1476 = arith.constant dense<true> : vector<16xi1>
      %masked_sort3A_1477, %masked_sort3A_1478, %masked_sort3A_1479 = tpu.sort %select_n3A_1419, %select_n3A_1420 masked %masked_sort3A_1476 {descending = true} : (vector<16xf32>, vector<16xi32>, vector<16xi1>) -> (vector<16xi1>, vector<16xf32>, vector<16xi32>)
      %masked_sort3A_1480 = arith.constant dense<true> : vector<16xi1>
      %masked_sort3A_1481, %masked_sort3A_1482, %masked_sort3A_1483 = tpu.sort %select_n3A_1421, %select_n3A_1422 masked %masked_sort3A_1480 {descending = true} : (vector<16xf32>, vector<16xi32>, vector<16xi1>) -> (vector<16xi1>, vector<16xf32>, vector<16xi32>)
      %masked_sort3A_1484 = arith.constant dense<true> : vector<16xi1>
      %masked_sort3A_1485, %masked_sort3A_1486, %masked_sort3A_1487 = tpu.sort %select_n3A_1424, %select_n3A_1425 masked %masked_sort3A_1484 {descending = true} : (vector<16xf32>, vector<16xi32>, vector<16xi1>) -> (vector<16xi1>, vector<16xf32>, vector<16xi32>)
      %masked_sort3A_1488 = arith.constant dense<true> : vector<16xi1>
      %masked_sort3A_1489, %masked_sort3A_1490, %masked_sort3A_1491 = tpu.sort %select_n3A_1426, %select_n3A_1427 masked %masked_sort3A_1488 {descending = true} : (vector<16xf32>, vector<16xi32>, vector<16xi1>) -> (vector<16xi1>, vector<16xf32>, vector<16xi32>)
      %add3A_1492 = arith.constant 1 : i32
      %add3A_1493 = vector.broadcast %add3A_1492 : i32 to vector<16xi32>
      %add3A_1494 = arith.addi %iota3A, %add3A_1493 : vector<16xi32>
      %and3A_1495 = arith.constant 15 : i32
      %and3A_1496 = vector.broadcast %and3A_1495 : i32 to vector<16xi32>
      %and3A_1497 = arith.andi %add3A_1494, %and3A_1496 : vector<16xi32>
      %sub3A = arith.constant 1 : i32
      %sub3A_1498 = vector.broadcast %sub3A : i32 to vector<16xi32>
      %sub3A_1499 = arith.subi %iota3A, %sub3A_1498 : vector<16xi32>
      %and3A_1500 = arith.constant 15 : i32
      %and3A_1501 = vector.broadcast %and3A_1500 : i32 to vector<16xi32>
      %and3A_1502 = arith.andi %sub3A_1499, %and3A_1501 : vector<16xi32>
      %eq3A = arith.constant 15 : i32
      %eq3A_1503 = vector.broadcast %eq3A : i32 to vector<16xi32>
      %eq3A_1504 = arith.cmpi eq, %iota3A, %eq3A_1503 : vector<16xi32>
      %eq3A_1505 = arith.constant 0 : i32
      %eq3A_1506 = vector.broadcast %eq3A_1505 : i32 to vector<16xi32>
      %eq3A_1507 = arith.cmpi eq, %iota3A, %eq3A_1506 : vector<16xi32>
      %broadcast_in_dim3A_1508 = arith.constant 0x7F800000 : f32
      %broadcast_in_dim3A_1509 = vector.broadcast %broadcast_in_dim3A_1508 : f32 to vector<16xf32>
      %broadcast_in_dim3A_1510 = vector.shape_cast %broadcast_in_dim3A_3 : vector<16xi32> to vector<16x1xi32>
      %gather3A_1511 = vector.shape_cast %broadcast_in_dim3A_1510 : vector<16x1xi32> to vector<16xi32>
      %gather3A_1512 = tpu.dynamic_gather %masked_sort3A_1434[%gather3A_1511] in [0] : vector<16xf32>, vector<16xi32> -> vector<16xf32>
      %broadcast_in_dim3A_1513 = vector.shape_cast %and3A_1497 : vector<16xi32> to vector<16x1xi32>
      %gather3A_1514 = vector.shape_cast %broadcast_in_dim3A_1513 : vector<16x1xi32> to vector<16xi32>
      %gather3A_1515 = tpu.dynamic_gather %masked_sort3A_1430[%gather3A_1514] in [0] : vector<16xf32>, vector<16xi32> -> vector<16xf32>
      %select_n3A_1516 = arith.select %eq3A_1504, %gather3A_1512, %gather3A_1515 : vector<16xi1>, vector<16xf32>
      %broadcast_in_dim3A_1517 = vector.shape_cast %broadcast_in_dim3A_3 : vector<16xi32> to vector<16x1xi32>
      %gather3A_1518 = vector.shape_cast %broadcast_in_dim3A_1517 : vector<16x1xi32> to vector<16xi32>
      %gather3A_1519 = tpu.dynamic_gather %masked_sort3A_1435[%gather3A_1518] in [0] : vector<16xi32>, vector<16xi32> -> vector<16xi32>
      %broadcast_in_dim3A_1520 = vector.shape_cast %and3A_1497 : vector<16xi32> to vector<16x1xi32>
      %gather3A_1521 = vector.shape_cast %broadcast_in_dim3A_1520 : vector<16x1xi32> to vector<16xi32>
      %gather3A_1522 = tpu.dynamic_gather %masked_sort3A_1431[%gather3A_1521] in [0] : vector<16xi32>, vector<16xi32> -> vector<16xi32>
      %select_n3A_1523 = arith.select %eq3A_1504, %gather3A_1519, %gather3A_1522 : vector<16xi1>, vector<16xi32>
      %eq3A_1524 = arith.cmpf oeq, %masked_sort3A_1430, %select_n3A_1516 : vector<16xf32>
      %gt3A_1525 = arith.cmpi sgt, %masked_sort3A_1431, %select_n3A_1523 : vector<16xi32>
      %and3A_1526 = arith.andi %eq3A_1524, %gt3A_1525 : vector<16xi1>
      %eq3A_1527 = arith.cmpf oeq, %masked_sort3A_1430, %broadcast_in_dim3A_1509 : vector<16xf32>
      %gt3A_1528 = arith.cmpi sgt, %broadcast_in_dim3A_3, %masked_sort3A_1431 : vector<16xi32>
      %and3A_1529 = arith.andi %eq3A_1527, %gt3A_1528 : vector<16xi1>
      %select_n3A_1530 = arith.select %and3A_1526, %select_n3A_1523, %masked_sort3A_1431 : vector<16xi1>, vector<16xi32>
      %select_n3A_1531 = arith.select %and3A_1529, %broadcast_in_dim3A_3, %select_n3A_1530 : vector<16xi1>, vector<16xi32>
      %swap3A_1532 = arith.constant 0 : index
      %swap3A_1533 = tpu.vector_load %arg14[%swap3A_1532] {strides = array<i32>} : memref<128xi32, #tpu.memory_space<vmem>>, vector<16xi32>,
      tpu.vector_store %arg14[%swap3A_1532], %select_n3A_1531 {strides = array<i32>} : memref<128xi32, #tpu.memory_space<vmem>>, vector<16xi32>,
      %broadcast_in_dim3A_1534 = vector.shape_cast %broadcast_in_dim3A_3 : vector<16xi32> to vector<16x1xi32>
      %gather3A_1535 = vector.shape_cast %broadcast_in_dim3A_1534 : vector<16x1xi32> to vector<16xi32>
      %gather3A_1536 = tpu.dynamic_gather %masked_sort3A_1438[%gather3A_1535] in [0] : vector<16xf32>, vector<16xi32> -> vector<16xf32>
      %broadcast_in_dim3A_1537 = vector.shape_cast %and3A_1497 : vector<16xi32> to vector<16x1xi32>
      %gather3A_1538 = vector.shape_cast %broadcast_in_dim3A_1537 : vector<16x1xi32> to vector<16xi32>
      %gather3A_1539 = tpu.dynamic_gather %masked_sort3A_1434[%gather3A_1538] in [0] : vector<16xf32>, vector<16xi32> -> vector<16xf32>
      %select_n3A_1540 = arith.select %eq3A_1504, %gather3A_1536, %gather3A_1539 : vector<16xi1>, vector<16xf32>
      %broadcast_in_dim3A_1541 = vector.shape_cast %broadcast_in_dim3A_3 : vector<16xi32> to vector<16x1xi32>
      %gather3A_1542 = vector.shape_cast %broadcast_in_dim3A_1541 : vector<16x1xi32> to vector<16xi32>
      %gather3A_1543 = tpu.dynamic_gather %masked_sort3A_1439[%gather3A_1542] in [0] : vector<16xi32>, vector<16xi32> -> vector<16xi32>
      %broadcast_in_dim3A_1544 = vector.shape_cast %and3A_1497 : vector<16xi32> to vector<16x1xi32>
      %gather3A_1545 = vector.shape_cast %broadcast_in_dim3A_1544 : vector<16x1xi32> to vector<16xi32>
      %gather3A_1546 = tpu.dynamic_gather %masked_sort3A_1435[%gather3A_1545] in [0] : vector<16xi32>, vector<16xi32> -> vector<16xi32>
      %select_n3A_1547 = arith.select %eq3A_1504, %gather3A_1543, %gather3A_1546 : vector<16xi1>, vector<16xi32>
      %add3A_1548 = arith.constant 15 : i32
      %add3A_1549 = vector.broadcast %add3A_1548 : i32 to vector<16xi32>
      %add3A_1550 = arith.addi %broadcast_in_dim3A_3, %add3A_1549 : vector<16xi32>
      %broadcast_in_dim3A_1551 = vector.shape_cast %add3A_1550 : vector<16xi32> to vector<16x1xi32>
      %gather3A_1552 = vector.shape_cast %broadcast_in_dim3A_1551 : vector<16x1xi32> to vector<16xi32>
      %gather3A_1553 = tpu.dynamic_gather %masked_sort3A_1430[%gather3A_1552] in [0] : vector<16xf32>, vector<16xi32> -> vector<16xf32>
      %broadcast_in_dim3A_1554 = vector.shape_cast %and3A_1502 : vector<16xi32> to vector<16x1xi32>
      %gather3A_1555 = vector.shape_cast %broadcast_in_dim3A_1554 : vector<16x1xi32> to vector<16xi32>
      %gather3A_1556 = tpu.dynamic_gather %masked_sort3A_1434[%gather3A_1555] in [0] : vector<16xf32>, vector<16xi32> -> vector<16xf32>
      %select_n3A_1557 = arith.select %eq3A_1507, %gather3A_1553, %gather3A_1556 : vector<16xi1>, vector<16xf32>
      %add3A_1558 = arith.constant 15 : i32
      %add3A_1559 = vector.broadcast %add3A_1558 : i32 to vector<16xi32>
      %add3A_1560 = arith.addi %broadcast_in_dim3A_3, %add3A_1559 : vector<16xi32>
      %broadcast_in_dim3A_1561 = vector.shape_cast %add3A_1560 : vector<16xi32> to vector<16x1xi32>
      %gather3A_1562 = vector.shape_cast %broadcast_in_dim3A_1561 : vector<16x1xi32> to vector<16xi32>
      %gather3A_1563 = tpu.dynamic_gather %masked_sort3A_1431[%gather3A_1562] in [0] : vector<16xi32>, vector<16xi32> -> vector<16xi32>
      %broadcast_in_dim3A_1564 = vector.shape_cast %and3A_1502 : vector<16xi32> to vector<16x1xi32>
      %gather3A_1565 = vector.shape_cast %broadcast_in_dim3A_1564 : vector<16x1xi32> to vector<16xi32>
      %gather3A_1566 = tpu.dynamic_gather %masked_sort3A_1435[%gather3A_1565] in [0] : vector<16xi32>, vector<16xi32> -> vector<16xi32>
      %select_n3A_1567 = arith.select %eq3A_1507, %gather3A_1563, %gather3A_1566 : vector<16xi1>, vector<16xi32>
      %eq3A_1568 = arith.cmpf oeq, %masked_sort3A_1434, %select_n3A_1540 : vector<16xf32>
      %gt3A_1569 = arith.cmpi sgt, %masked_sort3A_1435, %select_n3A_1547 : vector<16xi32>
      %and3A_1570 = arith.andi %eq3A_1568, %gt3A_1569 : vector<16xi1>
      %eq3A_1571 = arith.cmpf oeq, %masked_sort3A_1434, %select_n3A_1557 : vector<16xf32>
      %gt3A_1572 = arith.cmpi sgt, %select_n3A_1567, %masked_sort3A_1435 : vector<16xi32>
      %and3A_1573 = arith.andi %eq3A_1571, %gt3A_1572 : vector<16xi1>
      %select_n3A_1574 = arith.select %and3A_1570, %select_n3A_1547, %masked_sort3A_1435 : vector<16xi1>, vector<16xi32>
      %select_n3A_1575 = arith.select %and3A_1573, %select_n3A_1567, %select_n3A_1574 : vector<16xi1>, vector<16xi32>
      %swap3A_1576 = arith.constant 16 : index
      %swap3A_1577 = tpu.vector_load %arg14[%swap3A_1576] {strides = array<i32>} : memref<128xi32, #tpu.memory_space<vmem>>, vector<16xi32>,
      tpu.vector_store %arg14[%swap3A_1576], %select_n3A_1575 {strides = array<i32>} : memref<128xi32, #tpu.memory_space<vmem>>, vector<16xi32>,
      %broadcast_in_dim3A_1578 = vector.shape_cast %broadcast_in_dim3A_3 : vector<16xi32> to vector<16x1xi32>
      %gather3A_1579 = vector.shape_cast %broadcast_in_dim3A_1578 : vector<16x1xi32> to vector<16xi32>
      %gather3A_1580 = tpu.dynamic_gather %masked_sort3A_1442[%gather3A_1579] in [0] : vector<16xf32>, vector<16xi32> -> vector<16xf32>
      %broadcast_in_dim3A_1581 = vector.shape_cast %and3A_1497 : vector<16xi32> to vector<16x1xi32>
      %gather3A_1582 = vector.shape_cast %broadcast_in_dim3A_1581 : vector<16x1xi32> to vector<16xi32>
      %gather3A_1583 = tpu.dynamic_gather %masked_sort3A_1438[%gather3A_1582] in [0] : vector<16xf32>, vector<16xi32> -> vector<16xf32>
      %select_n3A_1584 = arith.select %eq3A_1504, %gather3A_1580, %gather3A_1583 : vector<16xi1>, vector<16xf32>
      %broadcast_in_dim3A_1585 = vector.shape_cast %broadcast_in_dim3A_3 : vector<16xi32> to vector<16x1xi32>
      %gather3A_1586 = vector.shape_cast %broadcast_in_dim3A_1585 : vector<16x1xi32> to vector<16xi32>
      %gather3A_1587 = tpu.dynamic_gather %masked_sort3A_1443[%gather3A_1586] in [0] : vector<16xi32>, vector<16xi32> -> vector<16xi32>
      %broadcast_in_dim3A_1588 = vector.shape_cast %and3A_1497 : vector<16xi32> to vector<16x1xi32>
      %gather3A_1589 = vector.shape_cast %broadcast_in_dim3A_1588 : vector<16x1xi32> to vector<16xi32>
      %gather3A_1590 = tpu.dynamic_gather %masked_sort3A_1439[%gather3A_1589] in [0] : vector<16xi32>, vector<16xi32> -> vector<16xi32>
      %select_n3A_1591 = arith.select %eq3A_1504, %gather3A_1587, %gather3A_1590 : vector<16xi1>, vector<16xi32>
      %add3A_1592 = arith.constant 15 : i32
      %add3A_1593 = vector.broadcast %add3A_1592 : i32 to vector<16xi32>
      %add3A_1594 = arith.addi %broadcast_in_dim3A_3, %add3A_1593 : vector<16xi32>
      %broadcast_in_dim3A_1595 = vector.shape_cast %add3A_1594 : vector<16xi32> to vector<16x1xi32>
      %gather3A_1596 = vector.shape_cast %broadcast_in_dim3A_1595 : vector<16x1xi32> to vector<16xi32>
      %gather3A_1597 = tpu.dynamic_gather %masked_sort3A_1434[%gather3A_1596] in [0] : vector<16xf32>, vector<16xi32> -> vector<16xf32>
      %broadcast_in_dim3A_1598 = vector.shape_cast %and3A_1502 : vector<16xi32> to vector<16x1xi32>
      %gather3A_1599 = vector.shape_cast %broadcast_in_dim3A_1598 : vector<16x1xi32> to vector<16xi32>
      %gather3A_1600 = tpu.dynamic_gather %masked_sort3A_1438[%gather3A_1599] in [0] : vector<16xf32>, vector<16xi32> -> vector<16xf32>
      %select_n3A_1601 = arith.select %eq3A_1507, %gather3A_1597, %gather3A_1600 : vector<16xi1>, vector<16xf32>
      %add3A_1602 = arith.constant 15 : i32
      %add3A_1603 = vector.broadcast %add3A_1602 : i32 to vector<16xi32>
      %add3A_1604 = arith.addi %broadcast_in_dim3A_3, %add3A_1603 : vector<16xi32>
      %broadcast_in_dim3A_1605 = vector.shape_cast %add3A_1604 : vector<16xi32> to vector<16x1xi32>
      %gather3A_1606 = vector.shape_cast %broadcast_in_dim3A_1605 : vector<16x1xi32> to vector<16xi32>
      %gather3A_1607 = tpu.dynamic_gather %masked_sort3A_1435[%gather3A_1606] in [0] : vector<16xi32>, vector<16xi32> -> vector<16xi32>
      %broadcast_in_dim3A_1608 = vector.shape_cast %and3A_1502 : vector<16xi32> to vector<16x1xi32>
      %gather3A_1609 = vector.shape_cast %broadcast_in_dim3A_1608 : vector<16x1xi32> to vector<16xi32>
      %gather3A_1610 = tpu.dynamic_gather %masked_sort3A_1439[%gather3A_1609] in [0] : vector<16xi32>, vector<16xi32> -> vector<16xi32>
      %select_n3A_1611 = arith.select %eq3A_1507, %gather3A_1607, %gather3A_1610 : vector<16xi1>, vector<16xi32>
      %eq3A_1612 = arith.cmpf oeq, %masked_sort3A_1438, %select_n3A_1584 : vector<16xf32>
      %gt3A_1613 = arith.cmpi sgt, %masked_sort3A_1439, %select_n3A_1591 : vector<16xi32>
      %and3A_1614 = arith.andi %eq3A_1612, %gt3A_1613 : vector<16xi1>
      %eq3A_1615 = arith.cmpf oeq, %masked_sort3A_1438, %select_n3A_1601 : vector<16xf32>
      %gt3A_1616 = arith.cmpi sgt, %select_n3A_1611, %masked_sort3A_1439 : vector<16xi32>
      %and3A_1617 = arith.andi %eq3A_1615, %gt3A_1616 : vector<16xi1>
      %select_n3A_1618 = arith.select %and3A_1614, %select_n3A_1591, %masked_sort3A_1439 : vector<16xi1>, vector<16xi32>
      %select_n3A_1619 = arith.select %and3A_1617, %select_n3A_1611, %select_n3A_1618 : vector<16xi1>, vector<16xi32>
      %swap3A_1620 = arith.constant 32 : index
      %swap3A_1621 = tpu.vector_load %arg14[%swap3A_1620] {strides = array<i32>} : memref<128xi32, #tpu.memory_space<vmem>>, vector<16xi32>,
      tpu.vector_store %arg14[%swap3A_1620], %select_n3A_1619 {strides = array<i32>} : memref<128xi32, #tpu.memory_space<vmem>>, vector<16xi32>,
      %broadcast_in_dim3A_1622 = vector.shape_cast %broadcast_in_dim3A_3 : vector<16xi32> to vector<16x1xi32>
      %gather3A_1623 = vector.shape_cast %broadcast_in_dim3A_1622 : vector<16x1xi32> to vector<16xi32>
      %gather3A_1624 = tpu.dynamic_gather %masked_sort3A_1446[%gather3A_1623] in [0] : vector<16xf32>, vector<16xi32> -> vector<16xf32>
      %broadcast_in_dim3A_1625 = vector.shape_cast %and3A_1497 : vector<16xi32> to vector<16x1xi32>
      %gather3A_1626 = vector.shape_cast %broadcast_in_dim3A_1625 : vector<16x1xi32> to vector<16xi32>
      %gather3A_1627 = tpu.dynamic_gather %masked_sort3A_1442[%gather3A_1626] in [0] : vector<16xf32>, vector<16xi32> -> vector<16xf32>
      %select_n3A_1628 = arith.select %eq3A_1504, %gather3A_1624, %gather3A_1627 : vector<16xi1>, vector<16xf32>
      %broadcast_in_dim3A_1629 = vector.shape_cast %broadcast_in_dim3A_3 : vector<16xi32> to vector<16x1xi32>
      %gather3A_1630 = vector.shape_cast %broadcast_in_dim3A_1629 : vector<16x1xi32> to vector<16xi32>
      %gather3A_1631 = tpu.dynamic_gather %masked_sort3A_1447[%gather3A_1630] in [0] : vector<16xi32>, vector<16xi32> -> vector<16xi32>
      %broadcast_in_dim3A_1632 = vector.shape_cast %and3A_1497 : vector<16xi32> to vector<16x1xi32>
      %gather3A_1633 = vector.shape_cast %broadcast_in_dim3A_1632 : vector<16x1xi32> to vector<16xi32>
      %gather3A_1634 = tpu.dynamic_gather %masked_sort3A_1443[%gather3A_1633] in [0] : vector<16xi32>, vector<16xi32> -> vector<16xi32>
      %select_n3A_1635 = arith.select %eq3A_1504, %gather3A_1631, %gather3A_1634 : vector<16xi1>, vector<16xi32>
      %add3A_1636 = arith.constant 15 : i32
      %add3A_1637 = vector.broadcast %add3A_1636 : i32 to vector<16xi32>
      %add3A_1638 = arith.addi %broadcast_in_dim3A_3, %add3A_1637 : vector<16xi32>
      %broadcast_in_dim3A_1639 = vector.shape_cast %add3A_1638 : vector<16xi32> to vector<16x1xi32>
      %gather3A_1640 = vector.shape_cast %broadcast_in_dim3A_1639 : vector<16x1xi32> to vector<16xi32>
      %gather3A_1641 = tpu.dynamic_gather %masked_sort3A_1438[%gather3A_1640] in [0] : vector<16xf32>, vector<16xi32> -> vector<16xf32>
      %broadcast_in_dim3A_1642 = vector.shape_cast %and3A_1502 : vector<16xi32> to vector<16x1xi32>
      %gather3A_1643 = vector.shape_cast %broadcast_in_dim3A_1642 : vector<16x1xi32> to vector<16xi32>
      %gather3A_1644 = tpu.dynamic_gather %masked_sort3A_1442[%gather3A_1643] in [0] : vector<16xf32>, vector<16xi32> -> vector<16xf32>
      %select_n3A_1645 = arith.select %eq3A_1507, %gather3A_1641, %gather3A_1644 : vector<16xi1>, vector<16xf32>
      %add3A_1646 = arith.constant 15 : i32
      %add3A_1647 = vector.broadcast %add3A_1646 : i32 to vector<16xi32>
      %add3A_1648 = arith.addi %broadcast_in_dim3A_3, %add3A_1647 : vector<16xi32>
      %broadcast_in_dim3A_1649 = vector.shape_cast %add3A_1648 : vector<16xi32> to vector<16x1xi32>
      %gather3A_1650 = vector.shape_cast %broadcast_in_dim3A_1649 : vector<16x1xi32> to vector<16xi32>
      %gather3A_1651 = tpu.dynamic_gather %masked_sort3A_1439[%gather3A_1650] in [0] : vector<16xi32>, vector<16xi32> -> vector<16xi32>
      %broadcast_in_dim3A_1652 = vector.shape_cast %and3A_1502 : vector<16xi32> to vector<16x1xi32>
      %gather3A_1653 = vector.shape_cast %broadcast_in_dim3A_1652 : vector<16x1xi32> to vector<16xi32>
      %gather3A_1654 = tpu.dynamic_gather %masked_sort3A_1443[%gather3A_1653] in [0] : vector<16xi32>, vector<16xi32> -> vector<16xi32>
      %select_n3A_1655 = arith.select %eq3A_1507, %gather3A_1651, %gather3A_1654 : vector<16xi1>, vector<16xi32>
      %eq3A_1656 = arith.cmpf oeq, %masked_sort3A_1442, %select_n3A_1628 : vector<16xf32>
      %gt3A_1657 = arith.cmpi sgt, %masked_sort3A_1443, %select_n3A_1635 : vector<16xi32>
      %and3A_1658 = arith.andi %eq3A_1656, %gt3A_1657 : vector<16xi1>
      %eq3A_1659 = arith.cmpf oeq, %masked_sort3A_1442, %select_n3A_1645 : vector<16xf32>
      %gt3A_1660 = arith.cmpi sgt, %select_n3A_1655, %masked_sort3A_1443 : vector<16xi32>
      %and3A_1661 = arith.andi %eq3A_1659, %gt3A_1660 : vector<16xi1>
      %select_n3A_1662 = arith.select %and3A_1658, %select_n3A_1635, %masked_sort3A_1443 : vector<16xi1>, vector<16xi32>
      %select_n3A_1663 = arith.select %and3A_1661, %select_n3A_1655, %select_n3A_1662 : vector<16xi1>, vector<16xi32>
      %swap3A_1664 = arith.constant 48 : index
      %swap3A_1665 = tpu.vector_load %arg14[%swap3A_1664] {strides = array<i32>} : memref<128xi32, #tpu.memory_space<vmem>>, vector<16xi32>,
      tpu.vector_store %arg14[%swap3A_1664], %select_n3A_1663 {strides = array<i32>} : memref<128xi32, #tpu.memory_space<vmem>>, vector<16xi32>,
      %broadcast_in_dim3A_1666 = vector.shape_cast %broadcast_in_dim3A_3 : vector<16xi32> to vector<16x1xi32>
      %gather3A_1667 = vector.shape_cast %broadcast_in_dim3A_1666 : vector<16x1xi32> to vector<16xi32>
      %gather3A_1668 = tpu.dynamic_gather %masked_sort3A_1450[%gather3A_1667] in [0] : vector<16xf32>, vector<16xi32> -> vector<16xf32>
      %broadcast_in_dim3A_1669 = vector.shape_cast %and3A_1497 : vector<16xi32> to vector<16x1xi32>
      %gather3A_1670 = vector.shape_cast %broadcast_in_dim3A_1669 : vector<16x1xi32> to vector<16xi32>
      %gather3A_1671 = tpu.dynamic_gather %masked_sort3A_1446[%gather3A_1670] in [0] : vector<16xf32>, vector<16xi32> -> vector<16xf32>
      %select_n3A_1672 = arith.select %eq3A_1504, %gather3A_1668, %gather3A_1671 : vector<16xi1>, vector<16xf32>
      %broadcast_in_dim3A_1673 = vector.shape_cast %broadcast_in_dim3A_3 : vector<16xi32> to vector<16x1xi32>
      %gather3A_1674 = vector.shape_cast %broadcast_in_dim3A_1673 : vector<16x1xi32> to vector<16xi32>
      %gather3A_1675 = tpu.dynamic_gather %masked_sort3A_1451[%gather3A_1674] in [0] : vector<16xi32>, vector<16xi32> -> vector<16xi32>
      %broadcast_in_dim3A_1676 = vector.shape_cast %and3A_1497 : vector<16xi32> to vector<16x1xi32>
      %gather3A_1677 = vector.shape_cast %broadcast_in_dim3A_1676 : vector<16x1xi32> to vector<16xi32>
      %gather3A_1678 = tpu.dynamic_gather %masked_sort3A_1447[%gather3A_1677] in [0] : vector<16xi32>, vector<16xi32> -> vector<16xi32>
      %select_n3A_1679 = arith.select %eq3A_1504, %gather3A_1675, %gather3A_1678 : vector<16xi1>, vector<16xi32>
      %add3A_1680 = arith.constant 15 : i32
      %add3A_1681 = vector.broadcast %add3A_1680 : i32 to vector<16xi32>
      %add3A_1682 = arith.addi %broadcast_in_dim3A_3, %add3A_1681 : vector<16xi32>
      %broadcast_in_dim3A_1683 = vector.shape_cast %add3A_1682 : vector<16xi32> to vector<16x1xi32>
      %gather3A_1684 = vector.shape_cast %broadcast_in_dim3A_1683 : vector<16x1xi32> to vector<16xi32>
      %gather3A_1685 = tpu.dynamic_gather %masked_sort3A_1442[%gather3A_1684] in [0] : vector<16xf32>, vector<16xi32> -> vector<16xf32>
      %broadcast_in_dim3A_1686 = vector.shape_cast %and3A_1502 : vector<16xi32> to vector<16x1xi32>
      %gather3A_1687 = vector.shape_cast %broadcast_in_dim3A_1686 : vector<16x1xi32> to vector<16xi32>
      %gather3A_1688 = tpu.dynamic_gather %masked_sort3A_1446[%gather3A_1687] in [0] : vector<16xf32>, vector<16xi32> -> vector<16xf32>
      %select_n3A_1689 = arith.select %eq3A_1507, %gather3A_1685, %gather3A_1688 : vector<16xi1>, vector<16xf32>
      %add3A_1690 = arith.constant 15 : i32
      %add3A_1691 = vector.broadcast %add3A_1690 : i32 to vector<16xi32>
      %add3A_1692 = arith.addi %broadcast_in_dim3A_3, %add3A_1691 : vector<16xi32>
      %broadcast_in_dim3A_1693 = vector.shape_cast %add3A_1692 : vector<16xi32> to vector<16x1xi32>
      %gather3A_1694 = vector.shape_cast %broadcast_in_dim3A_1693 : vector<16x1xi32> to vector<16xi32>
      %gather3A_1695 = tpu.dynamic_gather %masked_sort3A_1443[%gather3A_1694] in [0] : vector<16xi32>, vector<16xi32> -> vector<16xi32>
      %broadcast_in_dim3A_1696 = vector.shape_cast %and3A_1502 : vector<16xi32> to vector<16x1xi32>
      %gather3A_1697 = vector.shape_cast %broadcast_in_dim3A_1696 : vector<16x1xi32> to vector<16xi32>
      %gather3A_1698 = tpu.dynamic_gather %masked_sort3A_1447[%gather3A_1697] in [0] : vector<16xi32>, vector<16xi32> -> vector<16xi32>
      %select_n3A_1699 = arith.select %eq3A_1507, %gather3A_1695, %gather3A_1698 : vector<16xi1>, vector<16xi32>
      %eq3A_1700 = arith.cmpf oeq, %masked_sort3A_1446, %select_n3A_1672 : vector<16xf32>
      %gt3A_1701 = arith.cmpi sgt, %masked_sort3A_1447, %select_n3A_1679 : vector<16xi32>
      %and3A_1702 = arith.andi %eq3A_1700, %gt3A_1701 : vector<16xi1>
      %eq3A_1703 = arith.cmpf oeq, %masked_sort3A_1446, %select_n3A_1689 : vector<16xf32>
      %gt3A_1704 = arith.cmpi sgt, %select_n3A_1699, %masked_sort3A_1447 : vector<16xi32>
      %and3A_1705 = arith.andi %eq3A_1703, %gt3A_1704 : vector<16xi1>
      %select_n3A_1706 = arith.select %and3A_1702, %select_n3A_1679, %masked_sort3A_1447 : vector<16xi1>, vector<16xi32>
      %select_n3A_1707 = arith.select %and3A_1705, %select_n3A_1699, %select_n3A_1706 : vector<16xi1>, vector<16xi32>
      %swap3A_1708 = arith.constant 64 : index
      %swap3A_1709 = tpu.vector_load %arg14[%swap3A_1708] {strides = array<i32>} : memref<128xi32, #tpu.memory_space<vmem>>, vector<16xi32>,
      tpu.vector_store %arg14[%swap3A_1708], %select_n3A_1707 {strides = array<i32>} : memref<128xi32, #tpu.memory_space<vmem>>, vector<16xi32>,
      %broadcast_in_dim3A_1710 = vector.shape_cast %broadcast_in_dim3A_3 : vector<16xi32> to vector<16x1xi32>
      %gather3A_1711 = vector.shape_cast %broadcast_in_dim3A_1710 : vector<16x1xi32> to vector<16xi32>
      %gather3A_1712 = tpu.dynamic_gather %masked_sort3A_1454[%gather3A_1711] in [0] : vector<16xf32>, vector<16xi32> -> vector<16xf32>
      %broadcast_in_dim3A_1713 = vector.shape_cast %and3A_1497 : vector<16xi32> to vector<16x1xi32>
      %gather3A_1714 = vector.shape_cast %broadcast_in_dim3A_1713 : vector<16x1xi32> to vector<16xi32>
      %gather3A_1715 = tpu.dynamic_gather %masked_sort3A_1450[%gather3A_1714] in [0] : vector<16xf32>, vector<16xi32> -> vector<16xf32>
      %select_n3A_1716 = arith.select %eq3A_1504, %gather3A_1712, %gather3A_1715 : vector<16xi1>, vector<16xf32>
      %broadcast_in_dim3A_1717 = vector.shape_cast %broadcast_in_dim3A_3 : vector<16xi32> to vector<16x1xi32>
      %gather3A_1718 = vector.shape_cast %broadcast_in_dim3A_1717 : vector<16x1xi32> to vector<16xi32>
      %gather3A_1719 = tpu.dynamic_gather %masked_sort3A_1455[%gather3A_1718] in [0] : vector<16xi32>, vector<16xi32> -> vector<16xi32>
      %broadcast_in_dim3A_1720 = vector.shape_cast %and3A_1497 : vector<16xi32> to vector<16x1xi32>
      %gather3A_1721 = vector.shape_cast %broadcast_in_dim3A_1720 : vector<16x1xi32> to vector<16xi32>
      %gather3A_1722 = tpu.dynamic_gather %masked_sort3A_1451[%gather3A_1721] in [0] : vector<16xi32>, vector<16xi32> -> vector<16xi32>
      %select_n3A_1723 = arith.select %eq3A_1504, %gather3A_1719, %gather3A_1722 : vector<16xi1>, vector<16xi32>
      %add3A_1724 = arith.constant 15 : i32
      %add3A_1725 = vector.broadcast %add3A_1724 : i32 to vector<16xi32>
      %add3A_1726 = arith.addi %broadcast_in_dim3A_3, %add3A_1725 : vector<16xi32>
      %broadcast_in_dim3A_1727 = vector.shape_cast %add3A_1726 : vector<16xi32> to vector<16x1xi32>
      %gather3A_1728 = vector.shape_cast %broadcast_in_dim3A_1727 : vector<16x1xi32> to vector<16xi32>
      %gather3A_1729 = tpu.dynamic_gather %masked_sort3A_1446[%gather3A_1728] in [0] : vector<16xf32>, vector<16xi32> -> vector<16xf32>
      %broadcast_in_dim3A_1730 = vector.shape_cast %and3A_1502 : vector<16xi32> to vector<16x1xi32>
      %gather3A_1731 = vector.shape_cast %broadcast_in_dim3A_1730 : vector<16x1xi32> to vector<16xi32>
      %gather3A_1732 = tpu.dynamic_gather %masked_sort3A_1450[%gather3A_1731] in [0] : vector<16xf32>, vector<16xi32> -> vector<16xf32>
      %select_n3A_1733 = arith.select %eq3A_1507, %gather3A_1729, %gather3A_1732 : vector<16xi1>, vector<16xf32>
      %add3A_1734 = arith.constant 15 : i32
      %add3A_1735 = vector.broadcast %add3A_1734 : i32 to vector<16xi32>
      %add3A_1736 = arith.addi %broadcast_in_dim3A_3, %add3A_1735 : vector<16xi32>
      %broadcast_in_dim3A_1737 = vector.shape_cast %add3A_1736 : vector<16xi32> to vector<16x1xi32>
      %gather3A_1738 = vector.shape_cast %broadcast_in_dim3A_1737 : vector<16x1xi32> to vector<16xi32>
      %gather3A_1739 = tpu.dynamic_gather %masked_sort3A_1447[%gather3A_1738] in [0] : vector<16xi32>, vector<16xi32> -> vector<16xi32>
      %broadcast_in_dim3A_1740 = vector.shape_cast %and3A_1502 : vector<16xi32> to vector<16x1xi32>
      %gather3A_1741 = vector.shape_cast %broadcast_in_dim3A_1740 : vector<16x1xi32> to vector<16xi32>
      %gather3A_1742 = tpu.dynamic_gather %masked_sort3A_1451[%gather3A_1741] in [0] : vector<16xi32>, vector<16xi32> -> vector<16xi32>
      %select_n3A_1743 = arith.select %eq3A_1507, %gather3A_1739, %gather3A_1742 : vector<16xi1>, vector<16xi32>
      %eq3A_1744 = arith.cmpf oeq, %masked_sort3A_1450, %select_n3A_1716 : vector<16xf32>
      %gt3A_1745 = arith.cmpi sgt, %masked_sort3A_1451, %select_n3A_1723 : vector<16xi32>
      %and3A_1746 = arith.andi %eq3A_1744, %gt3A_1745 : vector<16xi1>
      %eq3A_1747 = arith.cmpf oeq, %masked_sort3A_1450, %select_n3A_1733 : vector<16xf32>
      %gt3A_1748 = arith.cmpi sgt, %select_n3A_1743, %masked_sort3A_1451 : vector<16xi32>
      %and3A_1749 = arith.andi %eq3A_1747, %gt3A_1748 : vector<16xi1>
      %select_n3A_1750 = arith.select %and3A_1746, %select_n3A_1723, %masked_sort3A_1451 : vector<16xi1>, vector<16xi32>
      %select_n3A_1751 = arith.select %and3A_1749, %select_n3A_1743, %select_n3A_1750 : vector<16xi1>, vector<16xi32>
      %swap3A_1752 = arith.constant 80 : index
      %swap3A_1753 = tpu.vector_load %arg14[%swap3A_1752] {strides = array<i32>} : memref<128xi32, #tpu.memory_space<vmem>>, vector<16xi32>,
      tpu.vector_store %arg14[%swap3A_1752], %select_n3A_1751 {strides = array<i32>} : memref<128xi32, #tpu.memory_space<vmem>>, vector<16xi32>,
      %broadcast_in_dim3A_1754 = vector.shape_cast %broadcast_in_dim3A_3 : vector<16xi32> to vector<16x1xi32>
      %gather3A_1755 = vector.shape_cast %broadcast_in_dim3A_1754 : vector<16x1xi32> to vector<16xi32>
      %gather3A_1756 = tpu.dynamic_gather %masked_sort3A_1458[%gather3A_1755] in [0] : vector<16xf32>, vector<16xi32> -> vector<16xf32>
      %broadcast_in_dim3A_1757 = vector.shape_cast %and3A_1497 : vector<16xi32> to vector<16x1xi32>
      %gather3A_1758 = vector.shape_cast %broadcast_in_dim3A_1757 : vector<16x1xi32> to vector<16xi32>
      %gather3A_1759 = tpu.dynamic_gather %masked_sort3A_1454[%gather3A_1758] in [0] : vector<16xf32>, vector<16xi32> -> vector<16xf32>
      %select_n3A_1760 = arith.select %eq3A_1504, %gather3A_1756, %gather3A_1759 : vector<16xi1>, vector<16xf32>
      %broadcast_in_dim3A_1761 = vector.shape_cast %broadcast_in_dim3A_3 : vector<16xi32> to vector<16x1xi32>
      %gather3A_1762 = vector.shape_cast %broadcast_in_dim3A_1761 : vector<16x1xi32> to vector<16xi32>
      %gather3A_1763 = tpu.dynamic_gather %masked_sort3A_1459[%gather3A_1762] in [0] : vector<16xi32>, vector<16xi32> -> vector<16xi32>
      %broadcast_in_dim3A_1764 = vector.shape_cast %and3A_1497 : vector<16xi32> to vector<16x1xi32>
      %gather3A_1765 = vector.shape_cast %broadcast_in_dim3A_1764 : vector<16x1xi32> to vector<16xi32>
      %gather3A_1766 = tpu.dynamic_gather %masked_sort3A_1455[%gather3A_1765] in [0] : vector<16xi32>, vector<16xi32> -> vector<16xi32>
      %select_n3A_1767 = arith.select %eq3A_1504, %gather3A_1763, %gather3A_1766 : vector<16xi1>, vector<16xi32>
      %add3A_1768 = arith.constant 15 : i32
      %add3A_1769 = vector.broadcast %add3A_1768 : i32 to vector<16xi32>
      %add3A_1770 = arith.addi %broadcast_in_dim3A_3, %add3A_1769 : vector<16xi32>
      %broadcast_in_dim3A_1771 = vector.shape_cast %add3A_1770 : vector<16xi32> to vector<16x1xi32>
      %gather3A_1772 = vector.shape_cast %broadcast_in_dim3A_1771 : vector<16x1xi32> to vector<16xi32>
      %gather3A_1773 = tpu.dynamic_gather %masked_sort3A_1450[%gather3A_1772] in [0] : vector<16xf32>, vector<16xi32> -> vector<16xf32>
      %broadcast_in_dim3A_1774 = vector.shape_cast %and3A_1502 : vector<16xi32> to vector<16x1xi32>
      %gather3A_1775 = vector.shape_cast %broadcast_in_dim3A_1774 : vector<16x1xi32> to vector<16xi32>
      %gather3A_1776 = tpu.dynamic_gather %masked_sort3A_1454[%gather3A_1775] in [0] : vector<16xf32>, vector<16xi32> -> vector<16xf32>
      %select_n3A_1777 = arith.select %eq3A_1507, %gather3A_1773, %gather3A_1776 : vector<16xi1>, vector<16xf32>
      %add3A_1778 = arith.constant 15 : i32
      %add3A_1779 = vector.broadcast %add3A_1778 : i32 to vector<16xi32>
      %add3A_1780 = arith.addi %broadcast_in_dim3A_3, %add3A_1779 : vector<16xi32>
      %broadcast_in_dim3A_1781 = vector.shape_cast %add3A_1780 : vector<16xi32> to vector<16x1xi32>
      %gather3A_1782 = vector.shape_cast %broadcast_in_dim3A_1781 : vector<16x1xi32> to vector<16xi32>
      %gather3A_1783 = tpu.dynamic_gather %masked_sort3A_1451[%gather3A_1782] in [0] : vector<16xi32>, vector<16xi32> -> vector<16xi32>
      %broadcast_in_dim3A_1784 = vector.shape_cast %and3A_1502 : vector<16xi32> to vector<16x1xi32>
      %gather3A_1785 = vector.shape_cast %broadcast_in_dim3A_1784 : vector<16x1xi32> to vector<16xi32>
      %gather3A_1786 = tpu.dynamic_gather %masked_sort3A_1455[%gather3A_1785] in [0] : vector<16xi32>, vector<16xi32> -> vector<16xi32>
      %select_n3A_1787 = arith.select %eq3A_1507, %gather3A_1783, %gather3A_1786 : vector<16xi1>, vector<16xi32>
      %eq3A_1788 = arith.cmpf oeq, %masked_sort3A_1454, %select_n3A_1760 : vector<16xf32>
      %gt3A_1789 = arith.cmpi sgt, %masked_sort3A_1455, %select_n3A_1767 : vector<16xi32>
      %and3A_1790 = arith.andi %eq3A_1788, %gt3A_1789 : vector<16xi1>
      %eq3A_1791 = arith.cmpf oeq, %masked_sort3A_1454, %select_n3A_1777 : vector<16xf32>
      %gt3A_1792 = arith.cmpi sgt, %select_n3A_1787, %masked_sort3A_1455 : vector<16xi32>
      %and3A_1793 = arith.andi %eq3A_1791, %gt3A_1792 : vector<16xi1>
      %select_n3A_1794 = arith.select %and3A_1790, %select_n3A_1767, %masked_sort3A_1455 : vector<16xi1>, vector<16xi32>
      %select_n3A_1795 = arith.select %and3A_1793, %select_n3A_1787, %select_n3A_1794 : vector<16xi1>, vector<16xi32>
      %swap3A_1796 = arith.constant 96 : index
      %swap3A_1797 = tpu.vector_load %arg14[%swap3A_1796] {strides = array<i32>} : memref<128xi32, #tpu.memory_space<vmem>>, vector<16xi32>,
      tpu.vector_store %arg14[%swap3A_1796], %select_n3A_1795 {strides = array<i32>} : memref<128xi32, #tpu.memory_space<vmem>>, vector<16xi32>,
      %broadcast_in_dim3A_1798 = vector.shape_cast %broadcast_in_dim3A_3 : vector<16xi32> to vector<16x1xi32>
      %gather3A_1799 = vector.shape_cast %broadcast_in_dim3A_1798 : vector<16x1xi32> to vector<16xi32>
      %gather3A_1800 = tpu.dynamic_gather %masked_sort3A_1462[%gather3A_1799] in [0] : vector<16xf32>, vector<16xi32> -> vector<16xf32>
      %broadcast_in_dim3A_1801 = vector.shape_cast %and3A_1497 : vector<16xi32> to vector<16x1xi32>
      %gather3A_1802 = vector.shape_cast %broadcast_in_dim3A_1801 : vector<16x1xi32> to vector<16xi32>
      %gather3A_1803 = tpu.dynamic_gather %masked_sort3A_1458[%gather3A_1802] in [0] : vector<16xf32>, vector<16xi32> -> vector<16xf32>
      %select_n3A_1804 = arith.select %eq3A_1504, %gather3A_1800, %gather3A_1803 : vector<16xi1>, vector<16xf32>
      %broadcast_in_dim3A_1805 = vector.shape_cast %broadcast_in_dim3A_3 : vector<16xi32> to vector<16x1xi32>
      %gather3A_1806 = vector.shape_cast %broadcast_in_dim3A_1805 : vector<16x1xi32> to vector<16xi32>
      %gather3A_1807 = tpu.dynamic_gather %masked_sort3A_1463[%gather3A_1806] in [0] : vector<16xi32>, vector<16xi32> -> vector<16xi32>
      %broadcast_in_dim3A_1808 = vector.shape_cast %and3A_1497 : vector<16xi32> to vector<16x1xi32>
      %gather3A_1809 = vector.shape_cast %broadcast_in_dim3A_1808 : vector<16x1xi32> to vector<16xi32>
      %gather3A_1810 = tpu.dynamic_gather %masked_sort3A_1459[%gather3A_1809] in [0] : vector<16xi32>, vector<16xi32> -> vector<16xi32>
      %select_n3A_1811 = arith.select %eq3A_1504, %gather3A_1807, %gather3A_1810 : vector<16xi1>, vector<16xi32>
      %add3A_1812 = arith.constant 15 : i32
      %add3A_1813 = vector.broadcast %add3A_1812 : i32 to vector<16xi32>
      %add3A_1814 = arith.addi %broadcast_in_dim3A_3, %add3A_1813 : vector<16xi32>
      %broadcast_in_dim3A_1815 = vector.shape_cast %add3A_1814 : vector<16xi32> to vector<16x1xi32>
      %gather3A_1816 = vector.shape_cast %broadcast_in_dim3A_1815 : vector<16x1xi32> to vector<16xi32>
      %gather3A_1817 = tpu.dynamic_gather %masked_sort3A_1454[%gather3A_1816] in [0] : vector<16xf32>, vector<16xi32> -> vector<16xf32>
      %broadcast_in_dim3A_1818 = vector.shape_cast %and3A_1502 : vector<16xi32> to vector<16x1xi32>
      %gather3A_1819 = vector.shape_cast %broadcast_in_dim3A_1818 : vector<16x1xi32> to vector<16xi32>
      %gather3A_1820 = tpu.dynamic_gather %masked_sort3A_1458[%gather3A_1819] in [0] : vector<16xf32>, vector<16xi32> -> vector<16xf32>
      %select_n3A_1821 = arith.select %eq3A_1507, %gather3A_1817, %gather3A_1820 : vector<16xi1>, vector<16xf32>
      %add3A_1822 = arith.constant 15 : i32
      %add3A_1823 = vector.broadcast %add3A_1822 : i32 to vector<16xi32>
      %add3A_1824 = arith.addi %broadcast_in_dim3A_3, %add3A_1823 : vector<16xi32>
      %broadcast_in_dim3A_1825 = vector.shape_cast %add3A_1824 : vector<16xi32> to vector<16x1xi32>
      %gather3A_1826 = vector.shape_cast %broadcast_in_dim3A_1825 : vector<16x1xi32> to vector<16xi32>
      %gather3A_1827 = tpu.dynamic_gather %masked_sort3A_1455[%gather3A_1826] in [0] : vector<16xi32>, vector<16xi32> -> vector<16xi32>
      %broadcast_in_dim3A_1828 = vector.shape_cast %and3A_1502 : vector<16xi32> to vector<16x1xi32>
      %gather3A_1829 = vector.shape_cast %broadcast_in_dim3A_1828 : vector<16x1xi32> to vector<16xi32>
      %gather3A_1830 = tpu.dynamic_gather %masked_sort3A_1459[%gather3A_1829] in [0] : vector<16xi32>, vector<16xi32> -> vector<16xi32>
      %select_n3A_1831 = arith.select %eq3A_1507, %gather3A_1827, %gather3A_1830 : vector<16xi1>, vector<16xi32>
      %eq3A_1832 = arith.cmpf oeq, %masked_sort3A_1458, %select_n3A_1804 : vector<16xf32>
      %gt3A_1833 = arith.cmpi sgt, %masked_sort3A_1459, %select_n3A_1811 : vector<16xi32>
      %and3A_1834 = arith.andi %eq3A_1832, %gt3A_1833 : vector<16xi1>
      %eq3A_1835 = arith.cmpf oeq, %masked_sort3A_1458, %select_n3A_1821 : vector<16xf32>
      %gt3A_1836 = arith.cmpi sgt, %select_n3A_1831, %masked_sort3A_1459 : vector<16xi32>
      %and3A_1837 = arith.andi %eq3A_1835, %gt3A_1836 : vector<16xi1>
      %select_n3A_1838 = arith.select %and3A_1834, %select_n3A_1811, %masked_sort3A_1459 : vector<16xi1>, vector<16xi32>
      %select_n3A_1839 = arith.select %and3A_1837, %select_n3A_1831, %select_n3A_1838 : vector<16xi1>, vector<16xi32>
      %swap3A_1840 = arith.constant 112 : index
      %swap3A_1841 = tpu.vector_load %arg14[%swap3A_1840] {strides = array<i32>} : memref<128xi32, #tpu.memory_space<vmem>>, vector<16xi32>,
      tpu.vector_store %arg14[%swap3A_1840], %select_n3A_1839 {strides = array<i32>} : memref<128xi32, #tpu.memory_space<vmem>>, vector<16xi32>,
      "tpu.region"() ({
        %run_scoped3A = tpu.sem_alloc : memref<!tpu.dma_semaphore, #tpu.memory_space<semaphore_mem>>
        %dma_start3A_1843 = arith.constant 0 : i32
        %dma_start3A_1844 = tpu.memref_slice %arg5[%add3A_14, %dma_start3A_1843] : memref<4096x128xi32, #tpu.memory_space<hbm>> -> memref<1x128xi32, #tpu.memory_space<hbm>>
        %dma_start3A_1845 = tpu.memref_squeeze %dma_start3A_1844 : memref<1x128xi32, #tpu.memory_space<hbm>> -> memref<128xi32, #tpu.memory_space<hbm>>
        %dma_start3A_1846 = arith.constant 0 : i32
        %dma_start3A_1847 = tpu.memref_slice %arg5[%add3A_14, %dma_start3A_1846] : memref<4096x128xi32, #tpu.memory_space<hbm>> -> memref<1x128xi32, #tpu.memory_space<hbm>>
        %dma_start3A_1848 = tpu.memref_squeeze %dma_start3A_1847 : memref<1x128xi32, #tpu.memory_space<hbm>> -> memref<128xi32, #tpu.memory_space<hbm>>
        tpu.enqueue_dma source(%arg14 : memref<128xi32, #tpu.memory_space<vmem>>) target(%dma_start3A_1848 : memref<128xi32, #tpu.memory_space<hbm>>) target_semaphore(%run_scoped3A : memref<!tpu.dma_semaphore, #tpu.memory_space<semaphore_mem>>)
        %dma_wait3A_1849 = arith.constant 0 : i32
        %dma_wait3A_1850 = tpu.memref_slice %arg5[%add3A_14, %dma_wait3A_1849] : memref<4096x128xi32, #tpu.memory_space<hbm>> -> memref<1x128xi32, #tpu.memory_space<hbm>>
        %dma_wait3A_1851 = tpu.memref_squeeze %dma_wait3A_1850 : memref<1x128xi32, #tpu.memory_space<hbm>> -> memref<128xi32, #tpu.memory_space<hbm>>
        %dma_wait3A_1852 = arith.constant 0 : i32
        %dma_wait3A_1853 = tpu.memref_slice %arg5[%add3A_14, %dma_wait3A_1852] : memref<4096x128xi32, #tpu.memory_space<hbm>> -> memref<1x128xi32, #tpu.memory_space<hbm>>
        %dma_wait3A_1854 = tpu.memref_squeeze %dma_wait3A_1853 : memref<1x128xi32, #tpu.memory_space<hbm>> -> memref<128xi32, #tpu.memory_space<hbm>>
        tpu.wait_dma2 semaphore(%run_scoped3A : memref<!tpu.dma_semaphore, #tpu.memory_space<semaphore_mem>>) src(%arg14 : memref<128xi32, #tpu.memory_space<vmem>>) dst(%dma_wait3A_1854 : memref<128xi32, #tpu.memory_space<hbm>>)
        tpu.yield
      }) : () -> ()
      %scan3A_1842 = arith.constant 0 : i32
      scf.yield %scan3A_1842 : i32
    }
    %scan3A_11 = arith.constant 128 : i32
    return
  }
}

module attributes {stable_mosaic.version = 14 : i64} {
  func.func @_mm_kernel(%arg0: i32, %arg1: i32, %arg2: memref<256x256xf32, #tpu.memory_space<vmem>>, %arg3: memref<512x256xf32, #tpu.memory_space<vmem>>, %arg4: memref<4x256x128xf32, #tpu.memory_space<vmem>>, %arg5: memref<16x256xf32, #tpu.memory_space<vmem>>) attributes {dimension_semantics = [#tpu.dimension_semantics<arbitrary>, #tpu.dimension_semantics<arbitrary>], iteration_bounds = array<i64: 196, 16>, scalar_prefetch = 0 : i64, scratch_operands = 0 : i64, tpu.core_type = #tpu.core_type<tc>, window_params = [{transform_indices = @transform_0, window_bounds = array<i64: 256, 256>}, {transform_indices = @transform_1, window_bounds = array<i64: 512, 256>}, {transform_indices = @transform_2, window_bounds = array<i64: 4, 256, 128>}, {transform_indices = @transform_3, window_bounds = array<i64: 16, 256>}]} {
    %get3A = arith.constant 0 : index
    %get3A_0 = arith.constant 0 : index
    %get3A_1 = vector.load %arg2[%get3A, %get3A_0] : memref<256x256xf32, #tpu.memory_space<vmem>>, vector<256x256xf32>
    %get3A_2 = arith.constant 0 : index
    %get3A_3 = arith.constant 0 : index
    %get3A_4 = vector.load %arg3[%get3A_2, %get3A_3] : memref<512x256xf32, #tpu.memory_space<vmem>>, vector<512x256xf32>
    %dot_general3A = arith.constant dense<0.000000e+00> : vector<256x512xf32>
    %dot_general3A_5 = tpu.matmul %get3A_1, %get3A_4, %dot_general3A {dimension_numbers = #tpu.dot_dimension_numbers<[1], [1], [0], [0], [0, 0, 1, 0], [], []>, transpose_lhs_hint = false} : vector<256x256xf32>, vector<512x256xf32>, vector<256x512xf32> -> vector<256x512xf32>
    %slice3A = vector.extract_strided_slice %dot_general3A_5 {offsets = [0, 0], sizes = [256, 128], strides = [1, 1]} : vector<256x512xf32> to vector<256x128xf32>
    %swap3A = arith.constant 0 : index
    %swap3A_6 = arith.constant 0 : index
    %swap3A_7 = arith.constant 0 : index
    %swap3A_8 = vector.load %arg4[%swap3A, %swap3A_6, %swap3A_7] : memref<4x256x128xf32, #tpu.memory_space<vmem>>, vector<1x256x128xf32>
    %swap3A_9 = vector.shape_cast %swap3A_8 : vector<1x256x128xf32> to vector<256x128xf32>
    %swap3A_10 = vector.shape_cast %slice3A : vector<256x128xf32> to vector<1x256x128xf32>
    tpu.vector_store %arg4[%swap3A, %swap3A_6, %swap3A_7], %swap3A_10 {strides = array<i32>} : memref<4x256x128xf32, #tpu.memory_space<vmem>>, vector<1x256x128xf32>,
    %slice3A_11 = vector.extract_strided_slice %dot_general3A_5 {offsets = [0, 128], sizes = [256, 128], strides = [1, 1]} : vector<256x512xf32> to vector<256x128xf32>
    %swap3A_12 = arith.constant 1 : index
    %swap3A_13 = arith.constant 0 : index
    %swap3A_14 = arith.constant 0 : index
    %swap3A_15 = vector.load %arg4[%swap3A_12, %swap3A_13, %swap3A_14] : memref<4x256x128xf32, #tpu.memory_space<vmem>>, vector<1x256x128xf32>
    %swap3A_16 = vector.shape_cast %swap3A_15 : vector<1x256x128xf32> to vector<256x128xf32>
    %swap3A_17 = vector.shape_cast %slice3A_11 : vector<256x128xf32> to vector<1x256x128xf32>
    tpu.vector_store %arg4[%swap3A_12, %swap3A_13, %swap3A_14], %swap3A_17 {strides = array<i32>} : memref<4x256x128xf32, #tpu.memory_space<vmem>>, vector<1x256x128xf32>,
    %slice3A_18 = vector.extract_strided_slice %dot_general3A_5 {offsets = [0, 256], sizes = [256, 128], strides = [1, 1]} : vector<256x512xf32> to vector<256x128xf32>
    %swap3A_19 = arith.constant 2 : index
    %swap3A_20 = arith.constant 0 : index
    %swap3A_21 = arith.constant 0 : index
    %swap3A_22 = vector.load %arg4[%swap3A_19, %swap3A_20, %swap3A_21] : memref<4x256x128xf32, #tpu.memory_space<vmem>>, vector<1x256x128xf32>
    %swap3A_23 = vector.shape_cast %swap3A_22 : vector<1x256x128xf32> to vector<256x128xf32>
    %swap3A_24 = vector.shape_cast %slice3A_18 : vector<256x128xf32> to vector<1x256x128xf32>
    tpu.vector_store %arg4[%swap3A_19, %swap3A_20, %swap3A_21], %swap3A_24 {strides = array<i32>} : memref<4x256x128xf32, #tpu.memory_space<vmem>>, vector<1x256x128xf32>,
    %slice3A_25 = vector.extract_strided_slice %dot_general3A_5 {offsets = [0, 384], sizes = [256, 128], strides = [1, 1]} : vector<256x512xf32> to vector<256x128xf32>
    %swap3A_26 = arith.constant 3 : index
    %swap3A_27 = arith.constant 0 : index
    %swap3A_28 = arith.constant 0 : index
    %swap3A_29 = vector.load %arg4[%swap3A_26, %swap3A_27, %swap3A_28] : memref<4x256x128xf32, #tpu.memory_space<vmem>>, vector<1x256x128xf32>
    %swap3A_30 = vector.shape_cast %swap3A_29 : vector<1x256x128xf32> to vector<256x128xf32>
    %swap3A_31 = vector.shape_cast %slice3A_25 : vector<256x128xf32> to vector<1x256x128xf32>
    tpu.vector_store %arg4[%swap3A_26, %swap3A_27, %swap3A_28], %swap3A_31 {strides = array<i32>} : memref<4x256x128xf32, #tpu.memory_space<vmem>>, vector<1x256x128xf32>,
    %get3A_32 = arith.constant 0 : index
    %get3A_33 = arith.constant 0 : index
    %get3A_34 = vector.load %arg3[%get3A_32, %get3A_33] : memref<512x256xf32, #tpu.memory_space<vmem>>, vector<512x256xf32>
    %get3A_35 = arith.constant 0 : index
    %get3A_36 = arith.constant 0 : index
    %get3A_37 = vector.load %arg2[%get3A_35, %get3A_36] : memref<256x256xf32, #tpu.memory_space<vmem>>, vector<256x256xf32>
    %dot_general3A_38 = arith.constant dense<0.000000e+00> : vector<512x256xf32>
    %dot_general3A_39 = tpu.matmul %get3A_34, %get3A_37, %dot_general3A_38 {dimension_numbers = #tpu.dot_dimension_numbers<[1], [1], [0], [0], [0, 0, 1, 0], [], []>, transpose_lhs_hint = false} : vector<512x256xf32>, vector<256x256xf32>, vector<512x256xf32> -> vector<512x256xf32>
    %reshape3A = vector.shape_cast %dot_general3A_39 : vector<512x256xf32> to vector<16x32x256xf32>
    %reduce_max3A = arith.constant dense<0xFF800000> : vector<16x256xf32>
    %reduce_max3A_40 = vector.multi_reduction <maximumf>, %reshape3A, %reduce_max3A [1] : vector<16x32x256xf32> to vector<16x256xf32>
    %swap3A_41 = arith.constant 0 : index
    %swap3A_42 = arith.constant 0 : index
    %swap3A_43 = vector.load %arg5[%swap3A_41, %swap3A_42] : memref<16x256xf32, #tpu.memory_space<vmem>>, vector<16x256xf32>
    tpu.vector_store %arg5[%swap3A_41, %swap3A_42], %reduce_max3A_40 {strides = array<i32>} : memref<16x256xf32, #tpu.memory_space<vmem>>, vector<16x256xf32>,
    return
  }
  func.func @transform_0(%arg0: i32, %arg1: i32) -> (i32, i32) {
    %c0_i32 = arith.constant 0 : i32
    %c0_i32_0 = arith.constant 0 : i32
    return %arg1, %c0_i32 : i32, i32
  }
  func.func @transform_1(%arg0: i32, %arg1: i32) -> (i32, i32) {
    %c0_i32 = arith.constant 0 : i32
    %c0_i32_0 = arith.constant 0 : i32
    return %arg0, %c0_i32 : i32, i32
  }
  func.func @transform_2(%arg0: i32, %arg1: i32) -> (i32, i32, i32) {
    %c0_i32 = arith.constant 0 : i32
    %c0_i32_0 = arith.constant 0 : i32
    return %arg0, %arg1, %c0_i32 : i32, i32, i32
  }
  func.func @transform_3(%arg0: i32, %arg1: i32) -> (i32, i32) {
    %c0_i32 = arith.constant 0 : i32
    return %arg0, %arg1 : i32, i32
  }
}

module attributes {stable_mosaic.version = 14 : i64} {
  func.func @_tau_kernel(%arg0: i32, %arg1: memref<3136x512xf32, #tpu.memory_space<vmem>>, %arg2: memref<512x1xf32, #tpu.memory_space<vmem>>, %arg3: memref<512x3136xf32, #tpu.memory_space<vmem>>) attributes {dimension_semantics = [#tpu.dimension_semantics<arbitrary>], iteration_bounds = array<i64: 8>, scalar_prefetch = 0 : i64, scratch_operands = 0 : i64, tpu.core_type = #tpu.core_type<tc>, window_params = [{transform_indices = @transform_0, window_bounds = array<i64: 3136, 512>}, {transform_indices = @transform_1, window_bounds = array<i64: 512, 1>}, {transform_indices = @transform_2, window_bounds = array<i64: 512, 3136>}]} {
    %get3A = arith.constant 0 : index
    %get3A_0 = arith.constant 0 : index
    %get3A_1 = vector.load %arg1[%get3A, %get3A_0] : memref<3136x512xf32, #tpu.memory_space<vmem>>, vector<3136x512xf32>
    %transpose3A = tpu.transpose %get3A_1, [1, 0] : vector<3136x512xf32> -> vector<512x3136xf32>
    %swap3A = arith.constant 0 : index
    %swap3A_2 = arith.constant 0 : index
    %swap3A_3 = vector.load %arg3[%swap3A, %swap3A_2] : memref<512x3136xf32, #tpu.memory_space<vmem>>, vector<512x3136xf32>
    tpu.vector_store %arg3[%swap3A, %swap3A_2], %transpose3A {strides = array<i32>} : memref<512x3136xf32, #tpu.memory_space<vmem>>, vector<512x3136xf32>,
    %bitcast_convert_type3A = tpu.bitcast %transpose3A : vector<512x3136xf32> -> vector<512x3136xi32>
    %ge3A = arith.constant -2147483648 : i32
    %ge3A_4 = vector.broadcast %ge3A : i32 to vector<512x3136xi32>
    %ge3A_5 = arith.cmpi uge, %bitcast_convert_type3A, %ge3A_4 : vector<512x3136xi32>
    %not3A = arith.constant dense<-1> : vector<512x3136xi32>
    %not3A_6 = arith.xori %bitcast_convert_type3A, %not3A : vector<512x3136xi32>
    %or3A = arith.constant -2147483648 : i32
    %or3A_7 = vector.broadcast %or3A : i32 to vector<512x3136xi32>
    %or3A_8 = arith.ori %bitcast_convert_type3A, %or3A_7 : vector<512x3136xi32>
    %select_n3A = arith.select %ge3A_5, %not3A_6, %or3A_8 : vector<512x3136xi1>, vector<512x3136xi32>
    %broadcast_in_dim3A = arith.constant 0 : i32
    %broadcast_in_dim3A_9 = vector.broadcast %broadcast_in_dim3A : i32 to vector<512x1xi32>
    %or3A_10 = arith.constant -2147483648 : i32
    %or3A_11 = vector.broadcast %or3A_10 : i32 to vector<512x1xi32>
    %or3A_12 = arith.ori %broadcast_in_dim3A_9, %or3A_11 : vector<512x1xi32>
    %ge3A_13 = vector.broadcast %or3A_12 : vector<512x1xi32> to vector<512x3136xi32>
    %ge3A_14 = arith.cmpi uge, %select_n3A, %ge3A_13 : vector<512x3136xi32>
    %convert_element_type3A = arith.extui %ge3A_14 : vector<512x3136xi1> to vector<512x3136xi32>
    %reduce_sum3A = arith.constant dense<0> : vector<512xi32>
    %reduce_sum3A_15 = vector.multi_reduction <add>, %convert_element_type3A, %reduce_sum3A [1] : vector<512x3136xi32> to vector<512xi32>
    %broadcast_in_dim3A_16 = vector.shape_cast %reduce_sum3A_15 : vector<512xi32> to vector<512x1xi32>
    %ge3A_17 = arith.constant 128 : i32
    %ge3A_18 = vector.broadcast %ge3A_17 : i32 to vector<512x1xi32>
    %ge3A_19 = arith.cmpi sge, %broadcast_in_dim3A_16, %ge3A_18 : vector<512x1xi32>
    %select_n3A_20 = arith.select %ge3A_19, %or3A_12, %broadcast_in_dim3A_9 : vector<512x1xi1>, vector<512x1xi32>
    %or3A_21 = arith.constant 1073741824 : i32
    %or3A_22 = vector.broadcast %or3A_21 : i32 to vector<512x1xi32>
    %or3A_23 = arith.ori %select_n3A_20, %or3A_22 : vector<512x1xi32>
    %ge3A_24 = vector.broadcast %or3A_23 : vector<512x1xi32> to vector<512x3136xi32>
    %ge3A_25 = arith.cmpi uge, %select_n3A, %ge3A_24 : vector<512x3136xi32>
    %convert_element_type3A_26 = arith.extui %ge3A_25 : vector<512x3136xi1> to vector<512x3136xi32>
    %reduce_sum3A_27 = arith.constant dense<0> : vector<512xi32>
    %reduce_sum3A_28 = vector.multi_reduction <add>, %convert_element_type3A_26, %reduce_sum3A_27 [1] : vector<512x3136xi32> to vector<512xi32>
    %broadcast_in_dim3A_29 = vector.shape_cast %reduce_sum3A_28 : vector<512xi32> to vector<512x1xi32>
    %ge3A_30 = arith.constant 128 : i32
    %ge3A_31 = vector.broadcast %ge3A_30 : i32 to vector<512x1xi32>
    %ge3A_32 = arith.cmpi sge, %broadcast_in_dim3A_29, %ge3A_31 : vector<512x1xi32>
    %select_n3A_33 = arith.select %ge3A_32, %or3A_23, %select_n3A_20 : vector<512x1xi1>, vector<512x1xi32>
    %or3A_34 = arith.constant 536870912 : i32
    %or3A_35 = vector.broadcast %or3A_34 : i32 to vector<512x1xi32>
    %or3A_36 = arith.ori %select_n3A_33, %or3A_35 : vector<512x1xi32>
    %ge3A_37 = vector.broadcast %or3A_36 : vector<512x1xi32> to vector<512x3136xi32>
    %ge3A_38 = arith.cmpi uge, %select_n3A, %ge3A_37 : vector<512x3136xi32>
    %convert_element_type3A_39 = arith.extui %ge3A_38 : vector<512x3136xi1> to vector<512x3136xi32>
    %reduce_sum3A_40 = arith.constant dense<0> : vector<512xi32>
    %reduce_sum3A_41 = vector.multi_reduction <add>, %convert_element_type3A_39, %reduce_sum3A_40 [1] : vector<512x3136xi32> to vector<512xi32>
    %broadcast_in_dim3A_42 = vector.shape_cast %reduce_sum3A_41 : vector<512xi32> to vector<512x1xi32>
    %ge3A_43 = arith.constant 128 : i32
    %ge3A_44 = vector.broadcast %ge3A_43 : i32 to vector<512x1xi32>
    %ge3A_45 = arith.cmpi sge, %broadcast_in_dim3A_42, %ge3A_44 : vector<512x1xi32>
    %select_n3A_46 = arith.select %ge3A_45, %or3A_36, %select_n3A_33 : vector<512x1xi1>, vector<512x1xi32>
    %or3A_47 = arith.constant 268435456 : i32
    %or3A_48 = vector.broadcast %or3A_47 : i32 to vector<512x1xi32>
    %or3A_49 = arith.ori %select_n3A_46, %or3A_48 : vector<512x1xi32>
    %ge3A_50 = vector.broadcast %or3A_49 : vector<512x1xi32> to vector<512x3136xi32>
    %ge3A_51 = arith.cmpi uge, %select_n3A, %ge3A_50 : vector<512x3136xi32>
    %convert_element_type3A_52 = arith.extui %ge3A_51 : vector<512x3136xi1> to vector<512x3136xi32>
    %reduce_sum3A_53 = arith.constant dense<0> : vector<512xi32>
    %reduce_sum3A_54 = vector.multi_reduction <add>, %convert_element_type3A_52, %reduce_sum3A_53 [1] : vector<512x3136xi32> to vector<512xi32>
    %broadcast_in_dim3A_55 = vector.shape_cast %reduce_sum3A_54 : vector<512xi32> to vector<512x1xi32>
    %ge3A_56 = arith.constant 128 : i32
    %ge3A_57 = vector.broadcast %ge3A_56 : i32 to vector<512x1xi32>
    %ge3A_58 = arith.cmpi sge, %broadcast_in_dim3A_55, %ge3A_57 : vector<512x1xi32>
    %select_n3A_59 = arith.select %ge3A_58, %or3A_49, %select_n3A_46 : vector<512x1xi1>, vector<512x1xi32>
    %or3A_60 = arith.constant 134217728 : i32
    %or3A_61 = vector.broadcast %or3A_60 : i32 to vector<512x1xi32>
    %or3A_62 = arith.ori %select_n3A_59, %or3A_61 : vector<512x1xi32>
    %ge3A_63 = vector.broadcast %or3A_62 : vector<512x1xi32> to vector<512x3136xi32>
    %ge3A_64 = arith.cmpi uge, %select_n3A, %ge3A_63 : vector<512x3136xi32>
    %convert_element_type3A_65 = arith.extui %ge3A_64 : vector<512x3136xi1> to vector<512x3136xi32>
    %reduce_sum3A_66 = arith.constant dense<0> : vector<512xi32>
    %reduce_sum3A_67 = vector.multi_reduction <add>, %convert_element_type3A_65, %reduce_sum3A_66 [1] : vector<512x3136xi32> to vector<512xi32>
    %broadcast_in_dim3A_68 = vector.shape_cast %reduce_sum3A_67 : vector<512xi32> to vector<512x1xi32>
    %ge3A_69 = arith.constant 128 : i32
    %ge3A_70 = vector.broadcast %ge3A_69 : i32 to vector<512x1xi32>
    %ge3A_71 = arith.cmpi sge, %broadcast_in_dim3A_68, %ge3A_70 : vector<512x1xi32>
    %select_n3A_72 = arith.select %ge3A_71, %or3A_62, %select_n3A_59 : vector<512x1xi1>, vector<512x1xi32>
    %or3A_73 = arith.constant 67108864 : i32
    %or3A_74 = vector.broadcast %or3A_73 : i32 to vector<512x1xi32>
    %or3A_75 = arith.ori %select_n3A_72, %or3A_74 : vector<512x1xi32>
    %ge3A_76 = vector.broadcast %or3A_75 : vector<512x1xi32> to vector<512x3136xi32>
    %ge3A_77 = arith.cmpi uge, %select_n3A, %ge3A_76 : vector<512x3136xi32>
    %convert_element_type3A_78 = arith.extui %ge3A_77 : vector<512x3136xi1> to vector<512x3136xi32>
    %reduce_sum3A_79 = arith.constant dense<0> : vector<512xi32>
    %reduce_sum3A_80 = vector.multi_reduction <add>, %convert_element_type3A_78, %reduce_sum3A_79 [1] : vector<512x3136xi32> to vector<512xi32>
    %broadcast_in_dim3A_81 = vector.shape_cast %reduce_sum3A_80 : vector<512xi32> to vector<512x1xi32>
    %ge3A_82 = arith.constant 128 : i32
    %ge3A_83 = vector.broadcast %ge3A_82 : i32 to vector<512x1xi32>
    %ge3A_84 = arith.cmpi sge, %broadcast_in_dim3A_81, %ge3A_83 : vector<512x1xi32>
    %select_n3A_85 = arith.select %ge3A_84, %or3A_75, %select_n3A_72 : vector<512x1xi1>, vector<512x1xi32>
    %or3A_86 = arith.constant 33554432 : i32
    %or3A_87 = vector.broadcast %or3A_86 : i32 to vector<512x1xi32>
    %or3A_88 = arith.ori %select_n3A_85, %or3A_87 : vector<512x1xi32>
    %ge3A_89 = vector.broadcast %or3A_88 : vector<512x1xi32> to vector<512x3136xi32>
    %ge3A_90 = arith.cmpi uge, %select_n3A, %ge3A_89 : vector<512x3136xi32>
    %convert_element_type3A_91 = arith.extui %ge3A_90 : vector<512x3136xi1> to vector<512x3136xi32>
    %reduce_sum3A_92 = arith.constant dense<0> : vector<512xi32>
    %reduce_sum3A_93 = vector.multi_reduction <add>, %convert_element_type3A_91, %reduce_sum3A_92 [1] : vector<512x3136xi32> to vector<512xi32>
    %broadcast_in_dim3A_94 = vector.shape_cast %reduce_sum3A_93 : vector<512xi32> to vector<512x1xi32>
    %ge3A_95 = arith.constant 128 : i32
    %ge3A_96 = vector.broadcast %ge3A_95 : i32 to vector<512x1xi32>
    %ge3A_97 = arith.cmpi sge, %broadcast_in_dim3A_94, %ge3A_96 : vector<512x1xi32>
    %select_n3A_98 = arith.select %ge3A_97, %or3A_88, %select_n3A_85 : vector<512x1xi1>, vector<512x1xi32>
    %or3A_99 = arith.constant 16777216 : i32
    %or3A_100 = vector.broadcast %or3A_99 : i32 to vector<512x1xi32>
    %or3A_101 = arith.ori %select_n3A_98, %or3A_100 : vector<512x1xi32>
    %ge3A_102 = vector.broadcast %or3A_101 : vector<512x1xi32> to vector<512x3136xi32>
    %ge3A_103 = arith.cmpi uge, %select_n3A, %ge3A_102 : vector<512x3136xi32>
    %convert_element_type3A_104 = arith.extui %ge3A_103 : vector<512x3136xi1> to vector<512x3136xi32>
    %reduce_sum3A_105 = arith.constant dense<0> : vector<512xi32>
    %reduce_sum3A_106 = vector.multi_reduction <add>, %convert_element_type3A_104, %reduce_sum3A_105 [1] : vector<512x3136xi32> to vector<512xi32>
    %broadcast_in_dim3A_107 = vector.shape_cast %reduce_sum3A_106 : vector<512xi32> to vector<512x1xi32>
    %ge3A_108 = arith.constant 128 : i32
    %ge3A_109 = vector.broadcast %ge3A_108 : i32 to vector<512x1xi32>
    %ge3A_110 = arith.cmpi sge, %broadcast_in_dim3A_107, %ge3A_109 : vector<512x1xi32>
    %select_n3A_111 = arith.select %ge3A_110, %or3A_101, %select_n3A_98 : vector<512x1xi1>, vector<512x1xi32>
    %or3A_112 = arith.constant 8388608 : i32
    %or3A_113 = vector.broadcast %or3A_112 : i32 to vector<512x1xi32>
    %or3A_114 = arith.ori %select_n3A_111, %or3A_113 : vector<512x1xi32>
    %ge3A_115 = vector.broadcast %or3A_114 : vector<512x1xi32> to vector<512x3136xi32>
    %ge3A_116 = arith.cmpi uge, %select_n3A, %ge3A_115 : vector<512x3136xi32>
    %convert_element_type3A_117 = arith.extui %ge3A_116 : vector<512x3136xi1> to vector<512x3136xi32>
    %reduce_sum3A_118 = arith.constant dense<0> : vector<512xi32>
    %reduce_sum3A_119 = vector.multi_reduction <add>, %convert_element_type3A_117, %reduce_sum3A_118 [1] : vector<512x3136xi32> to vector<512xi32>
    %broadcast_in_dim3A_120 = vector.shape_cast %reduce_sum3A_119 : vector<512xi32> to vector<512x1xi32>
    %ge3A_121 = arith.constant 128 : i32
    %ge3A_122 = vector.broadcast %ge3A_121 : i32 to vector<512x1xi32>
    %ge3A_123 = arith.cmpi sge, %broadcast_in_dim3A_120, %ge3A_122 : vector<512x1xi32>
    %select_n3A_124 = arith.select %ge3A_123, %or3A_114, %select_n3A_111 : vector<512x1xi1>, vector<512x1xi32>
    %or3A_125 = arith.constant 4194304 : i32
    %or3A_126 = vector.broadcast %or3A_125 : i32 to vector<512x1xi32>
    %or3A_127 = arith.ori %select_n3A_124, %or3A_126 : vector<512x1xi32>
    %ge3A_128 = vector.broadcast %or3A_127 : vector<512x1xi32> to vector<512x3136xi32>
    %ge3A_129 = arith.cmpi uge, %select_n3A, %ge3A_128 : vector<512x3136xi32>
    %convert_element_type3A_130 = arith.extui %ge3A_129 : vector<512x3136xi1> to vector<512x3136xi32>
    %reduce_sum3A_131 = arith.constant dense<0> : vector<512xi32>
    %reduce_sum3A_132 = vector.multi_reduction <add>, %convert_element_type3A_130, %reduce_sum3A_131 [1] : vector<512x3136xi32> to vector<512xi32>
    %broadcast_in_dim3A_133 = vector.shape_cast %reduce_sum3A_132 : vector<512xi32> to vector<512x1xi32>
    %ge3A_134 = arith.constant 128 : i32
    %ge3A_135 = vector.broadcast %ge3A_134 : i32 to vector<512x1xi32>
    %ge3A_136 = arith.cmpi sge, %broadcast_in_dim3A_133, %ge3A_135 : vector<512x1xi32>
    %select_n3A_137 = arith.select %ge3A_136, %or3A_127, %select_n3A_124 : vector<512x1xi1>, vector<512x1xi32>
    %or3A_138 = arith.constant 2097152 : i32
    %or3A_139 = vector.broadcast %or3A_138 : i32 to vector<512x1xi32>
    %or3A_140 = arith.ori %select_n3A_137, %or3A_139 : vector<512x1xi32>
    %ge3A_141 = vector.broadcast %or3A_140 : vector<512x1xi32> to vector<512x3136xi32>
    %ge3A_142 = arith.cmpi uge, %select_n3A, %ge3A_141 : vector<512x3136xi32>
    %convert_element_type3A_143 = arith.extui %ge3A_142 : vector<512x3136xi1> to vector<512x3136xi32>
    %reduce_sum3A_144 = arith.constant dense<0> : vector<512xi32>
    %reduce_sum3A_145 = vector.multi_reduction <add>, %convert_element_type3A_143, %reduce_sum3A_144 [1] : vector<512x3136xi32> to vector<512xi32>
    %broadcast_in_dim3A_146 = vector.shape_cast %reduce_sum3A_145 : vector<512xi32> to vector<512x1xi32>
    %ge3A_147 = arith.constant 128 : i32
    %ge3A_148 = vector.broadcast %ge3A_147 : i32 to vector<512x1xi32>
    %ge3A_149 = arith.cmpi sge, %broadcast_in_dim3A_146, %ge3A_148 : vector<512x1xi32>
    %select_n3A_150 = arith.select %ge3A_149, %or3A_140, %select_n3A_137 : vector<512x1xi1>, vector<512x1xi32>
    %or3A_151 = arith.constant 1048576 : i32
    %or3A_152 = vector.broadcast %or3A_151 : i32 to vector<512x1xi32>
    %or3A_153 = arith.ori %select_n3A_150, %or3A_152 : vector<512x1xi32>
    %ge3A_154 = vector.broadcast %or3A_153 : vector<512x1xi32> to vector<512x3136xi32>
    %ge3A_155 = arith.cmpi uge, %select_n3A, %ge3A_154 : vector<512x3136xi32>
    %convert_element_type3A_156 = arith.extui %ge3A_155 : vector<512x3136xi1> to vector<512x3136xi32>
    %reduce_sum3A_157 = arith.constant dense<0> : vector<512xi32>
    %reduce_sum3A_158 = vector.multi_reduction <add>, %convert_element_type3A_156, %reduce_sum3A_157 [1] : vector<512x3136xi32> to vector<512xi32>
    %broadcast_in_dim3A_159 = vector.shape_cast %reduce_sum3A_158 : vector<512xi32> to vector<512x1xi32>
    %ge3A_160 = arith.constant 128 : i32
    %ge3A_161 = vector.broadcast %ge3A_160 : i32 to vector<512x1xi32>
    %ge3A_162 = arith.cmpi sge, %broadcast_in_dim3A_159, %ge3A_161 : vector<512x1xi32>
    %select_n3A_163 = arith.select %ge3A_162, %or3A_153, %select_n3A_150 : vector<512x1xi1>, vector<512x1xi32>
    %or3A_164 = arith.constant 524288 : i32
    %or3A_165 = vector.broadcast %or3A_164 : i32 to vector<512x1xi32>
    %or3A_166 = arith.ori %select_n3A_163, %or3A_165 : vector<512x1xi32>
    %ge3A_167 = vector.broadcast %or3A_166 : vector<512x1xi32> to vector<512x3136xi32>
    %ge3A_168 = arith.cmpi uge, %select_n3A, %ge3A_167 : vector<512x3136xi32>
    %convert_element_type3A_169 = arith.extui %ge3A_168 : vector<512x3136xi1> to vector<512x3136xi32>
    %reduce_sum3A_170 = arith.constant dense<0> : vector<512xi32>
    %reduce_sum3A_171 = vector.multi_reduction <add>, %convert_element_type3A_169, %reduce_sum3A_170 [1] : vector<512x3136xi32> to vector<512xi32>
    %broadcast_in_dim3A_172 = vector.shape_cast %reduce_sum3A_171 : vector<512xi32> to vector<512x1xi32>
    %ge3A_173 = arith.constant 128 : i32
    %ge3A_174 = vector.broadcast %ge3A_173 : i32 to vector<512x1xi32>
    %ge3A_175 = arith.cmpi sge, %broadcast_in_dim3A_172, %ge3A_174 : vector<512x1xi32>
    %select_n3A_176 = arith.select %ge3A_175, %or3A_166, %select_n3A_163 : vector<512x1xi1>, vector<512x1xi32>
    %or3A_177 = arith.constant 262144 : i32
    %or3A_178 = vector.broadcast %or3A_177 : i32 to vector<512x1xi32>
    %or3A_179 = arith.ori %select_n3A_176, %or3A_178 : vector<512x1xi32>
    %ge3A_180 = vector.broadcast %or3A_179 : vector<512x1xi32> to vector<512x3136xi32>
    %ge3A_181 = arith.cmpi uge, %select_n3A, %ge3A_180 : vector<512x3136xi32>
    %convert_element_type3A_182 = arith.extui %ge3A_181 : vector<512x3136xi1> to vector<512x3136xi32>
    %reduce_sum3A_183 = arith.constant dense<0> : vector<512xi32>
    %reduce_sum3A_184 = vector.multi_reduction <add>, %convert_element_type3A_182, %reduce_sum3A_183 [1] : vector<512x3136xi32> to vector<512xi32>
    %broadcast_in_dim3A_185 = vector.shape_cast %reduce_sum3A_184 : vector<512xi32> to vector<512x1xi32>
    %ge3A_186 = arith.constant 128 : i32
    %ge3A_187 = vector.broadcast %ge3A_186 : i32 to vector<512x1xi32>
    %ge3A_188 = arith.cmpi sge, %broadcast_in_dim3A_185, %ge3A_187 : vector<512x1xi32>
    %select_n3A_189 = arith.select %ge3A_188, %or3A_179, %select_n3A_176 : vector<512x1xi1>, vector<512x1xi32>
    %or3A_190 = arith.constant 131072 : i32
    %or3A_191 = vector.broadcast %or3A_190 : i32 to vector<512x1xi32>
    %or3A_192 = arith.ori %select_n3A_189, %or3A_191 : vector<512x1xi32>
    %ge3A_193 = vector.broadcast %or3A_192 : vector<512x1xi32> to vector<512x3136xi32>
    %ge3A_194 = arith.cmpi uge, %select_n3A, %ge3A_193 : vector<512x3136xi32>
    %convert_element_type3A_195 = arith.extui %ge3A_194 : vector<512x3136xi1> to vector<512x3136xi32>
    %reduce_sum3A_196 = arith.constant dense<0> : vector<512xi32>
    %reduce_sum3A_197 = vector.multi_reduction <add>, %convert_element_type3A_195, %reduce_sum3A_196 [1] : vector<512x3136xi32> to vector<512xi32>
    %broadcast_in_dim3A_198 = vector.shape_cast %reduce_sum3A_197 : vector<512xi32> to vector<512x1xi32>
    %ge3A_199 = arith.constant 128 : i32
    %ge3A_200 = vector.broadcast %ge3A_199 : i32 to vector<512x1xi32>
    %ge3A_201 = arith.cmpi sge, %broadcast_in_dim3A_198, %ge3A_200 : vector<512x1xi32>
    %select_n3A_202 = arith.select %ge3A_201, %or3A_192, %select_n3A_189 : vector<512x1xi1>, vector<512x1xi32>
    %or3A_203 = arith.constant 65536 : i32
    %or3A_204 = vector.broadcast %or3A_203 : i32 to vector<512x1xi32>
    %or3A_205 = arith.ori %select_n3A_202, %or3A_204 : vector<512x1xi32>
    %ge3A_206 = vector.broadcast %or3A_205 : vector<512x1xi32> to vector<512x3136xi32>
    %ge3A_207 = arith.cmpi uge, %select_n3A, %ge3A_206 : vector<512x3136xi32>
    %convert_element_type3A_208 = arith.extui %ge3A_207 : vector<512x3136xi1> to vector<512x3136xi32>
    %reduce_sum3A_209 = arith.constant dense<0> : vector<512xi32>
    %reduce_sum3A_210 = vector.multi_reduction <add>, %convert_element_type3A_208, %reduce_sum3A_209 [1] : vector<512x3136xi32> to vector<512xi32>
    %broadcast_in_dim3A_211 = vector.shape_cast %reduce_sum3A_210 : vector<512xi32> to vector<512x1xi32>
    %ge3A_212 = arith.constant 128 : i32
    %ge3A_213 = vector.broadcast %ge3A_212 : i32 to vector<512x1xi32>
    %ge3A_214 = arith.cmpi sge, %broadcast_in_dim3A_211, %ge3A_213 : vector<512x1xi32>
    %select_n3A_215 = arith.select %ge3A_214, %or3A_205, %select_n3A_202 : vector<512x1xi1>, vector<512x1xi32>
    %or3A_216 = arith.constant 32768 : i32
    %or3A_217 = vector.broadcast %or3A_216 : i32 to vector<512x1xi32>
    %or3A_218 = arith.ori %select_n3A_215, %or3A_217 : vector<512x1xi32>
    %ge3A_219 = vector.broadcast %or3A_218 : vector<512x1xi32> to vector<512x3136xi32>
    %ge3A_220 = arith.cmpi uge, %select_n3A, %ge3A_219 : vector<512x3136xi32>
    %convert_element_type3A_221 = arith.extui %ge3A_220 : vector<512x3136xi1> to vector<512x3136xi32>
    %reduce_sum3A_222 = arith.constant dense<0> : vector<512xi32>
    %reduce_sum3A_223 = vector.multi_reduction <add>, %convert_element_type3A_221, %reduce_sum3A_222 [1] : vector<512x3136xi32> to vector<512xi32>
    %broadcast_in_dim3A_224 = vector.shape_cast %reduce_sum3A_223 : vector<512xi32> to vector<512x1xi32>
    %ge3A_225 = arith.constant 128 : i32
    %ge3A_226 = vector.broadcast %ge3A_225 : i32 to vector<512x1xi32>
    %ge3A_227 = arith.cmpi sge, %broadcast_in_dim3A_224, %ge3A_226 : vector<512x1xi32>
    %select_n3A_228 = arith.select %ge3A_227, %or3A_218, %select_n3A_215 : vector<512x1xi1>, vector<512x1xi32>
    %or3A_229 = arith.constant 16384 : i32
    %or3A_230 = vector.broadcast %or3A_229 : i32 to vector<512x1xi32>
    %or3A_231 = arith.ori %select_n3A_228, %or3A_230 : vector<512x1xi32>
    %ge3A_232 = vector.broadcast %or3A_231 : vector<512x1xi32> to vector<512x3136xi32>
    %ge3A_233 = arith.cmpi uge, %select_n3A, %ge3A_232 : vector<512x3136xi32>
    %convert_element_type3A_234 = arith.extui %ge3A_233 : vector<512x3136xi1> to vector<512x3136xi32>
    %reduce_sum3A_235 = arith.constant dense<0> : vector<512xi32>
    %reduce_sum3A_236 = vector.multi_reduction <add>, %convert_element_type3A_234, %reduce_sum3A_235 [1] : vector<512x3136xi32> to vector<512xi32>
    %broadcast_in_dim3A_237 = vector.shape_cast %reduce_sum3A_236 : vector<512xi32> to vector<512x1xi32>
    %ge3A_238 = arith.constant 128 : i32
    %ge3A_239 = vector.broadcast %ge3A_238 : i32 to vector<512x1xi32>
    %ge3A_240 = arith.cmpi sge, %broadcast_in_dim3A_237, %ge3A_239 : vector<512x1xi32>
    %select_n3A_241 = arith.select %ge3A_240, %or3A_231, %select_n3A_228 : vector<512x1xi1>, vector<512x1xi32>
    %or3A_242 = arith.constant 8192 : i32
    %or3A_243 = vector.broadcast %or3A_242 : i32 to vector<512x1xi32>
    %or3A_244 = arith.ori %select_n3A_241, %or3A_243 : vector<512x1xi32>
    %ge3A_245 = vector.broadcast %or3A_244 : vector<512x1xi32> to vector<512x3136xi32>
    %ge3A_246 = arith.cmpi uge, %select_n3A, %ge3A_245 : vector<512x3136xi32>
    %convert_element_type3A_247 = arith.extui %ge3A_246 : vector<512x3136xi1> to vector<512x3136xi32>
    %reduce_sum3A_248 = arith.constant dense<0> : vector<512xi32>
    %reduce_sum3A_249 = vector.multi_reduction <add>, %convert_element_type3A_247, %reduce_sum3A_248 [1] : vector<512x3136xi32> to vector<512xi32>
    %broadcast_in_dim3A_250 = vector.shape_cast %reduce_sum3A_249 : vector<512xi32> to vector<512x1xi32>
    %ge3A_251 = arith.constant 128 : i32
    %ge3A_252 = vector.broadcast %ge3A_251 : i32 to vector<512x1xi32>
    %ge3A_253 = arith.cmpi sge, %broadcast_in_dim3A_250, %ge3A_252 : vector<512x1xi32>
    %select_n3A_254 = arith.select %ge3A_253, %or3A_244, %select_n3A_241 : vector<512x1xi1>, vector<512x1xi32>
    %or3A_255 = arith.constant 4096 : i32
    %or3A_256 = vector.broadcast %or3A_255 : i32 to vector<512x1xi32>
    %or3A_257 = arith.ori %select_n3A_254, %or3A_256 : vector<512x1xi32>
    %ge3A_258 = vector.broadcast %or3A_257 : vector<512x1xi32> to vector<512x3136xi32>
    %ge3A_259 = arith.cmpi uge, %select_n3A, %ge3A_258 : vector<512x3136xi32>
    %convert_element_type3A_260 = arith.extui %ge3A_259 : vector<512x3136xi1> to vector<512x3136xi32>
    %reduce_sum3A_261 = arith.constant dense<0> : vector<512xi32>
    %reduce_sum3A_262 = vector.multi_reduction <add>, %convert_element_type3A_260, %reduce_sum3A_261 [1] : vector<512x3136xi32> to vector<512xi32>
    %broadcast_in_dim3A_263 = vector.shape_cast %reduce_sum3A_262 : vector<512xi32> to vector<512x1xi32>
    %ge3A_264 = arith.constant 128 : i32
    %ge3A_265 = vector.broadcast %ge3A_264 : i32 to vector<512x1xi32>
    %ge3A_266 = arith.cmpi sge, %broadcast_in_dim3A_263, %ge3A_265 : vector<512x1xi32>
    %select_n3A_267 = arith.select %ge3A_266, %or3A_257, %select_n3A_254 : vector<512x1xi1>, vector<512x1xi32>
    %or3A_268 = arith.constant 2048 : i32
    %or3A_269 = vector.broadcast %or3A_268 : i32 to vector<512x1xi32>
    %or3A_270 = arith.ori %select_n3A_267, %or3A_269 : vector<512x1xi32>
    %ge3A_271 = vector.broadcast %or3A_270 : vector<512x1xi32> to vector<512x3136xi32>
    %ge3A_272 = arith.cmpi uge, %select_n3A, %ge3A_271 : vector<512x3136xi32>
    %convert_element_type3A_273 = arith.extui %ge3A_272 : vector<512x3136xi1> to vector<512x3136xi32>
    %reduce_sum3A_274 = arith.constant dense<0> : vector<512xi32>
    %reduce_sum3A_275 = vector.multi_reduction <add>, %convert_element_type3A_273, %reduce_sum3A_274 [1] : vector<512x3136xi32> to vector<512xi32>
    %broadcast_in_dim3A_276 = vector.shape_cast %reduce_sum3A_275 : vector<512xi32> to vector<512x1xi32>
    %ge3A_277 = arith.constant 128 : i32
    %ge3A_278 = vector.broadcast %ge3A_277 : i32 to vector<512x1xi32>
    %ge3A_279 = arith.cmpi sge, %broadcast_in_dim3A_276, %ge3A_278 : vector<512x1xi32>
    %select_n3A_280 = arith.select %ge3A_279, %or3A_270, %select_n3A_267 : vector<512x1xi1>, vector<512x1xi32>
    %or3A_281 = arith.constant 1024 : i32
    %or3A_282 = vector.broadcast %or3A_281 : i32 to vector<512x1xi32>
    %or3A_283 = arith.ori %select_n3A_280, %or3A_282 : vector<512x1xi32>
    %ge3A_284 = vector.broadcast %or3A_283 : vector<512x1xi32> to vector<512x3136xi32>
    %ge3A_285 = arith.cmpi uge, %select_n3A, %ge3A_284 : vector<512x3136xi32>
    %convert_element_type3A_286 = arith.extui %ge3A_285 : vector<512x3136xi1> to vector<512x3136xi32>
    %reduce_sum3A_287 = arith.constant dense<0> : vector<512xi32>
    %reduce_sum3A_288 = vector.multi_reduction <add>, %convert_element_type3A_286, %reduce_sum3A_287 [1] : vector<512x3136xi32> to vector<512xi32>
    %broadcast_in_dim3A_289 = vector.shape_cast %reduce_sum3A_288 : vector<512xi32> to vector<512x1xi32>
    %ge3A_290 = arith.constant 128 : i32
    %ge3A_291 = vector.broadcast %ge3A_290 : i32 to vector<512x1xi32>
    %ge3A_292 = arith.cmpi sge, %broadcast_in_dim3A_289, %ge3A_291 : vector<512x1xi32>
    %select_n3A_293 = arith.select %ge3A_292, %or3A_283, %select_n3A_280 : vector<512x1xi1>, vector<512x1xi32>
    %or3A_294 = arith.constant 512 : i32
    %or3A_295 = vector.broadcast %or3A_294 : i32 to vector<512x1xi32>
    %or3A_296 = arith.ori %select_n3A_293, %or3A_295 : vector<512x1xi32>
    %ge3A_297 = vector.broadcast %or3A_296 : vector<512x1xi32> to vector<512x3136xi32>
    %ge3A_298 = arith.cmpi uge, %select_n3A, %ge3A_297 : vector<512x3136xi32>
    %convert_element_type3A_299 = arith.extui %ge3A_298 : vector<512x3136xi1> to vector<512x3136xi32>
    %reduce_sum3A_300 = arith.constant dense<0> : vector<512xi32>
    %reduce_sum3A_301 = vector.multi_reduction <add>, %convert_element_type3A_299, %reduce_sum3A_300 [1] : vector<512x3136xi32> to vector<512xi32>
    %broadcast_in_dim3A_302 = vector.shape_cast %reduce_sum3A_301 : vector<512xi32> to vector<512x1xi32>
    %ge3A_303 = arith.constant 128 : i32
    %ge3A_304 = vector.broadcast %ge3A_303 : i32 to vector<512x1xi32>
    %ge3A_305 = arith.cmpi sge, %broadcast_in_dim3A_302, %ge3A_304 : vector<512x1xi32>
    %select_n3A_306 = arith.select %ge3A_305, %or3A_296, %select_n3A_293 : vector<512x1xi1>, vector<512x1xi32>
    %or3A_307 = arith.constant 256 : i32
    %or3A_308 = vector.broadcast %or3A_307 : i32 to vector<512x1xi32>
    %or3A_309 = arith.ori %select_n3A_306, %or3A_308 : vector<512x1xi32>
    %ge3A_310 = vector.broadcast %or3A_309 : vector<512x1xi32> to vector<512x3136xi32>
    %ge3A_311 = arith.cmpi uge, %select_n3A, %ge3A_310 : vector<512x3136xi32>
    %convert_element_type3A_312 = arith.extui %ge3A_311 : vector<512x3136xi1> to vector<512x3136xi32>
    %reduce_sum3A_313 = arith.constant dense<0> : vector<512xi32>
    %reduce_sum3A_314 = vector.multi_reduction <add>, %convert_element_type3A_312, %reduce_sum3A_313 [1] : vector<512x3136xi32> to vector<512xi32>
    %broadcast_in_dim3A_315 = vector.shape_cast %reduce_sum3A_314 : vector<512xi32> to vector<512x1xi32>
    %ge3A_316 = arith.constant 128 : i32
    %ge3A_317 = vector.broadcast %ge3A_316 : i32 to vector<512x1xi32>
    %ge3A_318 = arith.cmpi sge, %broadcast_in_dim3A_315, %ge3A_317 : vector<512x1xi32>
    %select_n3A_319 = arith.select %ge3A_318, %or3A_309, %select_n3A_306 : vector<512x1xi1>, vector<512x1xi32>
    %ge3A_320 = arith.constant 256 : i32
    %ge3A_321 = vector.broadcast %ge3A_320 : i32 to vector<512x1xi32>
    %ge3A_322 = arith.cmpi uge, %select_n3A_319, %ge3A_321 : vector<512x1xi32>
    %sub3A = arith.constant 256 : i32
    %sub3A_323 = vector.broadcast %sub3A : i32 to vector<512x1xi32>
    %sub3A_324 = arith.subi %select_n3A_319, %sub3A_323 : vector<512x1xi32>
    %jit3A = arith.constant 0 : i32
    %broadcast_in_dim3A_325 = vector.broadcast %jit3A : i32 to vector<512x1xi32>
    %select_n3A_326 = arith.select %ge3A_322, %sub3A_324, %broadcast_in_dim3A_325 : vector<512x1xi1>, vector<512x1xi32>
    %ge3A_327 = arith.constant -2147483648 : i32
    %ge3A_328 = vector.broadcast %ge3A_327 : i32 to vector<512x1xi32>
    %ge3A_329 = arith.cmpi uge, %select_n3A_326, %ge3A_328 : vector<512x1xi32>
    %and3A = arith.constant 2147483647 : i32
    %and3A_330 = vector.broadcast %and3A : i32 to vector<512x1xi32>
    %and3A_331 = arith.andi %select_n3A_326, %and3A_330 : vector<512x1xi32>
    %not3A_332 = arith.constant dense<-1> : vector<512x1xi32>
    %not3A_333 = arith.xori %select_n3A_326, %not3A_332 : vector<512x1xi32>
    %select_n3A_334 = arith.select %ge3A_329, %and3A_331, %not3A_333 : vector<512x1xi1>, vector<512x1xi32>
    %bitcast_convert_type3A_335 = tpu.bitcast %select_n3A_334 : vector<512x1xi32> -> vector<512x1xf32>
    %swap3A_336 = arith.constant 0 : index
    %swap3A_337 = arith.constant 0 : index
    %swap3A_338 = vector.load %arg2[%swap3A_336, %swap3A_337] : memref<512x1xf32, #tpu.memory_space<vmem>>, vector<512x1xf32>
    tpu.vector_store %arg2[%swap3A_336, %swap3A_337], %bitcast_convert_type3A_335 {strides = array<i32>} : memref<512x1xf32, #tpu.memory_space<vmem>>, vector<512x1xf32>,
    return
  }
  func.func @transform_0(%arg0: i32) -> (i32, i32) {
    %c0_i32 = arith.constant 0 : i32
    %c0_i32_0 = arith.constant 0 : i32
    return %c0_i32, %arg0 : i32, i32
  }
  func.func @transform_1(%arg0: i32) -> (i32, i32) {
    %c0_i32 = arith.constant 0 : i32
    %c0_i32_0 = arith.constant 0 : i32
    return %arg0, %c0_i32 : i32, i32
  }
  func.func @transform_2(%arg0: i32) -> (i32, i32) {
    %c0_i32 = arith.constant 0 : i32
    %c0_i32_0 = arith.constant 0 : i32
    return %arg0, %c0_i32 : i32, i32
  }
}

</mosaic_0001>

<sc_bundles>
// kernel: kernel.5.cloned.1.call-start
scs
__scs_entry_jumppad:
0x0: {  	(pc) =	sbr.rel $0x88, $3  }
0x1: {  	(tag) =	ssettag $0x0;
	lr =	simm.s32 $0x1  }
0x2: {  	[smem:$0x3F9E] =	sst lr;
	_ =	strace $0xD0000000  }
0x3: {  	_ = 	snop  }
0x4: {  	_ = 	snop  }
0x5: {  	_ = 	snop  }
0x6: {  	_ = 	snop  }
0x7: {  	_ = 	snop  }
__scs_overlays_trampoline_lowered:
0x8: {  	[smem:$0x3FAD] =	sst s0  }
0x9: {  	[smem:$0x3FAE] =	sst s1  }
0xa: {  	[smem:$0x3FAF] =	sst s2  }
0xb: {  	[smem:$0x3FB0] =	sst s3  }
0xc: {  	[smem:$0x3FB1] =	sst s4  }
0xd: {  	[smem:$0x3FB2] =	sst s5  }
0xe: {  	[smem:$0x3FB3] =	sst s6  }
0xf: {  	[smem:$0x3FB4] =	sst s7  }
0x10: {  	[smem:$0x3FB5] =	sst s8  }
0x11: {  	[smem:$0x3FB6] =	sst s9;
	s0 =	simm.s32 @!p0 $0x0  }
0x12: {  	s1 =	sld [smem:$0x3F9C];
	s0 =	simm.s32 @p0 $0x1  }
0x13: {  	[smem:$0x3FB7] =	sst s0;
	s0 =	simm.s32 @!p1 $0x0  }
0x14: {  	s2 =	sld [smem:$0x3F9B];
	s0 =	simm.s32 @p1 $0x1  }
0x15: {  	[smem:$0x3FB8] =	sst s0;
	s0 =	simm.s32 @!p2 $0x0  }
0x16: {  	s3 =	sld [smem:$0x3FDB];
	s0 =	simm.s32 @p2 $0x1  }
0x17: {  	s4 =	simm.s32 $0x1BF5;
	[smem:$0x3FBA] =	sst s0  }
0x18: {  	s0 =	sld [smem:$0x3F9D];
	_ =	swait.ge [sflag:s4], $0x0  }
0x19: {  	s7 =	sld [smem:$0x3F9E]  }
0x1a: {  	s8 =	sadd.s32 $0xFFFFE003, lr  }
0x1b: {  	s9 =	sadd.s32 $0xFFFFFEF7, lr;
	s5 =	simm.s32 $0xFFFFFFFF;
	p2 =	slt.u32 s8, $0xFFFFF086  }
0x1c: {  	p1 =	slt.u32 s9, $0xF7A;
	s5 =	simm.s32 @!p2 $0x0  }
0x1d: {  	s5 =	simm.s32 @p1 $0x1;
	p0 =	seq.s32 s7, s2  }
0x1e: {  	s7 =	smul.u32 @!p0 $0xF7A, s2;
	p2 =	seq.s32 @!p0 s5, $0x0  }
0x1f: {  	s9 =	smul.u32 $0xF7A, s1;
	s8 =	simm.s32 @!p0 $0x1BF5;
	p2 =	por !p2, p0  }
0x20: {  	[sflag:s8] =	ssyncset.s32 @!p0 $0xFFFFF086;
	s6 =	sadd.s32 @!p0 s3, s7;
	s7 =	simm.s32 @!p0 $0x108  }
0x21: {  	s3 =	sadd.s32 s3, s9;
	s6 =	sadd.s32 @!p0 $0x88, s6;
	s7 =	simm.s32 @p2 $0x1082  }
0x22: {  	[simem:s7], [sflag:s8] =	dma.local @!p0 [hbm:s6], $0xF7A  }
0x23: {  	s9 =	sor.u32 $0xD0000000, s2;
	s6 =	simm.s32 $0x108;
	_ =	swait.ge @!p0 [sflag:s8], $0x0  }
0x24: {  	s3 =	sadd.s32 $0x88, s3;
	s6 =	simm.s32 @!p1 $0x1082;
	[sflag:s4] =	ssyncset.s32 $0xFFFFF086  }
0x25: {  	[simem:s6], [sflag:s4] =	dma.local [hbm:s3], $0xF7A  }
0x26: {  	[smem:$0x3F9E] =	sst s1;
	(tag) =	ssettag s2;
	_ =	strace s9  }
0x27: {  	s1 =	sld [smem:$0x3FAE]  }
0x28: {  	s2 =	sld [smem:$0x3FAF]  }
0x29: {  	s4 =	sld [smem:$0x3FB1]  }
0x2a: {  	p0 =	seq.s32 s5, $0x0;
	s5 =	sld [smem:$0x3FB2]  }
0x2b: {  	s6 =	sld [smem:$0x3FB3]  }
0x2c: {  	s7 =	sld [smem:$0x3FB4]  }
0x2d: {  	s3 =	simm.s32 $0x108;
	s8 =	sld [smem:$0x3FB5]  }
0x2e: {  	s3 =	simm.s32 @!p0 $0x1082;
	s9 =	sld [smem:$0x3FB6]  }
0x2f: {  	lr =	sadd.s32 s0, s3;
	s0 =	sld [smem:$0x3FAD]  }
0x30: {  	s3 =	sld [smem:$0x3FB0]  }
0x31: {  	[smem:$0x3FB9] =	sst s10  }
0x32: {  	s10 =	sld [smem:$0x3FB7];
	_ =	sdelay $0x3  }
0x33: {  	p0 =	seq.s32 s10, $0x1;
	s10 =	sld [smem:$0x3FB9];
	_ =	sdelay $0x3  }
0x34: {  	[smem:$0x3FB9] =	sst s10  }
0x35: {  	s10 =	sld [smem:$0x3FB8];
	_ =	sdelay $0x3  }
0x36: {  	p1 =	seq.s32 s10, $0x1;
	s10 =	sld [smem:$0x3FB9];
	_ =	sdelay $0x3  }
0x37: {  	[smem:$0x3FB9] =	sst s10  }
0x38: {  	s10 =	sld [smem:$0x3FBA]  }
0x39: {  	_ = 	snop;
	(pc) =	sbr.ind lr, $3  }
0x3a: {  	_ = 	snop  }
0x3b: {  	_ = 	snop  }
0x3c: {  	p2 =	seq.s32 s10, $0x1;
	s10 =	sld [smem:$0x3FB9]  }
0x3d: {  	_ =	shalt  }
0x3e: {  	_ =	shalt  }
0x3f: {  	_ =	shalt  }
0x40: {  	_ =	shalt  }
0x41: {  	_ =	shalt  }
0x42: {  	_ =	shalt  }
0x43: {  	_ =	shalt  }
0x44: {  	_ =	shalt  }
0x45: {  	_ =	shalt  }
0x46: {  	_ =	shalt  }
0x47: {  	_ =	shalt  }
0x48: {  	_ =	shalt  }
0x49: {  	_ =	shalt  }
0x4a: {  	_ =	shalt  }
0x4b: {  	_ =	shalt  }
0x4c: {  	_ =	shalt  }
0x4d: {  	_ =	shalt  }
0x4e: {  	_ =	shalt  }
0x4f: {  	_ =	shalt  }
0x50: {  	_ =	shalt  }
0x51: {  	_ =	shalt  }
0x52: {  	_ =	shalt  }
0x53: {  	_ =	shalt  }
0x54: {  	_ =	shalt  }
0x55: {  	_ =	shalt  }
0x56: {  	_ =	shalt  }
0x57: {  	_ =	shalt  }
0x58: {  	_ =	shalt  }
0x59: {  	_ =	shalt  }
0x5a: {  	_ =	shalt  }
0x5b: {  	_ =	shalt  }
0x5c: {  	_ =	shalt  }
0x5d: {  	_ =	shalt  }
0x5e: {  	_ =	shalt  }
0x5f: {  	_ =	shalt  }
0x60: {  	_ =	shalt  }
0x61: {  	_ =	shalt  }
0x62: {  	_ =	shalt  }
0x63: {  	_ =	shalt  }
0x64: {  	_ =	shalt  }
0x65: {  	_ =	shalt  }
0x66: {  	_ =	shalt  }
0x67: {  	_ =	shalt  }
0x68: {  	_ =	shalt  }
0x69: {  	_ =	shalt  }
0x6a: {  	_ =	shalt  }
0x6b: {  	_ =	shalt  }
0x6c: {  	_ =	shalt  }
0x6d: {  	_ =	shalt  }
0x6e: {  	_ =	shalt  }
0x6f: {  	_ =	shalt  }
0x70: {  	_ =	shalt  }
0x71: {  	_ =	shalt  }
0x72: {  	_ =	shalt  }
0x73: {  	_ =	shalt  }
0x74: {  	_ =	shalt  }
0x75: {  	_ =	shalt  }
0x76: {  	_ =	shalt  }
0x77: {  	_ =	shalt  }
0x78: {  	_ =	shalt  }
0x79: {  	_ =	shalt  }
0x7a: {  	_ =	shalt  }
0x7b: {  	_ =	shalt  }
0x7c: {  	_ =	shalt  }
0x7d: {  	_ =	shalt  }
0x7e: {  	_ =	shalt  }
0x7f: {  	_ =	shalt  }
0x80: {  	_ =	shalt  }
0x81: {  	_ =	shalt  }
0x82: {  	_ =	shalt  }
0x83: {  	_ =	shalt  }
0x84: {  	_ =	shalt  }
0x85: {  	_ =	shalt  }
0x86: {  	_ =	shalt  }
0x87: {  	_ =	shalt  }
.Lfunc_end0:
.L_simem_size_0:
called_computation_lowered:
.L_overlay_start_0:
0x88: {  	s2 =	sld [smem:$0x3FD9]  }
0x89: {  	s3 =	sld [smem:$0x3FFE];
	_ =	sdelay $0x1  }
0x8a: {  	s1 =	srdreg.scid  }
0x8b: {  	s0 =	sand.u32 $0x1, s1  }
0x8c: {  	s17 =	sshll.u32 s0, $0xA;
	s2 =	sadd.s32 s3, s2  }
0x8d: {  	s2 =	sadd.s32 s2, s17  }
0x8e: {  	[smem:$0x3FC5] =	sst s2  }
0x8f: {  	_ = 	snop  }
0x90: {  	s2 =	sld [smem:$0x3FD0];
	(tm) =	ssettm $0x1  }
0x91: {  	s18 =	sld [smem:$0x3FFB];
	_ =	sdelay $0x3  }
0x92: {  	_ =	strace s18  }
0x93: {  	s3 =	sld [smem:$0x3FFC];
	_ =	sdelay $0x3  }
0x94: {  	_ =	strace s3  }
0x95: {  	s3 =	sld [smem:$0x3FFD];
	_ =	sdelay $0x3  }
0x96: {  	_ =	strace s3  }
0x97: {  	_ =	strace $0x8FFFFFFF  }
0x98: {  	s19 =	sld [smem:$0x3FDB];
	_ =	sdelay $0x1  }
0x99: {  	s4 =	simm.s32 $_scs_section_size  }
0x9a: {  	s5 =	simm.s32 $_size__tile_overlayer_lowered;
	s6 =	simm.s32 $_tile_overlayer_lowered  }
0x9b: {  	s22 =	simm.s32 $0x1BFF;
	s21 =	sshll.u32 s6, $0x1;
	s3 =	sadd.s32 s4, s19  }
0x9c: {  	s7 =	simm.s32 $0x0;
	s20 =	sshll.u32 s5, $0x1;
	s5 =	sadd.s32 s21, s3  }
0x9d: {  	[timem:s7], [sflag:s22] =	dma.local [hbm:s5], s20  }
0x9e: {  	_ =	swait.ge [sflag:s22], s20  }
0x9f: {  	s4 =	ssub.s32 $0x0, s20;
	[sflag:s22] =	ssyncset.done $0x0  }
0xa0: {  	[sflag:s22] =	ssyncadd.s32 s4;
	_ =	sdelay $0x1  }
0xa1: {  	s23 =	simm.s32 $0x1B8B  }
0xa2: {  	_ =	swait.ge [sflag:s23], $0x1  }
0xa3: {  	[sflag:s23] =	ssyncset.done $0x0  }
0xa4: {  	s25 =	simm.s32 $0x1B8E;
	s24 =	sld [smem:$0x3FFE];
	[sflag:s23] =	ssyncadd.s32 $0xFFFFFFFF  }
0xa5: {  	s26 =	simm.s32 $execute0_lowered;
	[smem:$0x3FD2] =	sst s25  }
0xa6: {  	s5 =	sshll.u32 s26, $0x1;
	_ =	strace $0x80000046;
	[dreg:$0x1] =	wrdreg $0xFFFFFFFF  }
0xa7: {  	s28 =	simm.s32 $_size_execute0_lowered;
	s3 =	sadd.s32 s3, s5;
	[dreg:$0x0] =	wrdreg $0x0  }
0xa8: {  	s5 =	sshll.u32 s28, $0x1;
	[dreg:$0x2] =	wrdreg s3  }
0xa9: {  	[dreg:$0x3] =	wrdreg s5  }
0xaa: {  	[dreg:$0x4] =	wrdreg $0xC0  }
0xab: {  	_ =	task [dreg:s7], $0x5FFFF  }
0xac: {  	[dreg:$0x1] =	wrdreg $0xFFFFFFFF  }
0xad: {  	[dreg:$0x0] =	wrdreg $0x60  }
0xae: {  	[dreg:$0x2] =	wrdreg s24  }
0xaf: {  	[dreg:$0x3] =	wrdreg s2  }
0xb0: {  	[dreg:$0x4] =	wrdreg $0x9  }
0xb1: {  	_ =	task.clear_ibuf [dreg:s7], $0x5FFFF;
	_ =	strace $0x90000046  }
0xb2: {  	s29 =	simm.s32 $0x9;
	_ =	strace $0x80000048  }
0xb3: {  	_ =	swait.ge [sflag:s29], $0x1  }
0xb4: {  	[sflag:s29] =	ssyncadd.s32 $0xFFFFFFFF  }
0xb5: {  	_ =	strace $0x90000048  }
0xb6: {  	_ =	sfence  }
0xb7: {  	s30 =	sld [smem:$0x0];
	_ =	sdelay $0x2  }
0xb8: {  	s31 =	sshll.u32 s1, $0xD;
	s1 =	sshrl.u32 s1, $0x2  }
0xb9: {  	s3 =	sand.u32 $0x4000, s31;
	s1 =	sadd.s32 s1, s30  }
0xba: {  	s0 =	sor.u32 s3, s0;
	s1 =	sshll.u32 s1, $0x11  }
0xbb: {  	s0 =	sor.u32 s1, s0  }
0xbc: {  	s0 =	sadd.s32 $0x8F2B, s0  }
0xbd: {  	[sflag:s0] =	ssyncadd.remote.s32 $0x1  }
0xbe: {  	_ =	sfence.sel $0xFFFF  }
0xbf: {  	[dreg:$0x0] =	wrdreg $0xFFFFFFFF;
	(pc) =	sbr.abs _section_cstart, $3  }
0xc0: {  	[dreg:$0x1] =	wrdreg $0xFFFFFFFF  }
0xc1: {  	_ =	task.clear_ibuf [dreg:s7], $0x2FFFF;
	_ =	strace $0x9FFFFFFF  }
0xc2: {  	(tm) =	ssettm $0x7FFFFFFF  }
0xc3: {  	_ =	shalt  }
tec
execute0_lowered:
.L_overlay_start_1:
0x0: {  	(tag) =	ssettag $0x1  }
0x1: {  	v0 =	vimm.s32 $0x187E0;
	v1 =	vlaneseq.u32  }
0x2: {  	vm0 =	vmxor vm0, vm0;
	v3 =	vimm.s32 $0x0;
	s6 =	rddreg [dreg:$0x0];
	v13 =	vimm.s32 $0xFEDCBA9  }
0x3: {  	s1 =	rddreg [dreg:$0x1];
	v14 =	vimm.s32 $0xEDCBA987;
	v17 =	vimm.s32 $0x6543210F;
	vm1 =	vmmov $0x7fff  }
0x4: {  	s3 =	srdreg.scid;
	s0 =	rddreg [dreg:$0x2];
	vm2 =	vmmov $0x1;
	v2 =	vand.u32 $0x3, v1;
	v4 =	vor.u32 $0x10, v1  }
0x5: {  	s2 =	stileid.u32;
	s10 =	simm.s32 $0x2;
	s11 =	simm.s32 $0x80;
	v5 =	vor.u32 $0x20, v1;
	v6 =	vor.u32 $0x30, v1;
	v7 =	vor.u32 $0x40, v1  }
0x6: {  	s12 =	simm.s32 $0xD70;
	s13 =	simm.s32 $0xEC0;
	s14 =	simm.s32 $0x1;
	v8 =	vor.u32 $0x50, v1;
	v9 =	vor.u32 $0x60, v1;
	v10 =	vor.u32 $0x70, v1  }
0x7: {  	s15 =	simm.s32 $0x20;
	s16 =	simm.s32 $0xDF0;
	s17 =	simm.s32 $0x1EC0;
	v11 =	vor.u32 $0x80, v1;
	v15 =	vunpack.c.l.s4.s8 v13;
	v13 =	vimm.s32 $0x87654321  }
0x8: {  	s18 =	simm.s32 $0xE10;
	s19 =	simm.s32 $0x23D0;
	s20 =	simm.s32 $0x0;
	v18 =	vunpack.c.l.s4.s8 v14;
	v17 =	vunpack.c.l.s4.s8 v17;
	v16 =	vunpack.c.l.s4.s8 v13  }
0x9: {  	s5 =	sand.u32 $0x1, s3;
	s3 =	simm.s32 $0x0;
	s4 =	sshll.u32 s2, $0x8;
	v12 =	vor.u32 $0x90, v1;
	v14 =	vor.u32 $0xB0, v1;
	v19 =	vunpack.c.0.s8.s32 v15  }
.Ltmp0:
0xa: {  	s7 =	sshll.u32 s5, $0x7;
	[smem:$0x7FF] =	sst s3;
	v21 =	vunpack.c.0.s8.s32 v18;
	v22 =	vunpack.c.0.s8.s32 v17;
	v20 =	vunpack.c.0.s8.s32 v16;
	(pc) =	sbr.rel .LBB2_1-.Ltmp0, $4  }
0xb: {  	v23 =	vmul.u32 $0xFFFFFFFF, v1;
	s31 =	ssub.s32 $0x2, s5;
	v13 =	vor.u32 $0xA0, v1;
	s5 =	sadd.s32 $0x7A4400, s6;
	s4 =	sor.u32 s7, s4;
	v15 =	vor.u32 $0xC0, v1  }
0xc: {  	_ =	strace $0x80000047;
	s9 =	sshrl.u32 s31, $0x1;
	v17 =	vor.u32 $0xE0, v1;
	s8 =	sshrl.u32 s4, $0x3;
	v22 =	vcombine.low v22, v21;
	v20 =	vcombine.low v20, v19  }
0xd: {  	v18 =	vor.u32 $0xF0, v1;
	s9 =	ssub.s32 s31, s9;
	v16 =	vor.u32 $0xD0, v1;
	s8 =	sadd.s32 s8, s6;
	s6 =	sadd.s32 $0x600, s6;
	v21 =	vimm.s32 $0xF  }
0xe: {  	s7 =	sadd.s32 $0x188600, s8;
	s8 =	smax.u32 s9, $0x1;
	s9 =	simm.s32 $0xC40;
	v19 =	vadd.s32 $0xF, v23;
	v22 =	vand.u32 $0xF, v22;
	v20 =	vand.u32 $0xF, v20  }
.LBB2_15:
0xf: {  	s20 =	sadd.s32 $0x1, s20  }
0x10: {  	p0 =	sne.s32 s20, s8  }
.Ltmp1:
0x11: {  	_ = 	snop;
	(pc) =	sbr.rel @!p0 .LBB2_16-.Ltmp1, $1  }
0x12: {  	_ =	sdelay $0x3  }
.LBB2_1:
.Ltmp2:
0x13: {  	(pc) =	sbr.rel .LBB2_2-.Ltmp2, $4  }
0x14: {  	[tilespmem:s9], [sflag:$0x2] =	stream.linear.gather [hbm4b:s7+s3], $0x80, $0x38;
	[tilespmem:$0x2450] =	vst v63  }
0x15: {  	_ =	swait.ge [sflag:s10], $0x80  }
0x16: {  	[sflag:s10] =	ssyncset.done $0x0  }
0x17: {  	s21 =	simm.s32 $0x0;
	[sflag:s10] =	ssyncadd.s32 $0xFFFFFF80  }
.LBB2_9:
0x18: {  	s23 =	simm.s32 $0x0  }
.LBB2_14:
0x19: {  	v23 =	vld [tilespmem:$0x22C0]  }
0x1a: {  	v25 =	vld [tilespmem:$0x22D0]  }
0x1b: {  	v27 =	vld [tilespmem:$0x22E0]  }
0x1c: {  	v29 =	vld [tilespmem:$0x22F0]  }
0x1d: {  	v32 =	vld [tilespmem:$0x2300]  }
0x1e: {  	v34 =	vld [tilespmem:$0x2310]  }
0x1f: {  	v37 =	vld [tilespmem:$0x2320]  }
0x20: {  	v40 =	vld [tilespmem:$0x2330]  }
0x21: {  	v43 =	vld [tilespmem:$0x2340]  }
0x22: {  	v24 =	vmov s23;
	v47 =	vld [tilespmem:$0x2350]  }
0x23: {  	v51 =	vld [tilespmem:$0x2360];
	vm8 =	vgt.s32 v24, v1  }
0x24: {  	v52 =	vld [tilespmem:$0x2370];
	vm12 =	vgt.s32 v24, v4;
	v23 =	vnsel vm8, $0x0, v23  }
0x25: {  	v57 =	vld [tilespmem:$0x2380];
	vm9 =	vgt.s32 v24, v5;
	v25 =	vnsel vm12, $0x0, v25  }
0x26: {  	v53 =	vld [tilespmem:$0x2390];
	vm11 =	vgt.s32 v24, v6;
	v27 =	vnsel vm9, $0x0, v27  }
0x27: {  	v55 =	vld [tilespmem:$0x23A0];
	vm10 =	vgt.s32 v24, v7;
	v29 =	vnsel vm11, $0x0, v29  }
0x28: {  	v60 =	vld [tilespmem:$0x23B0];
	vm7 =	vgt.s32 v24, v8;
	v32 =	vnsel vm10, $0x0, v32  }
0x29: {  	v34 =	vnsel vm7, $0x0, v34;
	v30 =	vld.idx.msk [tilespmem:v23+s13+$0x0], $0xffff  }
0x2a: {  	v26 =	vshra.s32 v23, $0x5;
	v33 =	vld.idx.msk [tilespmem:v25+s13+$0x0], $0xffff  }
0x2b: {  	v28 =	vshra.s32 v25, $0x5;
	v35 =	vld.idx.msk [tilespmem:v27+s13+$0x0], $0xffff  }
0x2c: {  	v31 =	vshra.s32 v27, $0x5;
	v38 =	vld.idx.msk [tilespmem:v29+s13+$0x0], $0xffff  }
0x2d: {  	v36 =	vshra.s32 v29, $0x5;
	v42 =	vld.idx.msk [tilespmem:v32+s13+$0x0], $0xffff  }
0x2e: {  	vm6 =	vgt.s32 v24, v9;
	vm4 =	vgt.s32 v24, v10;
	v39 =	vshra.s32 v32, $0x5;
	v45 =	vld.idx.msk [tilespmem:v34+s13+$0x0], $0xffff  }
0x2f: {  	vm3 =	vgt.s32 v24, v11;
	vm5 =	vgt.s32 v24, v12;
	v37 =	vnsel vm6, $0x0, v37;
	v26 =	vld.idx.msk [tilespmem:v26+s18+$0x0], $0xffff  }
0x30: {  	vm13 =	vgt.s32 v24, v16;
	vm14 =	vgt.s32 v24, v17;
	v40 =	vnsel vm4, $0x0, v40;
	v28 =	vld.idx.msk [tilespmem:v28+s18+$0x0], $0xffff  }
0x31: {  	vm15 =	vgt.s32 v24, v18;
	v43 =	vnsel vm3, $0x0, v43;
	v46 =	vshra.s32 v40, $0x5;
	v31 =	vld.idx.msk [tilespmem:v31+s18+$0x0], $0xffff  }
0x32: {  	v41 =	vshra.s32 v34, $0x5;
	v44 =	vshra.s32 v37, $0x5;
	v50 =	vshra.s32 v43, $0x5;
	v36 =	vld.idx.msk [tilespmem:v36+s18+$0x0], $0xffff  }
0x33: {  	v63 =	vand.u32 $0x1F, v40;
	v23 =	vand.u32 $0x1F, v23;
	v25 =	vand.u32 $0x1F, v25;
	v39 =	vld.idx.msk [tilespmem:v39+s18+$0x0], $0xffff  }
0x34: {  	v48 =	vld.idx.msk [tilespmem:v37+s13+$0x0], $0xffff;
	v27 =	vand.u32 $0x1F, v27;
	v29 =	vand.u32 $0x1F, v29;
	v32 =	vand.u32 $0x1F, v32  }
0x35: {  	v49 =	vld.idx.msk [tilespmem:v40+s13+$0x0], $0xffff;
	v34 =	vand.u32 $0x1F, v34;
	v30 =	vnsel vm8, $0xFF800000, v30;
	v35 =	vnsel vm9, $0xFF800000, v35  }
0x36: {  	v23 =	vadd.s32 v23, v26;
	v25 =	vadd.s32 v25, v28;
	v26 =	vld.idx.msk [tilespmem:v46+s18+$0x0], $0xffff;
	v28 =	vnsel vm5, $0x0, v47  }
0x37: {  	v27 =	vadd.s32 v27, v31;
	v31 =	vld.idx.msk [tilespmem:v50+s18+$0x0], $0xffff;
	v29 =	vadd.s32 v29, v36;
	v50 =	vnsel vm14, $0x0, v55  }
0x38: {  	v41 =	vld.idx.msk [tilespmem:v41+s18+$0x0], $0xffff;
	v32 =	vadd.s32 v32, v39;
	v39 =	vnsel vm13, $0x0, v53;
	v47 =	vshra.s32 v28, $0x5  }
0x39: {  	v44 =	vld.idx.msk [tilespmem:v44+s18+$0x0], $0xffff;
	v23 =	vnsel vm8, $0x0, v23;
	vm8 =	vgt.s32 v24, v13;
	v62 =	vshra.s32 v39, $0x5  }
0x3a: {  	v46 =	vld.idx.msk [tilespmem:v43+s13+$0x0], $0xffff;
	v27 =	vnsel vm9, $0x0, v27;
	vm9 =	vgt.s32 v24, v14;
	v36 =	vnsel vm8, $0x0, v51  }
0x3b: {  	v37 =	vand.u32 $0x1F, v37;
	v33 =	vnsel vm12, $0xFF800000, v33;
	v52 =	vnsel vm9, $0x0, v52;
	v51 =	vld.idx.msk [tilespmem:v28+s13+$0x0], $0xffff  }
0x3c: {  	v25 =	vnsel vm12, $0x0, v25;
	(xrf1) =	vsort.dscd.msk.f32 $0xffff, v30, v23;
	v58 =	vshra.s32 v36, $0x5;
	v56 =	vadd.s32 v63, v26;
	v63 =	vld.idx.msk [tilespmem:v50+s13+$0x0], $0xffff  }
0x3d: {  	v38 =	vnsel vm11, $0xFF800000, v38;
	vm12 =	vgt.s32 v24, v15;
	v54 =	vshra.s32 v52, $0x5;
	(xrf1) =	vsort.dscd.msk.f32 $0xffff, v33, v25;
	v47 =	vld.idx.msk [tilespmem:v47+s18+$0x0], $0xffff  }
0x3e: {  	v42 =	vnsel vm10, $0xFF800000, v42;
	v34 =	vadd.s32 v34, v41;
	v30 =	vnsel vm12, $0x0, v57;
	(xrf1) =	vsort.dscd.msk.f32 $0xffff, v35, v27;
	v27 =	vld.idx.msk [tilespmem:v62+s18+$0x0], $0xffff  }
0x3f: {  	v41 =	vnsel vm7, $0xFF800000, v45;
	v29 =	vnsel vm11, $0x0, v29;
	v59 =	vshra.s32 v30, $0x5;
	v23 =	vld.idx.msk [tilespmem:v36+s13+$0x0], $0xffff  }
0x40: {  	v61 =	vadd.s32 v37, v44;
	v44 =	vnsel vm6, $0xFF800000, v48;
	v53 =	vnsel vm4, $0xFF800000, v49;
	(xrf1) =	vsort.dscd.msk.f32 $0xffff, v38, v29;
	v48 =	vld.idx.msk [tilespmem:v52+s13+$0x0], $0xffff  }
0x41: {  	v32 =	vnsel vm10, $0x0, v32;
	v55 =	vshra.s32 v50, $0x5;
	v25 =	vnsel vm15, $0x0, v60;
	v37 =	vld.idx.msk [tilespmem:v58+s18+$0x0], $0xffff  }
0x42: {  	v57 =	vand.u32 $0x1F, v43;
	v33 =	vnsel vm7, $0x0, v34;
	v34 =	vnsel vm6, $0x0, v61;
	(xrf1) =	vsort.dscd.msk.f32 $0xffff, v42, v32;
	v40 =	vld.idx.msk [tilespmem:v54+s18+$0x0], $0xffff  }
0x43: {  	v60 =	vshra.s32 v25, $0x5;
	v26 =	vadd.s32 v57, v31;
	v61 =	vnsel vm3, $0xFF800000, v46;
	(xrf1) =	vsort.dscd.msk.f32 $0xffff, v41, v33;
	v54 =	vld.idx.msk [tilespmem:v30+s13+$0x0], $0xffff  }
0x44: {  	v28 =	vand.u32 $0x1F, v28;
	v24 =	vnsel vm4, $0x0, v56;
	v26 =	vnsel vm3, $0x0, v26;
	v58 =	vld.idx.msk [tilespmem:v59+s18+$0x0], $0xffff;
	(xrf1) =	vsort.dscd.msk.f32 $0xffff, v44, v34  }
0x45: {  	v36 =	vand.u32 $0x1F, v36;
	v59 =	vld.idx.msk [tilespmem:v39+s13+$0x0], $0xffff;
	v44 =	vand.u32 $0x1F, v52;
	v30 =	vand.u32 $0x1F, v30;
	(xrf1) =	vsort.dscd.msk.f32 $0xffff, v53, v24  }
0x46: {  	v49 =	vld.idx.msk [tilespmem:v25+s13+$0x0], $0xffff;
	v25 =	vand.u32 $0x1F, v25;
	v53 =	vand.u32 $0x1F, v39;
	v28 =	vadd.s32 v28, v47  }
0x47: {  	v45 =	vld.idx.msk [tilespmem:v55+s18+$0x0], $0xffff;
	v62 =	vnsel vm5, $0xFF800000, v51;
	v27 =	vadd.s32 v53, v27;
	v28 =	vnsel vm5, $0x0, v28  }
0x48: {  	v32 =	vld.idx.msk [tilespmem:v60+s18+$0x0], $0xffff;
	(xrf1) =	vsort.dscd.msk.f32 $0xffff, v61, v26;
	v23 =	vnsel vm8, $0xFF800000, v23;
	v51 =	vnsel vm9, $0xFF800000, v48;
	v43 =	vadd.s32 v36, v37  }
0x49: {  	v47 =	vadd.s32 v44, v40;
	v52 =	vnsel vm12, $0xFF800000, v54;
	(xrf1) =	vsort.dscd.msk.f32 $0xffff, v62, v28;
	v46 =	vnsel vm8, $0x0, v43  }
0x4a: {  	v30 =	vadd.s32 v30, v58;
	v55 =	vnsel vm13, $0xFF800000, v59;
	v29 =	vnsel vm9, $0x0, v47;
	v56, v57, _ =	vpop (xrf1);
	(xrf1) =	vsort.dscd.msk.f32 $0xffff, v23, v46  }
0x4b: {  	v58 =	vand.u32 $0x1F, v50;
	v59 =	vnsel vm14, $0xFF800000, v63;
	v54 =	vnsel vm12, $0x0, v30;
	v61, v60, _ =	vpop (xrf1);
	(xrf1) =	vsort.dscd.msk.f32 $0xffff, v51, v29  }
0x4c: {  	v24 =	vadd.s32 v58, v45;
	v23 =	vnsel vm13, $0x0, v27;
	(xrf1) =	vsort.dscd.msk.f32 $0xffff, v52, v54;
	v62 =	vperm.xlane v61, v19  }
0x4d: {  	v63 =	vnsel vm15, $0xFF800000, v49;
	v25 =	vadd.s32 v25, v32;
	v24 =	vnsel vm14, $0x0, v24;
	v36, v37, _ =	vpop (xrf1);
	(xrf1) =	vsort.dscd.msk.f32 $0xffff, v55, v23  }
0x4e: {  	v41 =	vperm.xlane v60, v19;
	v23 =	vnsel vm15, $0x0, v25;
	v40, v39, _ =	vpop (xrf1);
	(xrf1) =	vsort.dscd.msk.f32 $0xffff, v59, v24;
	vm3 =	vge.f32 v56, v62  }
0x4f: {  	v25 =	vperm.xlane v40, v19;
	(xrf1) =	vsort.dscd.msk.f32 $0xffff, v63, v23;
	v23 =	vsel vm3, v56, v62  }
0x50: {  	v42, v43, _ =	vpop (xrf1);
	v44 =	vsel vm3, v57, v41;
	v26 =	vsel vm3, v62, v56;
	v24 =	vsel vm3, v41, v57  }
0x51: {  	v45, v46, _ =	vpop (xrf1);
	(xrf1) =	vsort.dscd.msk.f32 $0xffff, v23, v44;
	v23 =	vperm.xlane v39, v19;
	vm3 =	vge.f32 v36, v25  }
0x52: {  	v48 =	vperm.xlane v45, v19;
	v49, v50, _ =	vpop (xrf1);
	v54 =	vperm.xlane v46, v19;
	(xrf1) =	vsort.dscd.msk.f32 $0xffff, v26, v24  }
0x53: {  	v47 =	vsel vm3, v36, v25;
	v25 =	vsel vm3, v25, v36;
	v52, v53, _ =	vpop (xrf1);
	v51 =	vsel vm3, v37, v23  }
0x54: {  	v23 =	vsel vm3, v23, v37;
	vm3 =	vge.f32 v42, v48;
	v55 =	vperm.xlane v52, v19  }
0x55: {  	(xrf1) =	vsort.dscd.msk.f32 $0xffff, v47, v51;
	v58 =	vsel vm3, v43, v54;
	v26 =	vsel vm3, v48, v42  }
0x56: {  	v57, v56, _ =	vpop (xrf1);
	v24 =	vsel vm3, v54, v43;
	(xrf1) =	vsort.dscd.msk.f32 $0xffff, v25, v23;
	v23 =	vsel vm3, v42, v48  }
0x57: {  	vm3 =	vge.f32 v49, v55;
	v59, v60, _ =	vpop (xrf1);
	(xrf1) =	vsort.dscd.msk.f32 $0xffff, v23, v58;
	v23 =	vperm.xlane v53, v19  }
0x58: {  	v61 =	vsel vm3, v49, v55;
	v25 =	vsel vm3, v55, v49;
	v62 =	vperm.xlane v59, v19  }
0x59: {  	(xrf1) =	vsort.dscd.msk.f32 $0xffff, v26, v24;
	v40 =	vperm.xlane v60, v19;
	v37 =	vsel vm3, v50, v23  }
0x5a: {  	v23 =	vsel vm3, v23, v50;
	v36, v63, _ =	vpop (xrf1);
	(xrf1) =	vsort.dscd.msk.f32 $0xffff, v61, v37;
	vm3 =	vge.f32 v57, v62  }
0x5b: {  	v38, v39, _ =	vpop (xrf1);
	(xrf1) =	vsort.dscd.msk.f32 $0xffff, v25, v23;
	v23 =	vsel vm3, v57, v62  }
0x5c: {  	v44 =	vsel vm3, v56, v40;
	v26 =	vsel vm3, v62, v57;
	v41 =	vperm.xlane v38, v19;
	v42, v43, _ =	vpop (xrf1)  }
0x5d: {  	v24 =	vsel vm3, v40, v56;
	(xrf1) =	vsort.dscd.msk.f32 $0xffff, v23, v44;
	v23 =	vperm.xlane v39, v19;
	v45, v46, _ =	vpop (xrf1)  }
0x5e: {  	(xrf1) =	vsort.dscd.msk.f32 $0xffff, v26, v24;
	vm3 =	vge.f32 v36, v41;
	v48 =	vperm.xlane v45, v19  }
0x5f: {  	v50, v49, _ =	vpop (xrf1);
	v54 =	vperm.xlane v46, v19;
	v47 =	vsel vm3, v36, v41;
	v51 =	vsel vm3, v63, v23  }
0x60: {  	v25 =	vsel vm3, v41, v36;
	v23 =	vsel vm3, v23, v63;
	v52, v53, _ =	vpop (xrf1);
	(xrf1) =	vsort.dscd.msk.f32 $0xffff, v47, v51  }
0x61: {  	vm3 =	vge.f32 v42, v48;
	v57 =	vperm.xlane v52, v19;
	v61 =	vperm.xlane v53, v19  }
0x62: {  	v56, v55, _ =	vpop (xrf1);
	(xrf1) =	vsort.dscd.msk.f32 $0xffff, v25, v23;
	v23 =	vsel vm3, v42, v48;
	v60 =	vsel vm3, v43, v54  }
0x63: {  	v59, v58, _ =	vpop (xrf1);
	v26 =	vsel vm3, v48, v42;
	v24 =	vsel vm3, v54, v43;
	(xrf1) =	vsort.dscd.msk.f32 $0xffff, v23, v60  }
0x64: {  	vm3 =	vge.f32 v50, v57;
	v63, v62, _ =	vpop (xrf1);
	(xrf1) =	vsort.dscd.msk.f32 $0xffff, v26, v24  }
0x65: {  	v38 =	vsel vm3, v50, v57;
	v39 =	vsel vm3, v49, v61;
	v25 =	vsel vm3, v57, v50;
	v23, v36, _ =	vpop (xrf1)  }
0x66: {  	v28 =	vsel vm3, v61, v49;
	v40 =	vperm.xlane v63, v19;
	v23 =	vperm.xlane v23, v19  }
0x67: {  	(xrf1) =	vsort.dscd.msk.f32 $0xffff, v38, v39;
	v42 =	vperm.xlane v62, v19;
	v41 =	vperm.xlane v36, v19  }
0x68: {  	(xrf1) =	vsort.dscd.msk.f32 $0xffff, v25, v28;
	vm10 =	vge.f32 v59, v40;
	vm3 =	vge.f32 v56, v23  }
0x69: {  	v46, v47, _ =	vpop (xrf1);
	v45 =	vsel vm10, v59, v40;
	v48 =	vsel vm10, v58, v42;
	v24 =	vsel vm10, v40, v59  }
0x6a: {  	v50, v49, _ =	vpop (xrf1);
	v25 =	vsel vm10, v42, v58;
	v43 =	vsel vm3, v56, v23;
	v44 =	vsel vm3, v55, v41  }
0x6b: {  	v23 =	vsel vm3, v23, v56;
	v26 =	vsel vm3, v41, v55;
	v54, v53, _ =	vpop (xrf1);
	vm3 =	vge.f32 v43, v45  }
0x6c: {  	v60 =	vperm.xlane v54, v19;
	v51 =	vsel vm3, v43, v45;
	v52 =	vsel vm3, v44, v48  }
0x6d: {  	v55, v56, _ =	vpop (xrf1);
	v28 =	vsel vm3, v45, v43;
	v29 =	vsel vm3, v48, v44;
	vm3 =	vge.f32 v23, v24  }
0x6e: {  	v61 =	vperm.xlane v53, v19;
	v59 =	vperm.xlane v55, v19;
	v57 =	vsel vm3, v23, v24  }
0x6f: {  	v58 =	vsel vm3, v26, v25;
	(xrf1) =	vsort.dscd.msk.f32 $0xffff, v51, v52;
	v23 =	vsel vm3, v24, v23  }
0x70: {  	v25 =	vsel vm3, v25, v26;
	vm11 =	vge.f32 v50, v60;
	(xrf1) =	vsort.dscd.msk.f32 $0xffff, v28, v29  }
0x71: {  	vm3 =	vge.f32 v46, v59;
	v42 =	vsel vm11, v50, v60;
	v45 =	vsel vm11, v49, v61  }
0x72: {  	v26 =	vsel vm11, v60, v50;
	(xrf1) =	vsort.dscd.msk.f32 $0xffff, v57, v58;
	v24 =	vsel vm3, v59, v46  }
0x73: {  	(xrf1) =	vsort.dscd.msk.f32 $0xffff, v23, v25;
	v23 =	vperm.xlane v56, v19;
	vm12 =	vge.f32 v24, v26  }
0x74: {  	v44, v43, _ =	vpop (xrf1);
	v62 =	vsel vm3, v46, v59;
	v25 =	vsel vm11, v61, v49;
	v52 =	vsel vm12, v24, v26  }
0x75: {  	v35, v36, _ =	vpop (xrf1);
	v63 =	vsel vm3, v47, v23;
	v23 =	vsel vm3, v23, v47;
	vm3 =	vge.f32 v62, v42  }
0x76: {  	v24 =	vsel vm12, v26, v24;
	v48, v47, _ =	vpop (xrf1);
	v46 =	vsel vm3, v62, v42;
	v49 =	vsel vm3, v63, v45  }
0x77: {  	v28 =	vsel vm3, v42, v62;
	v51, v50, _ =	vpop (xrf1);
	v29 =	vsel vm3, v45, v63;
	v53 =	vsel vm12, v23, v25  }
0x78: {  	v55 =	vperm.xlane v48, v19;
	(xrf1) =	vsort.dscd.msk.f32 $0xffff, v46, v49;
	v54 =	vperm.xlane v51, v19  }
0x79: {  	v23 =	vsel vm12, v25, v23;
	v56 =	vperm.xlane v50, v19;
	(xrf1) =	vsort.dscd.msk.f32 $0xffff, v28, v29  }
0x7a: {  	vm13 =	vge.f32 v35, v55;
	(xrf1) =	vsort.dscd.msk.f32 $0xffff, v52, v53;
	vm3 =	vge.f32 v44, v54  }
0x7b: {  	v59 =	vsel vm13, v35, v55;
	v25 =	vsel vm13, v55, v35;
	(xrf1) =	vsort.dscd.msk.f32 $0xffff, v24, v23  }
0x7c: {  	v23 =	vperm.xlane v47, v19;
	v57 =	vsel vm3, v44, v54;
	v58 =	vsel vm3, v43, v56  }
0x7d: {  	v62, v61, _ =	vpop (xrf1);
	v28 =	vsel vm3, v54, v44;
	v26 =	vsel vm3, v56, v43;
	vm3 =	vge.f32 v57, v59  }
0x7e: {  	v44, v63, _ =	vpop (xrf1);
	vm14 =	vge.f32 v28, v25;
	v60 =	vsel vm13, v36, v23;
	v23 =	vsel vm13, v23, v36  }
0x7f: {  	v48, v47, _ =	vpop (xrf1);
	v45 =	vsel vm3, v57, v59;
	v24 =	vsel vm3, v59, v57;
	v49 =	vsel vm14, v28, v25  }
0x80: {  	v51, v50, _ =	vpop (xrf1);
	v25 =	vsel vm14, v25, v28;
	v54 =	vperm.xlane v48, v19;
	v46 =	vsel vm3, v58, v60  }
0x81: {  	v27 =	vsel vm3, v60, v58;
	v52 =	vsel vm14, v26, v23;
	v53 =	vperm.xlane v51, v19  }
0x82: {  	v23 =	vsel vm14, v23, v26;
	v55 =	vperm.xlane v50, v19;
	(xrf1) =	vsort.dscd.msk.f32 $0xffff, v45, v46  }
0x83: {  	vm15 =	vge.f32 v44, v54;
	(xrf1) =	vsort.dscd.msk.f32 $0xffff, v24, v27;
	vm3 =	vge.f32 v62, v53  }
0x84: {  	v58 =	vsel vm15, v44, v54;
	(xrf1) =	vsort.dscd.msk.f32 $0xffff, v49, v52;
	v56 =	vsel vm3, v62, v53  }
0x85: {  	v57 =	vsel vm3, v61, v55;
	v24 =	vsel vm3, v53, v62;
	v27 =	vsel vm3, v55, v61  }
0x86: {  	v28, v29, _ =	vpop (xrf1);
	(xrf1) =	vsort.dscd.msk.f32 $0xffff, v25, v23;
	v23 =	vperm.xlane v47, v19;
	vm3 =	vge.f32 v56, v58  }
0x87: {  	v26 =	vsel vm15, v54, v44;
	v25, v30, _ =	vpop (xrf1);
	v62 =	vsel vm3, v56, v58  }
0x88: {  	v37, v38, _ =	vpop (xrf1);
	v31 =	vsel vm3, v58, v56;
	v59 =	vsel vm15, v63, v23;
	v23 =	vsel vm15, v23, v63  }
0x89: {  	v32, v39, _ =	vpop (xrf1);
	v63 =	vsel vm3, v57, v59;
	v50 =	vsel vm3, v59, v57;
	vm3 =	vge.f32 v24, v26  }
0x8a: {  	v61, v60, _ =	vpop (xrf1);
	v51 =	vsel vm3, v24, v26;
	v52 =	vsel vm3, v27, v23  }
0x8b: {  	(xrf1) =	vsort.dscd.msk.f32 $0xffff, v62, v63;
	v24 =	vsel vm3, v26, v24;
	v23 =	vsel vm3, v23, v27;
	v48, v49, _ =	vpop (xrf1)  }
0x8c: {  	(xrf1) =	vsort.dscd.msk.f32 $0xffff, v31, v50;
	v55 =	vperm.xlane v61, v19;
	v59 =	vperm.xlane v60, v19;
	v36, v40, _ =	vpop (xrf1)  }
0x8d: {  	(xrf1) =	vsort.dscd.msk.f32 $0xffff, v51, v52;
	v58 =	vperm.xlane v49, v19;
	v54 =	vperm.xlane v36, v19  }
0x8e: {  	v34, v42, _ =	vpop (xrf1);
	(xrf1) =	vsort.dscd.msk.f32 $0xffff, v24, v23;
	v23 =	vperm.xlane v48, v19;
	v57 =	vperm.xlane v40, v19  }
0x8f: {  	vm9 =	vge.f32 v32, v55;
	v53 =	vperm.xlane v34, v19;
	v56 =	vperm.xlane v42, v19  }
0x90: {  	v48 =	vsel vm9, v32, v55;
	v49 =	vsel vm9, v39, v59;
	v24 =	vsel vm9, v55, v32  }
0x91: {  	v50 =	vsel vm9, v59, v39;
	vm8 =	vge.f32 v25, v54;
	vm3 =	vge.f32 v28, v53  }
0x92: {  	v63 =	vsel vm8, v25, v54;
	v44 =	vsel vm8, v30, v57;
	v25 =	vsel vm8, v54, v25  }
0x93: {  	v45 =	vsel vm8, v57, v30;
	v60 =	vsel vm3, v28, v53;
	v61 =	vsel vm3, v29, v56  }
0x94: {  	v26 =	vsel vm3, v53, v28;
	v62 =	vsel vm3, v56, v29;
	vm3 =	vge.f32 v37, v23  }
0x95: {  	v46 =	vsel vm3, v37, v23;
	v47 =	vsel vm3, v38, v58;
	v23 =	vsel vm3, v23, v37  }
0x96: {  	v34 =	vsel vm3, v58, v38;
	vm3 =	vge.f32 v60, v46;
	vm10 =	vge.f32 v26, v23  }
0x97: {  	v51 =	vsel vm3, v60, v46;
	v52 =	vsel vm3, v61, v47;
	v30 =	vsel vm3, v46, v60  }
0x98: {  	v33 =	vsel vm3, v47, v61;
	vm3 =	vge.f32 v63, v48;
	v55 =	vsel vm10, v26, v23  }
0x99: {  	v56 =	vsel vm10, v62, v34;
	v53 =	vsel vm3, v63, v48;
	v54 =	vsel vm3, v44, v49  }
0x9a: {  	v29 =	vsel vm3, v48, v63;
	v31 =	vsel vm3, v49, v44;
	vm3 =	vge.f32 v25, v24  }
0x9b: {  	v23 =	vsel vm10, v23, v26;
	v57 =	vsel vm3, v25, v24;
	v58 =	vsel vm3, v45, v50  }
0x9c: {  	v24 =	vsel vm3, v24, v25;
	v59 =	vsel vm3, v50, v45;
	vm3 =	vge.f32 v51, v53  }
0x9d: {  	v26 =	vsel vm10, v34, v62;
	vm11 =	vge.f32 v30, v29;
	v60 =	vsel vm3, v51, v53  }
0x9e: {  	v61 =	vsel vm3, v52, v54;
	v35 =	vsel vm3, v53, v51;
	v62 =	vsel vm3, v54, v52  }
0x9f: {  	v27, v32, _ =	vpop (xrf1);
	v63 =	vsel vm11, v30, v29;
	v52 =	vsel vm11, v33, v31;
	vm3 =	vge.f32 v55, v57  }
0xa0: {  	v43, v44, _ =	vpop (xrf1);
	v29 =	vsel vm11, v29, v30;
	v31 =	vsel vm11, v31, v33;
	v53 =	vsel vm3, v55, v57  }
0xa1: {  	v40, v45, _ =	vpop (xrf1);
	(xrf1) =	vsort.dscd.msk.f32 $0xffff, v60, v61;
	v54 =	vsel vm3, v56, v58;
	v28 =	vsel vm3, v57, v55  }
0xa2: {  	v30, v47, _ =	vpop (xrf1);
	v34 =	vsel vm3, v58, v56;
	vm3 =	vge.f32 v23, v24;
	(xrf1) =	vsort.dscd.msk.f32 $0xffff, v35, v62  }
0xa3: {  	v41, v42, _ =	vpop (xrf1);
	v57 =	vsel vm3, v23, v24;
	v58 =	vsel vm3, v26, v59;
	(xrf1) =	vsort.dscd.msk.f32 $0xffff, v63, v52  }
0xa4: {  	v23 =	vsel vm3, v24, v23;
	v59 =	vsel vm3, v59, v26;
	v35, v36, _ =	vpop (xrf1);
	(xrf1) =	vsort.dscd.msk.f32 $0xffff, v29, v31  }
0xa5: {  	v49 =	vperm.xlane v42, v19;
	v63 =	vperm.xlane v41, v19;
	v55, v56, _ =	vpop (xrf1);
	(xrf1) =	vsort.dscd.msk.f32 $0xffff, v53, v54  }
0xa6: {  	v62 =	vperm.xlane v35, v19;
	v29, v31, _ =	vpop (xrf1);
	v61 =	vperm.xlane v55, v19;
	(xrf1) =	vsort.dscd.msk.f32 $0xffff, v28, v34  }
0xa7: {  	v48 =	vperm.xlane v36, v19;
	v60 =	vperm.xlane v29, v19;
	(xrf1) =	vsort.dscd.msk.f32 $0xffff, v57, v58  }
0xa8: {  	v46 =	vperm.xlane v56, v19;
	vm12 =	vge.f32 v43, v61;
	(xrf1) =	vsort.dscd.msk.f32 $0xffff, v23, v59  }
0xa9: {  	v23 =	vperm.xlane v31, v19;
	vm3 =	vge.f32 v27, v60;
	v52 =	vsel vm12, v43, v61  }
0xaa: {  	v53 =	vsel vm12, v44, v46;
	v50 =	vsel vm3, v27, v60;
	v25 =	vsel vm3, v60, v27  }
0xab: {  	v51 =	vsel vm3, v32, v23;
	v23 =	vsel vm3, v23, v32;
	vm3 =	vge.f32 v40, v62  }
0xac: {  	v26 =	vsel vm12, v61, v43;
	v54 =	vsel vm3, v40, v62;
	v55 =	vsel vm3, v45, v48  }
0xad: {  	v28 =	vsel vm3, v62, v40;
	v31 =	vsel vm3, v48, v45;
	vm3 =	vge.f32 v30, v63  }
0xae: {  	v24 =	vsel vm12, v46, v44;
	v56 =	vsel vm3, v30, v63;
	v57 =	vsel vm3, v47, v49  }
0xaf: {  	vm13 =	vge.f32 v50, v54;
	v29 =	vsel vm3, v63, v30;
	v58 =	vsel vm3, v49, v47  }
0xb0: {  	v59 =	vsel vm13, v50, v54;
	v60 =	vsel vm13, v51, v55;
	v34 =	vsel vm13, v54, v50  }
0xb1: {  	vm3 =	vge.f32 v52, v56;
	v35 =	vsel vm13, v55, v51;
	vm14 =	vge.f32 v26, v29  }
0xb2: {  	v61 =	vsel vm3, v52, v56;
	v62 =	vsel vm3, v53, v57;
	v27 =	vsel vm3, v56, v52  }
0xb3: {  	v32 =	vsel vm3, v57, v53;
	vm3 =	vge.f32 v25, v28;
	v45 =	vsel vm14, v26, v29  }
0xb4: {  	v46 =	vsel vm14, v24, v58;
	v63 =	vsel vm3, v25, v28;
	v44 =	vsel vm3, v23, v31  }
0xb5: {  	v25 =	vsel vm3, v28, v25;
	v23 =	vsel vm3, v31, v23;
	vm3 =	vge.f32 v59, v61  }
0xb6: {  	v26 =	vsel vm14, v29, v26;
	v47 =	vsel vm3, v59, v61;
	v48 =	vsel vm3, v60, v62  }
0xb7: {  	v33 =	vsel vm3, v61, v59;
	v49 =	vsel vm3, v62, v60;
	vm3 =	vge.f32 v34, v27  }
0xb8: {  	v24 =	vsel vm14, v58, v24;
	vm15 =	vge.f32 v63, v45;
	v50 =	vsel vm3, v34, v27  }
0xb9: {  	v51 =	vsel vm3, v35, v32;
	(xrf1) =	vsort.dscd.msk.f32 $0xffff, v47, v48;
	v27 =	vsel vm3, v27, v34  }
0xba: {  	v52 =	vsel vm3, v32, v35;
	v53 =	vsel vm15, v63, v45;
	(xrf1) =	vsort.dscd.msk.f32 $0xffff, v33, v49  }
0xbb: {  	v54 =	vsel vm15, v44, v46;
	v28 =	vsel vm15, v45, v63;
	(xrf1) =	vsort.dscd.msk.f32 $0xffff, v50, v51  }
0xbc: {  	v55 =	vsel vm15, v46, v44;
	vm3 =	vge.f32 v25, v26;
	(xrf1) =	vsort.dscd.msk.f32 $0xffff, v27, v52  }
0xbd: {  	v56 =	vsel vm3, v25, v26;
	v25 =	vsel vm3, v26, v25;
	(xrf1) =	vsort.dscd.msk.f32 $0xffff, v53, v54  }
0xbe: {  	v57 =	vsel vm3, v23, v24;
	v23 =	vsel vm3, v24, v23;
	(xrf1) =	vsort.dscd.msk.f32 $0xffff, v28, v55  }
0xbf: {  	v27, v28, _ =	vpop (xrf1);
	(xrf1) =	vsort.dscd.msk.f32 $0xffff, v56, v57  }
0xc0: {  	v24, v26, _ =	vpop (xrf1);
	(xrf1) =	vsort.dscd.msk.f32 $0xffff, v25, v23  }
0xc1: {  	v23, v25, _ =	vpop (xrf1)  }
0xc2: {  	v29, v30, _ =	vpop (xrf1)  }
0xc3: {  	v31, v32, _ =	vpop (xrf1)  }
0xc4: {  	v33, v34, _ =	vpop (xrf1)  }
0xc5: {  	v35, v36, _ =	vpop (xrf1)  }
0xc6: {  	v37, v38, _ =	vpop (xrf1)  }
0xc7: {  	v39, v40, _ =	vpop (xrf1)  }
0xc8: {  	v41, v42, _ =	vpop (xrf1)  }
0xc9: {  	v43, v44, _ =	vpop (xrf1)  }
0xca: {  	v39 =	vperm.xlane v39, v19;
	v45, v46, _ =	vpop (xrf1)  }
0xcb: {  	v40 =	vperm.xlane v40, v19;
	v41 =	vperm.xlane v41, v19;
	v58, v48, _ =	vpop (xrf1)  }
0xcc: {  	v42 =	vperm.xlane v42, v19;
	v43 =	vperm.xlane v43, v19;
	v59, v60, _ =	vpop (xrf1)  }
0xcd: {  	v44 =	vperm.xlane v44, v19;
	v45 =	vperm.xlane v45, v19;
	v61, v62, _ =	vpop (xrf1)  }
0xce: {  	v46 =	vperm.xlane v46, v19;
	v47 =	vperm.xlane v58, v19;
	v63, v57, _ =	vpop (xrf1)  }
0xcf: {  	v48 =	vperm.xlane v48, v19;
	v53 =	vperm.xlane v63, v19  }
0xd0: {  	vm9 =	vge.f32 v33, v43;
	v49 =	vperm.xlane v59, v19;
	v54 =	vperm.xlane v57, v19  }
0xd1: {  	v50 =	vperm.xlane v60, v19;
	v51 =	vperm.xlane v61, v19;
	vm3 =	vge.f32 v27, v53  }
0xd2: {  	v52 =	vperm.xlane v62, v19;
	v55 =	vsel vm3, v27, v53;
	v56 =	vsel vm3, v28, v54  }
0xd3: {  	v27 =	vsel vm3, v53, v27;
	v28 =	vsel vm3, v54, v28;
	vm3 =	vge.f32 v24, v51  }
0xd4: {  	vm8 =	vge.f32 v23, v49;
	v53 =	vsel vm3, v24, v51;
	v54 =	vsel vm3, v26, v52  }
0xd5: {  	v24 =	vsel vm3, v51, v24;
	v26 =	vsel vm3, v52, v26;
	v51 =	vsel vm8, v23, v49  }
0xd6: {  	v52 =	vsel vm8, v25, v50;
	v23 =	vsel vm8, v49, v23;
	vm3 =	vge.f32 v29, v47  }
0xd7: {  	v25 =	vsel vm8, v50, v25;
	v49 =	vsel vm3, v29, v47;
	v50 =	vsel vm3, v30, v48  }
0xd8: {  	v29 =	vsel vm3, v47, v29;
	v30 =	vsel vm3, v48, v30;
	vm3 =	vge.f32 v31, v45  }
0xd9: {  	v58 =	vsel vm3, v31, v45;
	v59 =	vsel vm3, v32, v46;
	v31 =	vsel vm3, v45, v31  }
0xda: {  	v32 =	vsel vm3, v46, v32;
	v45 =	vsel vm9, v33, v43;
	v46 =	vsel vm9, v34, v44  }
0xdb: {  	v33 =	vsel vm9, v43, v33;
	vm3 =	vge.f32 v35, v41;
	v34 =	vsel vm9, v44, v34  }
0xdc: {  	v63 =	vsel vm3, v35, v41;
	v60 =	vsel vm3, v36, v42;
	v35 =	vsel vm3, v41, v35  }
0xdd: {  	v36 =	vsel vm3, v42, v36;
	vm3 =	vge.f32 v37, v39;
	vm10 =	vge.f32 v55, v58  }
0xde: {  	v61 =	vsel vm3, v37, v39;
	v62 =	vsel vm3, v38, v40;
	v37 =	vsel vm3, v39, v37  }
0xdf: {  	v38 =	vsel vm3, v40, v38;
	v39 =	vsel vm10, v55, v58;
	v40 =	vsel vm10, v56, v59  }
0xe0: {  	v47 =	vsel vm10, v58, v55;
	vm3 =	vge.f32 v53, v45;
	v48 =	vsel vm10, v59, v56  }
0xe1: {  	vm15 =	vge.f32 v23, v35;
	v55 =	vsel vm3, v53, v45;
	v56 =	vsel vm3, v54, v46  }
0xe2: {  	v45 =	vsel vm3, v45, v53;
	v46 =	vsel vm3, v46, v54;
	vm3 =	vge.f32 v51, v63  }
0xe3: {  	vm11 =	vge.f32 v49, v61;
	v23 =	vsel vm15, v23, v35;
	v25 =	vsel vm15, v25, v36  }
0xe4: {  	vm8 =	vge.f32 v29, v37;
	v53 =	vsel vm3, v51, v63;
	v54 =	vsel vm3, v52, v60  }
0xe5: {  	v43 =	vsel vm3, v63, v51;
	v44 =	vsel vm3, v60, v52;
	v51 =	vsel vm11, v49, v61  }
0xe6: {  	v52 =	vsel vm11, v50, v62;
	v41 =	vsel vm11, v61, v49;
	v42 =	vsel vm11, v62, v50  }
0xe7: {  	vm3 =	vge.f32 v27, v31;
	vm12 =	vge.f32 v39, v53;
	vm13 =	vge.f32 v55, v51  }
0xe8: {  	v29 =	vsel vm8, v29, v37;
	v63 =	vsel vm12, v39, v53;
	v60 =	vsel vm13, v55, v51  }
0xe9: {  	v61 =	vsel vm12, v40, v54;
	v57 =	vsel vm13, v56, v52;
	vm14 =	vge.f32 v63, v60  }
0xea: {  	v30 =	vsel vm8, v30, v38;
	v62 =	vsel vm14, v63, v60;
	v58 =	vsel vm14, v61, v57  }
0xeb: {  	v27 =	vsel vm3, v27, v31;
	v28 =	vsel vm3, v28, v32;
	(xrf1) =	vsort.dscd.msk.f32 $0xffff, v62, v58  }
0xec: {  	vm3 =	vge.f32 v24, v33;
	v31 =	vsel vm14, v60, v63;
	v63 =	vsel vm14, v57, v61  }
0xed: {  	vm9 =	vge.f32 v47, v43;
	v24 =	vsel vm3, v24, v33;
	(xrf1) =	vsort.dscd.msk.f32 $0xffff, v31, v63  }
0xee: {  	v26 =	vsel vm3, v26, v34;
	v53 =	vsel vm12, v53, v39;
	v57 =	vsel vm13, v51, v55  }
0xef: {  	v59 =	vsel vm13, v52, v56;
	v58 =	vsel vm12, v54, v40;
	vm3 =	vge.f32 v53, v57  }
0xf0: {  	vm10 =	vge.f32 v45, v41;
	v60 =	vsel vm3, v53, v57;
	v61 =	vsel vm3, v58, v59  }
0xf1: {  	v49 =	vsel vm10, v45, v41;
	v50 =	vsel vm10, v46, v42;
	(xrf1) =	vsort.dscd.msk.f32 $0xffff, v60, v61  }
0xf2: {  	vm11 =	vge.f32 v27, v23;
	v41 =	vsel vm10, v41, v45;
	v42 =	vsel vm10, v42, v46  }
0xf3: {  	v23 =	vsel vm11, v27, v23;
	v51 =	vsel vm3, v57, v53;
	v52 =	vsel vm3, v59, v58  }
0xf4: {  	v25 =	vsel vm11, v28, v25;
	v62 =	vsel vm9, v47, v43;
	(xrf1) =	vsort.dscd.msk.f32 $0xffff, v51, v52  }
0xf5: {  	v47 =	vsel vm9, v43, v47;
	v63 =	vsel vm9, v48, v44;
	vm3 =	vge.f32 v24, v29  }
0xf6: {  	v48 =	vsel vm9, v44, v48;
	vm12 =	vge.f32 v62, v49;
	v24 =	vsel vm3, v24, v29  }
0xf7: {  	v26 =	vsel vm3, v26, v30;
	v53 =	vsel vm12, v62, v49;
	v56 =	vsel vm12, v63, v50  }
0xf8: {  	v57 =	vsel vm12, v49, v62;
	vm3 =	vge.f32 v47, v41;
	v58 =	vsel vm12, v50, v63  }
0xf9: {  	v33 =	vsel vm3, v47, v41;
	v34 =	vsel vm3, v48, v42;
	v37 =	vsel vm3, v41, v47;
	v54, v55, _ =	vpop (xrf1)  }
0xfa: {  	vm13 =	vge.f32 v23, v24;
	v61 =	vperm.xlane v54, v20;
	v63 =	vperm.xlane v55, v20  }
0xfb: {  	v38 =	vsel vm3, v42, v48;
	v59, v36, _ =	vpop (xrf1);
	v28 =	vperm.xlane v54, v21;
	v29 =	vperm.xlane v55, v21  }
0xfc: {  	v23 =	vsel vm13, v23, v24;
	v60 =	vperm.xlane v59, v3;
	v62 =	vperm.xlane v36, v3  }
0xfd: {  	v24 =	vsel vm13, v25, v26;
	v47 =	vperm.xlane v59, v20;
	v49 =	vperm.xlane v36, v20  }
0xfe: {  	(xrf1) =	vsort.dscd.msk.f32 $0xffff, v53, v56;
	v50 =	vperm.xlane v59, v22;
	v51 =	vperm.xlane v36, v22  }
0xff: {  	vm14 =	veq.f32 v54, $+Inf;
	(xrf1) =	vsort.dscd.msk.f32 $0xffff, v57, v58;
	v27, v30, _ =	vpop (xrf1);
	v35 =	vperm.xlane v59, v21;
	v58 =	vperm.xlane v36, v21  }
0x100: {  	vm15 =	vlt.s32 v55, $0x0;
	v46 =	vperm.xlane v27, v3;
	v48 =	vperm.xlane v30, v3  }
0x101: {  	vm4 =	vmand vm14, vm15;
	v56 =	vperm.xlane v30, v20;
	v57 =	vperm.xlane v27, v22  }
0x102: {  	v32, v39, _ =	vpop (xrf1);
	v44 =	vsel vm1, v61, v60;
	v45 =	vsel vm1, v63, v62;
	v28 =	vsel vm2, v28, v50  }
0x103: {  	v29 =	vsel vm2, v29, v51;
	v53 =	vperm.xlane v32, v3;
	vm3 =	veq.f32 v54, v44  }
0x104: {  	vm8 =	vlt.s32 v55, v45;
	v25 =	vsel vm1, v47, v46;
	v52 =	vsel vm1, v49, v48  }
0x105: {  	vm9 =	veq.f32 v59, v28;
	v54 =	vperm.xlane v27, v20;
	vm10 =	vgt.s32 v29, v36  }
0x106: {  	v61 =	vsel vm2, v35, v57;
	v47 =	vperm.xlane v39, v20;
	v48 =	vperm.xlane v32, v22  }
0x107: {  	v49 =	vperm.xlane v39, v22;
	v26 =	vsel vm8, v55, v45;
	vm11 =	vlt.s32 v36, v52  }
0x108: {  	vm12 =	veq.f32 v27, v61;
	v45 =	vperm.xlane v32, v20;
	v26 =	vsel vm3, v26, v55  }
0x109: {  	vm3 =	veq.f32 v59, v25;
	v55 =	vperm.xlane v39, v3;
	v31 =	vsel vm11, v36, v52  }
0x10a: {  	v59 =	vperm.xlane v30, v22;
	v25 =	vsel vm1, v54, v53;
	v26 =	vsel vm4, $0x0, v26  }
0x10b: {  	(xrf1) =	vsort.dscd.msk.f32 $0xffff, v33, v34;
	vm4 =	vmand vm9, vm10;
	v31 =	vsel vm3, v31, v36;
	vm3 =	veq.f32 v27, v25  }
0x10c: {  	v27 =	vperm.xlane v27, v21;
	v60 =	vsel vm1, v56, v55;
	v62 =	vsel vm2, v58, v59  }
0x10d: {  	v29 =	vsel vm4, v29, v31;
	v55 =	vperm.xlane v39, v21;
	vm14 =	vlt.s32 v30, v60  }
0x10e: {  	vm13 =	vgt.s32 v62, v30;
	v27 =	vsel vm2, v27, v48;
	v28 =	vsel vm14, v30, v60  }
0x10f: {  	vm5 =	vmand vm12, vm13;
	vm15 =	veq.f32 v32, v27;
	v28 =	vsel vm3, v28, v30;
	v63, v36, _ =	vpop (xrf1)  }
0x110: {  	v30 =	vperm.xlane v30, v21;
	v28 =	vsel vm5, v62, v28;
	v44 =	vperm.xlane v63, v3  }
0x111: {  	(xrf1) =	vsort.dscd.msk.f32 $0xffff, v37, v38;
	v46 =	vperm.xlane v36, v3;
	v51 =	vperm.xlane v63, v20  }
0x112: {  	v30 =	vsel vm2, v30, v49;
	v53 =	vperm.xlane v36, v20;
	v54 =	vperm.xlane v63, v22  }
0x113: {  	v33, v34, _ =	vpop (xrf1);
	vm8 =	vgt.s32 v30, v39;
	v56 =	vperm.xlane v36, v22;
	v35 =	vperm.xlane v63, v21  }
0x114: {  	(xrf1) =	vsort.dscd.msk.f32 $0xffff, v23, v24;
	vm4 =	vmand vm15, vm8;
	v23 =	vperm.xlane v33, v3;
	v52 =	vperm.xlane v34, v3  }
0x115: {  	v60 =	vperm.xlane v33, v20;
	v62 =	vperm.xlane v34, v20;
	v25 =	vsel vm1, v45, v44  }
0x116: {  	v50 =	vsel vm1, v47, v46;
	v59 =	vsel vm2, v55, v56;
	v44 =	vperm.xlane v36, v21  }
0x117: {  	v45 =	vperm.xlane v34, v22;
	vm3 =	veq.f32 v32, v25;
	vm9 =	vlt.s32 v39, v50  }
0x118: {  	v32 =	vperm.xlane v32, v21;
	v23 =	vsel vm1, v51, v23;
	v57 =	vsel vm1, v53, v52  }
0x119: {  	vm11 =	vgt.s32 v59, v36;
	v31 =	vsel vm9, v39, v50;
	vm12 =	vlt.s32 v36, v57  }
0x11a: {  	v47 =	vsel vm2, v44, v45;
	v31 =	vsel vm3, v31, v39;
	v58 =	vsel vm2, v32, v54  }
0x11b: {  	v25, v27, _ =	vpop (xrf1);
	vm3 =	veq.f32 v63, v23;
	v24 =	vsel vm12, v36, v57;
	vm14 =	vgt.s32 v47, v34  }
0x11c: {  	v30 =	vsel vm4, v30, v31;
	v23 =	vperm.xlane v25, v3;
	v61 =	vperm.xlane v27, v3  }
0x11d: {  	vm10 =	veq.f32 v63, v58;
	v63 =	vperm.xlane v33, v22;
	v48 =	vperm.xlane v25, v20  }
0x11e: {  	v24 =	vsel vm3, v24, v36;
	v50 =	vperm.xlane v27, v20;
	v51 =	vperm.xlane v25, v22  }
0x11f: {  	v52 =	vperm.xlane v27, v22;
	vm4 =	vmand vm10, vm11;
	v23 =	vsel vm1, v60, v23  }
0x120: {  	v46 =	vsel vm1, v62, v61;
	v35 =	vsel vm2, v35, v63;
	vm3 =	veq.f32 v33, v23  }
0x121: {  	vm13 =	veq.f32 v33, v35;
	vm15 =	vlt.s32 v34, v46;
	v33 =	vperm.xlane v33, v21  }
0x122: {  	v24 =	vsel vm4, v59, v24;
	vm5 =	vmand vm13, vm14;
	v31 =	vsel vm15, v34, v46  }
0x123: {  	v31 =	vsel vm3, v31, v34;
	v34 =	vperm.xlane v34, v21;
	v33 =	vsel vm2, v33, v51;
	v37, v38, _ =	vpop (xrf1)  }
0x124: {  	v31 =	vsel vm5, v47, v31;
	vm9 =	veq.f32 v25, v33;
	v23 =	vperm.xlane v37, v3  }
0x125: {  	v34 =	vsel vm2, v34, v52;
	v49 =	vperm.xlane v38, v3;
	v56 =	vperm.xlane v37, v20  }
0x126: {  	vm10 =	vgt.s32 v34, v27;
	v58 =	vperm.xlane v38, v20;
	v60 =	vperm.xlane v37, v22  }
0x127: {  	v55, v54, _ =	vpop (xrf1);
	v61 =	vperm.xlane v38, v22;
	v23 =	vsel vm1, v48, v23;
	v53 =	vsel vm1, v50, v49  }
0x128: {  	v57 =	vperm.xlane v54, v3;
	vm3 =	veq.f32 v25, v23;
	vm11 =	vlt.s32 v27, v53  }
0x129: {  	[tilespmem:$0x23D0] =	vst v26;
	v23 =	vperm.xlane v55, v3;
	v25 =	vperm.xlane v25, v21;
	v59 =	vsel vm11, v27, v53  }
0x12a: {  	[tilespmem:$0x23E0] =	vst v29;
	v62 =	vsel vm1, v58, v57;
	v26 =	vsel vm3, v59, v27;
	v27 =	vperm.xlane v27, v21  }
0x12b: {  	[tilespmem:$0x23F0] =	vst v28;
	vm4 =	vmand vm9, vm10;
	vm12 =	vlt.s32 v38, v62;
	v23 =	vsel vm1, v56, v23  }
0x12c: {  	[tilespmem:$0x2400] =	vst v30;
	v25 =	vsel vm2, v25, v60;
	vm3 =	veq.f32 v37, v23;
	v27 =	vsel vm2, v27, v61  }
0x12d: {  	[tilespmem:$0x2410] =	vst v24;
	vm13 =	veq.f32 v37, v25;
	v23 =	vsel vm12, v38, v62;
	vm14 =	vgt.s32 v27, v38  }
0x12e: {  	s21 =	sadd.s32 $0x1, s21;
	[tilespmem:$0x2420] =	vst v31;
	v63 =	vsel vm4, v34, v26;
	v23 =	vsel vm3, v23, v38;
	vm15 =	vmand vm13, vm14  }
0x12f: {  	s22 =	sshll.u32 s22, $0x4;
	p0 =	sne.s32 s21, $0x80;
	[tilespmem:$0x2430] =	vst v63;
	v23 =	vsel vm15, v27, v23  }
.Ltmp3:
0x130: {  	s22 =	sadd.s32 s1, s22;
	[tilespmem:$0x2440] =	vst v23;
	(pc) =	sbr.rel @!p0 .LBB2_15-.Ltmp3, $4  }
0x131: {  	[hbm4b:s22+s3] =	stream.linear.scatter [tilespmem:s19], [sflag:$0x2], $0x80, $0x38;
	[tilespmem:$0x2450] =	vst v63  }
0x132: {  	_ =	swait.ge [sflag:s10], $0x80  }
0x133: {  	[sflag:s10] =	ssyncset.done $0x0  }
0x134: {  	[sflag:s10] =	ssyncadd.s32 $0xFFFFFF80  }
.LBB2_2:
0x135: {  	s22 =	sor.u32 s4, s21  }
0x136: {  	s23 =	smul.u32 $0x188, s22;
	_ =	sdelay $0x1  }
0x137: {  	v23 =	vmov s21;
	s24 =	sadd.s32 s6, s23;
	s23 =	simm.s32 $0x0  }
0x138: {  	[tilespmem:s23], [sflag:$0x2] =	stream.linear.gather [hbm4b:s24+s23], $0xC40, $0x38;
	[tilespmem:$0x2450] =	vst v63  }
0x139: {  	s31 =	sshll.u32 s22, $0x2;
	_ =	swait.ge [sflag:s10], $0xC40  }
0x13a: {  	s25 =	sor.u32 $0xC3C003, s31;
	[sflag:s10] =	ssyncset.done $0x0  }
0x13b: {  	v24 =	vmov s25;
	[sflag:s10] =	ssyncadd.s32 $0xFFFFF3C0  }
0x13c: {  	v23 =	vld.idx.msk [tilespmem:v23+s9+$0x0], $0xffff;
	[tilespmem:$0xD40] =	vst v24  }
0x13d: {  	[tilespmem:$0xE90] =	vst v0  }
0x13e: {  	[tilespmem:$0xD50] =	vst v24  }
0x13f: {  	[tilespmem:$0xEA0] =	vst v0  }
0x140: {  	v24 =	vld [tilespmem:s23+$0x0];
	_ =	sdelay $0x3  }
0x141: {  	p0 =	por $0x1, $0x1;
	vm3 =	vmmov vm0  }
0x142: {  	vm3 =	vmneg @p0 vm3;
	vm4 =	vge.f32 v24, v23  }
0x143: {  	vm3 =	vmand vm3, vm4  }
0x144: {  	v24 =	vmpcnt.ones.xlane vm3;
	_ =	sdelay $0x1  }
0x145: {  	(v2sf) =	vpush v24, $0x0;
	_ =	sdelay $0x7  }
0x146: {  	v25 =	vor.u32 s23, v1  }
0x147: {  	v26 =	vshll.u32 v25, $0xC  }
0x148: {  	v26 =	vand.u32 $0xFFC000, v26;
	v24 =	vor.u32 s31, v2  }
0x149: {  	v26 =	vor.u32 v26, v24  }
0x14a: {  	v25 =	vshll.u32 v25, $0x5;
	[tilespmem:s23+$0xCC0] =	vst.msk vm3, v26  }
0x14b: {  	s24 =	simm.s32 $0x10;
	[tilespmem:s23+$0xE10] =	vst.msk vm3, v25  }
0x14c: {  	v25 =	vld [tilespmem:s24+$0x0]  }
0x14d: {  	s26 =	simm.s32 $0x10;
	s25 =	simm.s32 $0x20;
	s28 =	spop (v2sf)  }
.LBB2_3:
0x14e: {  	p0 =	sne.s32 s25, $0xC30  }
0x14f: {  	v26 =	vor.u32 s24, v1;
	s23 =	sadd.s32 s23, s28;
	s24 =	smov.u32 s25;
	s25 =	sadd.s32 $0x10, s25  }
0x150: {  	vm4 =	vmmov vm0;
	p1 =	slt.s32 s23, $0xA0;
	v27 =	vshll.u32 v26, $0xC  }
0x151: {  	vm3 =	vge.f32 v25, v23;
	vm4 =	vmneg @p1 vm4;
	v25 =	vand.u32 $0xFFC000, v27  }
0x152: {  	vm3 =	vmand vm4, vm3;
	v25 =	vor.u32 v25, v24  }
0x153: {  	[tilespmem:s23+$0xCC0] =	vst.msk vm3, v25;
	v25 =	vshll.u32 v26, $0x5;
	v26 =	vmpcnt.ones.xlane vm3  }
0x154: {  	[tilespmem:s23+$0xE10] =	vst.msk vm3, v25  }
0x155: {  	(v2sf) =	vpush v26, $0x0;
	_ =	sdelay $0xa  }
.Ltmp4:
0x156: {  	(pc) =	sbr.rel @p0 .LBB2_3-.Ltmp4, $3  }
0x157: {  	s26 =	sadd.s32 $0x10, s26  }
0x158: {  	v25 =	vld [tilespmem:s26+$0x0];
	_ =	sdelay $0x1  }
0x159: {  	s28 =	spop (v2sf)  }
0x15a: {  	s23 =	sadd.s32 s23, s28  }
0x15b: {  	vm3 =	vmmov vm0;
	p0 =	slt.s32 s23, $0xA0  }
0x15c: {  	vm4 =	vge.f32 v25, v23;
	vm3 =	vmneg @p0 vm3  }
0x15d: {  	vm3 =	vmand vm3, vm4  }
0x15e: {  	v26 =	vor.u32 s24, v1;
	v54 =	vmpcnt.ones.xlane vm3  }
0x15f: {  	v27 =	vshll.u32 v26, $0xC  }
0x160: {  	v53 =	vand.u32 $0xFFC000, v27;
	(v2sf) =	vpush v54, $0x0  }
0x161: {  	v24 =	vor.u32 v53, v24  }
0x162: {  	v55 =	vshll.u32 v26, $0x5;
	[tilespmem:s23+$0xCC0] =	vst.msk vm3, v24  }
0x163: {  	[tilespmem:s23+$0xE10] =	vst.msk vm3, v55  }
0x164: {  	v24 =	vld [tilespmem:$0xCC0]  }
0x165: {  	v56 =	vld [tilespmem:$0xCD0]  }
0x166: {  	v57 =	vld [tilespmem:$0xCE0]  }
0x167: {  	v58 =	vld [tilespmem:$0xCF0]  }
0x168: {  	v28 =	vld [tilespmem:$0xD00]  }
0x169: {  	v59 =	vld [tilespmem:$0xD10];
	[tilespmem:$0xD70] =	vst v24  }
0x16a: {  	v60 =	vld [tilespmem:$0xD20];
	[tilespmem:$0xD80] =	vst v56  }
0x16b: {  	v61 =	vld [tilespmem:$0xD30];
	[tilespmem:$0xD90] =	vst v57  }
0x16c: {  	v62 =	vld [tilespmem:$0xD40];
	[tilespmem:$0xDA0] =	vst v58  }
0x16d: {  	v63 =	vld [tilespmem:$0xD50];
	[tilespmem:$0xDB0] =	vst v28  }
0x16e: {  	[tilespmem:$0xDC0] =	vst v59  }
0x16f: {  	[tilespmem:$0xDD0] =	vst v60;
	s31 =	spop (v2sf)  }
0x170: {  	[tilespmem:$0xDE0] =	vst v61;
	s23 =	sadd.s32 s23, s31  }
0x171: {  	[tilespmem:$0xDF0] =	vst v62;
	p0 =	slt.s32 s23, $0x81  }
.Ltmp5:
0x172: {  	[tilespmem:$0xE00] =	vst v63;
	(pc) =	sbr.rel @p0 .LBB2_8-.Ltmp5, $4  }
0x173: {  	[tilespmem:s13], [sflag:$0x1] =	stream.indirect.gather [hbm4b:s5+s11], $0x20, s12, s11, $0xb8;
	[tilespmem:$0x2450] =	vst v63  }
0x174: {  	_ =	swait.ge [sflag:s14], $0x1000  }
0x175: {  	[sflag:s14] =	ssyncset.done $0x0  }
0x176: {  	[sflag:s14] =	ssyncadd.s32 $0xFFFFF000  }
.Ltmp6:
0x177: {  	(pc) =	sbr.rel .LBB2_6-.Ltmp6, $4  }
0x178: {  	[tilespmem:s17], [sflag:$0x1] =	stream.indirect.gather [hbm4b:s5+s15], $0x20, s16, s15, $0xb8;
	[tilespmem:$0x2450] =	vst v63  }
0x179: {  	_ =	swait.ge [sflag:s14], $0x400  }
0x17a: {  	[sflag:s14] =	ssyncset.done $0x0  }
0x17b: {  	[sflag:s14] =	ssyncadd.s32 $0xFFFFFC00  }
.LBB2_8:
0x17c: {  	p0 =	slt.s32 s23, $0x1  }
.Ltmp7:
0x17d: {  	_ = 	snop;
	(pc) =	sbr.rel @p0 .LBB2_9-.Ltmp7, $1  }
0x17e: {  	_ =	sdelay $0x3  }
.LBB2_6:
0x17f: {  	s26 =	smin.u32 s23, $0xA0  }
0x180: {  	p1 =	sne.s32 s26, $0x1  }
.Ltmp8:
0x181: {  	_ = 	snop;
	(pc) =	sbr.rel @!p1 .LBB2_7-.Ltmp8, $3  }
0x182: {  	_ =	sdelay $0x1  }
0x183: {  	s24 =	simm.s32 $0x0;
	s25 =	simm.s32 $0xED0  }
0x184: {  	s23 =	simm.s32 $0x10;
	p0 =	por $0x0, $0x0;
	v24 =	vld [tilespmem:s25+$0xFFFFFFF0];
	s26 =	sadd.s32 $0xFFFFFFFF, s26  }
0x185: {  	_ =	sdelay $0x2  }
0x186: {  	p0 =	por $0x1, $0x1;
	vm3 =	vmmov vm0  }
0x187: {  	vm3 =	vmneg @p0 vm3;
	vm4 =	vge.f32 v24, v23  }
0x188: {  	vm3 =	vmand vm3, vm4  }
0x189: {  	v24 =	vmpcnt.ones.xlane vm3;
	_ =	sdelay $0x1  }
0x18a: {  	(v2sf) =	vpush v24, $0x0;
	_ =	sdelay $0x9  }
0x18b: {  	s28 =	simm.s32 $0x0  }
0x18c: {  	v24 =	vor.u32 s28, v1  }
0x18d: {  	[tilespmem:s24+$0x22C0] =	vst.msk vm3, v24  }
0x18e: {  	v24 =	vld [tilespmem:s25+$0x0];
	_ =	sdelay $0x1  }
0x18f: {  	s31 =	spop (v2sf)  }
0x190: {  	s29 =	sadd.s32 $0x0, s31  }
0x191: {  	vm3 =	vmmov vm0;
	p0 =	slt.s32 s29, $0x100  }
0x192: {  	vm15 =	vge.f32 v24, v23;
	vm3 =	vmneg @p0 vm3  }
0x193: {  	vm3 =	vmand vm15, vm3  }
0x194: {  	v25 =	vmpcnt.ones.xlane vm3;
	_ =	sdelay $0x1  }
0x195: {  	(v2sf) =	vpush v25, $0x0;
	_ =	sdelay $0x7  }
0x196: {  	p1 =	sne.s32 s26, $0x1  }
.Ltmp9:
0x197: {  	_ = 	snop;
	(pc) =	sbr.rel @!p1 .LBB2_11-.Ltmp9, $4  }
0x198: {  	_ = 	snop  }
0x199: {  	v24 =	vor.u32 s23, v1  }
0x19a: {  	s25 =	simm.s32 $0xEF0;
	[tilespmem:s29+$0x22C0] =	vst.msk vm3, v24  }
0x19b: {  	s28 =	sadd.s32 $0xFFFFFFFF, s26;
	s26 =	simm.s32 $0x10;
	p0 =	por $0x1, $0x1;
	v24 =	vld [tilespmem:s25+$0xFFFFFFF0]  }
.LBB2_12:
0x19c: {  	p1 =	sne.s32 s28, $0x1  }
0x19d: {  	s30 =	spop (v2sf)  }
0x19e: {  	s29 =	sadd.s32 s29, s30  }
0x19f: {  	s26 =	sadd.s32 $0x20, s26;
	vm4 =	vmmov vm0;
	p2 =	slt.s32 s29, $0x100  }
0x1a0: {  	s30 =	sadd.s32 $0xFFFFFFF0, s26;
	vm3 =	vge.f32 v24, v23;
	vm4 =	vmneg @p2 vm4  }
0x1a1: {  	v24 =	vor.u32 s30, v1;
	vm3 =	vmand vm4, vm3  }
0x1a2: {  	[tilespmem:s29+$0x22C0] =	vst.msk vm3, v24;
	v24 =	vmpcnt.ones.xlane vm3;
	_ =	sdelay $0x1  }
0x1a3: {  	(v2sf) =	vpush v24, $0x0;
	_ =	sdelay $0xc  }
0x1a4: {  	v24 =	vld [tilespmem:s25+$0x0];
	_ =	sdelay $0x1  }
0x1a5: {  	s30 =	spop (v2sf)  }
0x1a6: {  	s29 =	sadd.s32 s29, s30  }
0x1a7: {  	vm4 =	vmmov vm0;
	p2 =	slt.s32 s29, $0x100  }
0x1a8: {  	vm3 =	vge.f32 v24, v23;
	vm4 =	vmneg @p2 vm4  }
0x1a9: {  	v24 =	vor.u32 s26, v1;
	vm3 =	vmand vm3, vm4  }
0x1aa: {  	[tilespmem:s29+$0x22C0] =	vst.msk vm3, v24;
	v24 =	vmpcnt.ones.xlane vm3;
	_ =	sdelay $0x1  }
0x1ab: {  	(v2sf) =	vpush v24, $0x0;
	_ =	sdelay $0x8  }
.Ltmp10:
0x1ac: {  	(pc) =	sbr.rel @p1 .LBB2_12-.Ltmp10, $3  }
0x1ad: {  	_ =	sdelay $0x1  }
0x1ae: {  	s25 =	sadd.s32 $0x20, s25  }
0x1af: {  	s28 =	sadd.s32 $0xFFFFFFFF, s28;
	v24 =	vld [tilespmem:s25+$0xFFFFFFF0]  }
.LBB2_13:
0x1b0: {  	_ = 	snop  }
0x1b1: {  	s28 =	spop @p0 (v2sf)  }
0x1b2: {  	s28 =	sadd.s32 @p0 s29, s28  }
0x1b3: {  	s24 =	smov.u32 @p0 s28  }
0x1b4: {  	vm3 =	vmmov vm0;
	p1 =	slt.s32 s24, $0x100  }
0x1b5: {  	vm4 =	vge.f32 v24, v23;
	vm3 =	vmneg @p1 vm3  }
0x1b6: {  	vm3 =	vmand vm3, vm4  }
0x1b7: {  	v62 =	vmpcnt.ones.xlane vm3;
	_ =	sdelay $0x1  }
0x1b8: {  	(v2sf) =	vpush v62, $0x0;
	_ =	sdelay $0x7  }
0x1b9: {  	s26 =	sadd.s32 @p0 $0x20, s26  }
0x1ba: {  	s23 =	smov.u32 @p0 s26  }
0x1bb: {  	s26 =	sadd.s32 $0xFFFFFFF0, s23  }
0x1bc: {  	v63 =	vor.u32 s26, v1  }
0x1bd: {  	[tilespmem:s24+$0x22C0] =	vst.msk vm3, v63  }
0x1be: {  	v24 =	vld [tilespmem:s25+$0x0];
	_ =	sdelay $0x1  }
0x1bf: {  	s30 =	spop (v2sf)  }
0x1c0: {  	s24 =	sadd.s32 s24, s30  }
0x1c1: {  	vm3 =	vmmov vm0;
	p0 =	slt.s32 s24, $0x100  }
0x1c2: {  	vm15 =	vge.f32 v24, v23;
	vm3 =	vmneg @p0 vm3  }
0x1c3: {  	vm3 =	vmand vm15, vm3  }
0x1c4: {  	v23 =	vmpcnt.ones.xlane vm3;
	_ =	sdelay $0x1  }
0x1c5: {  	(v2sf) =	vpush v23, $0x0;
	_ =	sdelay $0xb  }
.Ltmp11:
0x1c6: {  	_ = 	snop;
	(pc) =	sbr.rel .LBB2_14-.Ltmp11, $3  }
0x1c7: {  	_ =	sdelay $0x1  }
0x1c8: {  	v23 =	vor.u32 s23, v1;
	s31 =	spop (v2sf)  }
0x1c9: {  	[tilespmem:s24+$0x22C0] =	vst.msk vm3, v23;
	s23 =	sadd.s32 s24, s31  }
.LBB2_7:
.Ltmp12:
0x1ca: {  	(pc) =	sbr.rel .LBB2_13-.Ltmp12, $2  }
0x1cb: {  	_ =	sdelay $0x2  }
0x1cc: {  	s26 =	simm.s32 $0x10  }
.LBB2_11:
.Ltmp13:
0x1cd: {  	(pc) =	sbr.rel .LBB2_13-.Ltmp13, $2  }
0x1ce: {  	_ =	sdelay $0x2  }
0x1cf: {  	s26 =	simm.s32 $0x10  }
.LBB2_16:
0x1d0: {  	_ =	sfence.sel $0x180000  }
0x1d1: {  	[bflag:$0x0] =	sbarrier.arrive $0xFFFF  }
0x1d2: {  	p0 =	sne.s32 s2, $0x0;
	_ =	strace $0x90000047  }
0x1d3: {  	s0 =	sadd.s32 @!p0 $0x100000, s0;
	[bflag:$0x2] =	sbarrier.arrive $0xFFFF  }
0x1d4: {  	[sflag:s0] =	ssyncadd.tile.s32 @!p0 $0x1;
	_ =	shalt  }
.Lfunc_end2:
_tile_overlayer_lowered:
.L_overlay_start_2:
0x1d5: {  	(tag) =	ssettag $0x2  }
0x1d6: {  	s0 =	rddreg [dreg:$0x0];
	s2 =	stileid.u32  }
0x1d7: {  	s1 =	rddreg [dreg:$0x1];
	p0 =	sne.s32 s2, $0x0  }
0x1d8: {  	s3 =	rddreg [dreg:$0x2];
	[bflag:$0x3] =	sbarrier.arrive $0xFFFF;
	s2 =	simm.s32 @!p0 $0x1C02  }
0x1d9: {  	[timem:s3], [sflag:s2] =	dma.local @!p0 [hbm:s0], s1  }
0x1da: {  	s0 =	simm.s32 @!p0 $0x2  }
0x1db: {  	_ =	swait.ge @!p0 [sflag:s0], s1  }
0x1dc: {  	s1 =	ssub.s32 @!p0 $0x0, s1;
	[sflag:s0] =	ssyncset.done @!p0 $0x0  }
0x1dd: {  	[sflag:s0] =	ssyncadd.s32 @!p0 s1  }
0x1de: {  	[bflag:$0x3] =	sbarrier.arrive $0xFFFF  }
0x1df: {  	_ =	shalt  }

</sc_bundles>
